<compile_context>
chip_gen: v7x
topology: tpu7x:2x2x1
jax: 0.10.2.dev20260603
libtpu: 0.0.44.dev20260713+nightly
codegen_flags: <defaults>
</compile_context>

<pallas_src>
import functools

import jax
import jax.numpy as jnp
from jax import lax
from jax.experimental import pallas as pl
from jax.experimental.pallas import tpu as pltpu
from jax.experimental.pallas import tpu_sc as plsc

B, N, NPOINT, K = 4, 8192, 2048, 32
IN_CH, OUT_CH = 128, 256
PART, RADIUS = 5, 2.0
G = PART * PART + 1
GU = 20
P = B * NPOINT
PG = 2
NGRP = P // PG
GW = PG * K
CH = GW // 16
NW = 32
GRP_W = NGRP // NW
XROWS = P // GW
XROW_W = XROWS // NW


RB = 4
GB = 4


def _sc_kernel_body(tbl, nbrr, lcx, lcy, lcz, didx, xyztbl,
                    feat, nxyz,
                    didx_v, nbr_v, sbin_v,
                    lcx_v, lcy_v, lcz_v, rows_v, zero_v,
                    grid_sh, sem, gsem, zsem, osem):
    cid = lax.axis_index("c")
    sid = lax.axis_index("s")
    wid = cid * 16 + sid
    bn = (wid // (NW // B)) * N
    iota = lax.iota(jnp.int32, 16)

    pltpu.sync_copy(didx.at[pl.ds(wid * XROW_W, XROW_W)], didx_v)
    for r in range(XROW_W):
        row = wid * XROW_W + r
        for c in range(GW // 16):
            sl = pl.ds(c * 16, 16)
            didx_v[r, sl] = didx_v[r, sl] + bn
        pltpu.async_copy(xyztbl.at[didx_v.at[r]], rows_v.at[0], sem).wait()
        pltpu.sync_copy(rows_v.at[0], nxyz.at[row])

    g0 = wid * GRP_W
    pltpu.sync_copy(nbrr.at[pl.ds(g0, GRP_W)], nbr_v)
    pltpu.sync_copy(lcx.at[pl.ds(g0, GRP_W)], lcx_v)
    pltpu.sync_copy(lcy.at[pl.ds(g0, GRP_W)], lcy_v)
    pltpu.sync_copy(lcz.at[pl.ds(g0, GRP_W)], lcz_v)

    zv = jnp.zeros((16,), jnp.float32)

    def _zero_body(i, _):
        for c in range(8):
            zero_v[i, pl.ds(c * 16, 16)] = zv
        return 0

    lax.fori_loop(0, PG * GU, _zero_body, 0)

    def _idx_body(g, _):
        for c in range(CH):
            sl = pl.ds(c * 16, 16)
            nbr_v[g, sl] = nbr_v[g, sl] + bn
            x = lcx_v[g, sl]
            y = lcy_v[g, sl]
            fx = (x + RADIUS) / (2.0 * RADIUS) * (PART - 1 - 0.01)
            fy = (y + RADIUS) / (2.0 * RADIUS) * (PART - 1 - 0.01)
            bidx = fx.astype(jnp.int32) * PART + fy.astype(jnp.int32) + 1
            filt = ((x * x > RADIUS * RADIUS) |
                    (y * y > RADIUS * RADIUS))
            sbin_v[g, sl] = jnp.where(filt, 0, bidx) + (c // 2) * GU
        return 0

    lax.fori_loop(0, GRP_W, _idx_body, 0)

    for r in range(GB):
        pltpu.async_copy(zero_v, grid_sh.at[sid, r], zsem.at[r])
    pltpu.async_copy(tbl.at[nbr_v.at[0]], rows_v.at[0], gsem.at[0])

    def _quad_body(go, _):
        for rr in range(GB):
            g = go * GB + rr
            rb = rr % RB
            rowbuf = rows_v.at[rb]
            pltpu.make_async_copy(tbl.at[nbr_v.at[g]], rowbuf,
                                  gsem.at[rb]).wait()

            @pl.when(g + 1 < GRP_W)
            def _():
                nb = (rr + 1) % RB
                pltpu.async_copy(tbl.at[nbr_v.at[g + 1]], rows_v.at[nb],
                                 gsem.at[nb])

            for c in range(CH):
                sl = pl.ds(c * 16, 16)
                ridx = jnp.full((16,), c * 16, jnp.int32) + iota
                plsc.addupdate_scatter(
                    rowbuf, [ridx, jnp.zeros((16,), jnp.int32)], lcx_v[g, sl])
                plsc.addupdate_scatter(
                    rowbuf, [ridx, jnp.full((16,), 1, jnp.int32)], lcy_v[g, sl])
                plsc.addupdate_scatter(
                    rowbuf, [ridx, jnp.full((16,), 2, jnp.int32)], lcz_v[g, sl])
            pltpu.make_async_copy(zero_v, grid_sh.at[sid, rr],
                                  zsem.at[rr]).wait()
            pltpu.sync_copy(rowbuf, grid_sh.at[sid, rr].at[sbin_v.at[g]],
                            add=True)
            gg = wid * (GRP_W // 4) + go
            pltpu.async_copy(grid_sh.at[sid, rr, pl.ds(0, GU)],
                             feat.at[gg, pl.ds(0, GU), 2 * rr], osem.at[rr])
            pltpu.async_copy(grid_sh.at[sid, rr, pl.ds(GU, GU)],
                             feat.at[gg, pl.ds(0, GU), 2 * rr + 1],
                             osem.at[rr])

            @pl.when((g >= 2) & (g + 2 < GRP_W))
            def _():
                rn = (rr + 2) % GB
                ggp = wid * (GRP_W // 4) + (g - 2) // 4
                pltpu.make_async_copy(grid_sh.at[sid, rn, pl.ds(0, GU)],
                                      feat.at[ggp, pl.ds(0, GU), 2 * rn],
                                      osem.at[rn]).wait()
                pltpu.make_async_copy(grid_sh.at[sid, rn, pl.ds(GU, GU)],
                                      feat.at[ggp, pl.ds(0, GU), 2 * rn + 1],
                                      osem.at[rn]).wait()
                pltpu.async_copy(zero_v, grid_sh.at[sid, rn], zsem.at[rn])
        return 0

    lax.fori_loop(0, GRP_W // GB, _quad_body, 0)
    gg_last = wid * (GRP_W // 4) + (GRP_W // 4) - 1
    for r in range(GB):
        pltpu.make_async_copy(grid_sh.at[sid, r, pl.ds(0, GU)],
                              feat.at[gg_last, pl.ds(0, GU), 2 * r],
                              osem.at[r]).wait()
        pltpu.make_async_copy(grid_sh.at[sid, r, pl.ds(GU, GU)],
                              feat.at[gg_last, pl.ds(0, GU), 2 * r + 1],
                              osem.at[r]).wait()


def _sc_build_feat(tbl, nbrr, lcx, lcy, lcz, didx, xyztbl):
    mesh = plsc.VectorSubcoreMesh(core_axis_name="c", subcore_axis_name="s")
    return pl.kernel(
        _sc_kernel_body,
        out_type=(
            jax.ShapeDtypeStruct((P // 8, GU, 8, IN_CH), jnp.float32),
            jax.ShapeDtypeStruct((XROWS, GW, 128), jnp.float32),
        ),
        mesh=mesh,
        compiler_params=pltpu.CompilerParams(needs_layout_passes=False,
                                             use_tc_tiling_on_sc=False),
        scratch_types=(
            pltpu.VMEM((XROW_W, GW), jnp.int32),
            pltpu.VMEM((GRP_W, GW), jnp.int32),
            pltpu.VMEM((GRP_W, GW), jnp.int32),
            pltpu.VMEM((GRP_W, GW), jnp.float32),
            pltpu.VMEM((GRP_W, GW), jnp.float32),
            pltpu.VMEM((GRP_W, GW), jnp.float32),
            pltpu.VMEM((RB, GW, IN_CH), jnp.float32),
            pltpu.VMEM((PG * GU, IN_CH), jnp.float32),
            pltpu.VMEM_SHARED((16, GB, PG * GU, IN_CH), jnp.float32),
            pltpu.SemaphoreType.DMA,
            pltpu.SemaphoreType.DMA((RB,)),
            pltpu.SemaphoreType.DMA((GB,)),
            pltpu.SemaphoreType.DMA((GB,)),
        ),
    )(tbl, nbrr, lcx, lcy, lcz, didx, xyztbl)


ROWS_BLK = 512


def _tc_matmul_body(feat_ref, wv_ref, wg_ref, bias_ref, out_ref):
    wv = wv_ref[...]
    nrm2 = jnp.sum(wv * wv, axis=1, keepdims=True)
    scale = wg_ref[...] * lax.rsqrt(nrm2)
    wvs = wv[:, : GU * IN_CH] * scale
    acc = lax.dot_general(
        feat_ref[...].astype(jnp.bfloat16), wvs.astype(jnp.bfloat16),
        (((1,), (1,)), ((), ())),
        preferred_element_type=jnp.float32)
    out_ref[...] = jnp.maximum(acc + bias_ref[...], 0.0)


def _tc_matmul(feat2d, weight_v, weight_g, bias_row):
    grid = (P // ROWS_BLK,)
    return pl.pallas_call(
        _tc_matmul_body,
        grid=grid,
        in_specs=[
            pl.BlockSpec((ROWS_BLK, GU * IN_CH), lambda i: (i, 0)),
            pl.BlockSpec((OUT_CH, G * IN_CH), lambda i: (0, 0)),
            pl.BlockSpec((OUT_CH, 1), lambda i: (0, 0)),
            pl.BlockSpec((1, OUT_CH), lambda i: (0, 0)),
        ],
        out_specs=pl.BlockSpec((ROWS_BLK, OUT_CH), lambda i: (i, 0)),
        out_shape=jax.ShapeDtypeStruct((P, OUT_CH), jnp.float32),
    )(feat2d, weight_v, weight_g, bias_row)


def kernel(xyz, points, local_coordinates, neighbor_lists, parameter_list,
           data_idx, weight_v, weight_g, bias):
    del parameter_list
    pts = points.astype(jnp.float32).reshape(B * N, IN_CH - 3)
    tbl = jnp.pad(pts, ((0, 0), (3, 0)))
    nbrr = neighbor_lists.astype(jnp.int32).reshape(NGRP, GW)
    lc = local_coordinates.astype(jnp.float32)
    lcx = lc[..., 0].reshape(NGRP, GW)
    lcy = lc[..., 1].reshape(NGRP, GW)
    lcz = lc[..., 2].reshape(NGRP, GW)
    didx = data_idx.astype(jnp.int32).reshape(XROWS, GW)
    xyztbl = jnp.pad(xyz.astype(jnp.float32).reshape(B * N, 3),
                     ((0, 0), (0, 125)))

    feat, nxyz = _sc_build_feat(tbl, nbrr, lcx, lcy, lcz, didx, xyztbl)

    out = _tc_matmul(feat.transpose(0, 2, 1, 3).reshape(P, GU * IN_CH),
                     weight_v.astype(jnp.float32),
                     weight_g.astype(jnp.float32).reshape(OUT_CH, 1),
                     bias.astype(jnp.float32).reshape(1, OUT_CH))

    new_xyz = nxyz.reshape(P, 128)[:, :3].reshape(B, NPOINT, 3)
    return new_xyz, out.reshape(B, NPOINT, OUT_CH)

# --- scband reference (transcript-rebuilt; emitter-appended) ---
"""Pipeline reference for scband-surface-rotate-conv-16088947491407 (READ-ONLY COPY).

The authoritative reference and input builder live on the scoring server;
editing this copy changes nothing except your own understanding.
"""

import jax, jax.numpy as jnp
import numpy as np

B, N, NPOINT, K = 4, 8192, 2048, 32
IN_CH, OUT_CH = 128, 256
PART = 5
RADIUS = 2.0
G = PART * PART + 1


def setup_inputs(seed: int = 0):
    key = jax.random.key(seed)
    ks = jax.random.split(key, 8)
    xyz = jax.random.normal(ks[0], (B, N, 3), dtype=jnp.float32)
    points = jax.random.normal(ks[1], (B, N, IN_CH - 3), dtype=jnp.float32)
    local_coordinates = jax.random.normal(ks[2], (B, NPOINT, K, 3), dtype=jnp.float32)
    neighbor_lists = jax.random.randint(ks[3], (B, NPOINT, K), 0, N)
    parameter_list = jnp.zeros((1,), dtype=jnp.float32)
    data_idx = jax.random.randint(ks[4], (B, NPOINT), 0, N)
    weight_v = jax.random.normal(ks[5], (OUT_CH, G * IN_CH), dtype=jnp.float32) * 0.02
    weight_g = jnp.ones((OUT_CH, 1), dtype=jnp.float32)
    bias = jnp.zeros((OUT_CH,), dtype=jnp.float32)
    return {"xyz": xyz, "points": points, "local_coordinates": local_coordinates,
            "neighbor_lists": neighbor_lists, "parameter_list": parameter_list,
            "data_idx": data_idx, "weight_v": weight_v, "weight_g": weight_g, "bias": bias}


def _index_points(points, idx):
    # points: [B, N, C]; idx: [B, ...] -> [B, ..., C]
    return jax.vmap(lambda p, i: p[i])(points, idx)


def _get_index(lc, partition_num, radius):
    # lc: [B, Np, K, 3] -> int32 [B, Np, K] in [0, (pn)*(pn+1)+...]
    pn = partition_num - 1
    x = lc[..., 0]
    y = lc[..., 1]
    filt = (x ** 2 > radius ** 2) | (y ** 2 > radius ** 2)
    xi = (x + radius) / (2.0 * radius) * (pn - 0.01)
    yi = (y + radius) / (2.0 * radius) * (pn - 0.01)
    ldx = jnp.floor(xi)
    ldy = jnp.floor(yi)
    idx0 = ldx * (pn + 1) + ldy + 1.0
    idx0 = jnp.where(filt, 0.0, idx0)
    return idx0.astype(jnp.int32)


def _forward(xyz, points, local_coordinates, neighbor_lists, data_idx, weight_v, weight_g, bias):
    Bb = xyz.shape[0]
    new_xyz = _index_points(xyz, data_idx)  # [B, Np, 3]
    grouped_points = _index_points(points, neighbor_lists)  # [B, Np, K, C_pts]
    grouped = jnp.concatenate([local_coordinates, grouped_points], axis=3)  # [B, Np, K, IN_CH]
    index = _get_index(local_coordinates, PART, RADIUS)  # [B, Np, K]
    # scatter-add into per-point grid bins (histogram binning over 2D grid cells)
    grid = jnp.zeros((Bb, NPOINT, G, IN_CH), dtype=grouped.dtype)
    b_idx = jnp.arange(Bb)[:, None, None]
    n_idx = jnp.arange(NPOINT)[None, :, None]
    grid = grid.at[b_idx, n_idx, index].add(grouped)
    feat = grid.reshape(Bb * NPOINT, G * IN_CH)
    # weight-normalized linear (torch weight_norm, dim=0 -> per output row)
    w = weight_g * weight_v / jnp.linalg.norm(weight_v, axis=1, keepdims=True)
    out = feat @ w.T + bias
    out = jax.nn.relu(out).reshape(Bb, NPOINT, OUT_CH)
    return new_xyz, out


def reference(xyz, points, local_coordinates, neighbor_lists, parameter_list, data_idx, weight_v, weight_g, bias):
    return _forward(xyz, points, local_coordinates, neighbor_lists, data_idx, weight_v, weight_g, bias)

if __name__ == "__main__":
    import jax
    _d = setup_inputs()
    print(jax.jit(kernel)(*tuple(_d.values())))

</pallas_src>

<mosaic_0001>
#map = affine_map<(d0, d1) -> (0, 0)>
#map1 = affine_map<(d0, d1) -> (0, 0, 0, 0)>
#map2 = affine_map<(d0, d1) -> (0, 0, 0)>
module attributes {stable_mosaic.version = 14 : i64} {
  func.func @_sc_kernel_body(%arg0: i32, %arg1: i32, %arg2: memref<32768x128xf32, #tpu.memory_space<hbm>>, %arg3: memref<4096x64xi32, #tpu.memory_space<hbm>>, %arg4: memref<4096x64xf32, #tpu.memory_space<hbm>>, %arg5: memref<4096x64xf32, #tpu.memory_space<hbm>>, %arg6: memref<4096x64xf32, #tpu.memory_space<hbm>>, %arg7: memref<128x64xi32, #tpu.memory_space<hbm>>, %arg8: memref<32768x128xf32, #tpu.memory_space<hbm>>, %arg9: memref<1024x20x8x128xf32, #tpu.memory_space<hbm>>, %arg10: memref<128x64x128xf32, #tpu.memory_space<hbm>>, %arg11: memref<4x64xi32, #tpu.memory_space<vmem>>, %arg12: memref<128x64xi32, #tpu.memory_space<vmem>>, %arg13: memref<128x64xi32, #tpu.memory_space<vmem>>, %arg14: memref<128x64xf32, #tpu.memory_space<vmem>>, %arg15: memref<128x64xf32, #tpu.memory_space<vmem>>, %arg16: memref<128x64xf32, #tpu.memory_space<vmem>>, %arg17: memref<4x64x128xf32, #tpu.memory_space<vmem>>, %arg18: memref<40x128xf32, #tpu.memory_space<vmem>>, %arg19: memref<16x4x40x128xf32, #tpu.memory_space<vmem_shared>>, %arg20: memref<!tpu.dma_semaphore, #tpu.memory_space<semaphore_mem>>, %arg21: memref<4x!tpu.dma_semaphore, #tpu.memory_space<semaphore_mem>>, %arg22: memref<4x!tpu.dma_semaphore, #tpu.memory_space<semaphore_mem>>, %arg23: memref<4x!tpu.dma_semaphore, #tpu.memory_space<semaphore_mem>>) attributes {dimension_semantics = [#tpu.dimension_semantics<core_parallel>, #tpu.dimension_semantics<subcore_parallel>], iteration_bounds = array<i64: 2, 16>, scalar_prefetch = 0 : i64, scratch_operands = 13 : i64, tpu.core_type = #tpu.core_type<sc_vector_subcore>, window_params = [{transform_indices = #map}, {transform_indices = #map}, {transform_indices = #map}, {transform_indices = #map}, {transform_indices = #map}, {transform_indices = #map}, {transform_indices = #map}, {transform_indices = #map1}, {transform_indices = #map2}]} {
    %mul3A = arith.constant 16 : i32
    %mul3A_0 = arith.muli %arg0, %mul3A : i32
    %add3A = arith.addi %mul3A_0, %arg1 : i32
    %jit3A = arith.constant 8 : i32
    %div3A = arith.divsi %add3A, %jit3A : i32
    %sign3A = arith.constant 0 : i32
    %sign3A_1 = arith.cmpi sgt, %add3A, %sign3A : i32
    %sign3A_2 = arith.extui %sign3A_1 : i1 to i32
    %sign3A_3 = arith.constant 0 : i32
    %sign3A_4 = arith.cmpi slt, %add3A, %sign3A_3 : i32
    %sign3A_5 = arith.extui %sign3A_4 : i1 to i32
    %sign3A_6 = arith.subi %sign3A_2, %sign3A_5 : i32
    %sign3A_7 = arith.constant 0 : i32
    %sign3A_8 = arith.cmpi sgt, %jit3A, %sign3A_7 : i32
    %sign3A_9 = arith.extui %sign3A_8 : i1 to i32
    %sign3A_10 = arith.constant 0 : i32
    %sign3A_11 = arith.cmpi slt, %jit3A, %sign3A_10 : i32
    %sign3A_12 = arith.extui %sign3A_11 : i1 to i32
    %sign3A_13 = arith.subi %sign3A_9, %sign3A_12 : i32
    %ne3A = arith.cmpi ne, %sign3A_6, %sign3A_13 : i32
    %rem3A = arith.remsi %add3A, %jit3A : i32
    %ne3A_14 = arith.constant 0 : i32
    %ne3A_15 = arith.cmpi ne, %rem3A, %ne3A_14 : i32
    %and3A = arith.andi %ne3A, %ne3A_15 : i1
    %sub3A = arith.constant 1 : i32
    %sub3A_16 = arith.subi %div3A, %sub3A : i32
    %select_n3A = arith.select %and3A, %sub3A_16, %div3A : i32
    %mul3A_17 = arith.constant 8192 : i32
    %mul3A_18 = arith.muli %select_n3A, %mul3A_17 : i32
    %iota3A = tpu.iota {dimensions = array<i32: 0>} : vector<16xi32>
    %mul3A_19 = arith.constant 4 : i32
    %mul3A_20 = arith.muli %add3A, %mul3A_19 : i32
    "tpu.region"() ({
      %run_scoped3A_488 = tpu.sem_alloc : memref<!tpu.dma_semaphore, #tpu.memory_space<semaphore_mem>>
      %dma_start3A_489 = arith.constant 0 : i32
      %dma_start3A_490 = tpu.memref_slice %arg7[%mul3A_20, %dma_start3A_489] : memref<128x64xi32, #tpu.memory_space<hbm>> -> memref<4x64xi32, #tpu.memory_space<hbm>>
      %dma_start3A_491 = arith.constant 0 : i32
      %dma_start3A_492 = tpu.memref_slice %arg7[%mul3A_20, %dma_start3A_491] : memref<128x64xi32, #tpu.memory_space<hbm>> -> memref<4x64xi32, #tpu.memory_space<hbm>>
      tpu.enqueue_dma source(%dma_start3A_492 : memref<4x64xi32, #tpu.memory_space<hbm>>) target(%arg11 : memref<4x64xi32, #tpu.memory_space<vmem>>) target_semaphore(%run_scoped3A_488 : memref<!tpu.dma_semaphore, #tpu.memory_space<semaphore_mem>>)
      %dma_wait3A_493 = arith.constant 0 : i32
      %dma_wait3A_494 = tpu.memref_slice %arg7[%mul3A_20, %dma_wait3A_493] : memref<128x64xi32, #tpu.memory_space<hbm>> -> memref<4x64xi32, #tpu.memory_space<hbm>>
      %dma_wait3A_495 = arith.constant 0 : i32
      %dma_wait3A_496 = tpu.memref_slice %arg7[%mul3A_20, %dma_wait3A_495] : memref<128x64xi32, #tpu.memory_space<hbm>> -> memref<4x64xi32, #tpu.memory_space<hbm>>
      tpu.wait_dma2 semaphore(%run_scoped3A_488 : memref<!tpu.dma_semaphore, #tpu.memory_space<semaphore_mem>>) src(%dma_wait3A_496 : memref<4x64xi32, #tpu.memory_space<hbm>>) dst(%arg11 : memref<4x64xi32, #tpu.memory_space<vmem>>)
      tpu.yield
    }) : () -> ()
    %mul3A_21 = arith.constant 4 : i32
    %mul3A_22 = arith.muli %add3A, %mul3A_21 : i32
    %add3A_23 = arith.constant 0 : i32
    %add3A_24 = arith.addi %mul3A_22, %add3A_23 : i32
    %get3A = arith.constant 0 : i32
    %get3A_25 = arith.index_cast %get3A : i32 to index
    %get3A_26 = arith.constant 0 : index
    %get3A_27 = tpu.vector_load %arg11[%get3A_25, %get3A_26] {strides = array<i32>} : memref<4x64xi32, #tpu.memory_space<vmem>>, vector<16xi32>,
    %add3A_28 = vector.broadcast %mul3A_18 : i32 to vector<16xi32>
    %add3A_29 = arith.addi %get3A_27, %add3A_28 : vector<16xi32>
    %swap3A = arith.constant 0 : i32
    %swap3A_30 = arith.index_cast %swap3A : i32 to index
    %swap3A_31 = arith.constant 0 : index
    %swap3A_32 = tpu.vector_load %arg11[%swap3A_30, %swap3A_31] {strides = array<i32>} : memref<4x64xi32, #tpu.memory_space<vmem>>, vector<16xi32>,
    tpu.vector_store %arg11[%swap3A_30, %swap3A_31], %add3A_29 {strides = array<i32>} : memref<4x64xi32, #tpu.memory_space<vmem>>, vector<16xi32>,
    %get3A_33 = arith.constant 0 : i32
    %get3A_34 = arith.index_cast %get3A_33 : i32 to index
    %get3A_35 = arith.constant 16 : index
    %get3A_36 = tpu.vector_load %arg11[%get3A_34, %get3A_35] {strides = array<i32>} : memref<4x64xi32, #tpu.memory_space<vmem>>, vector<16xi32>,
    %add3A_37 = vector.broadcast %mul3A_18 : i32 to vector<16xi32>
    %add3A_38 = arith.addi %get3A_36, %add3A_37 : vector<16xi32>
    %swap3A_39 = arith.constant 0 : i32
    %swap3A_40 = arith.index_cast %swap3A_39 : i32 to index
    %swap3A_41 = arith.constant 16 : index
    %swap3A_42 = tpu.vector_load %arg11[%swap3A_40, %swap3A_41] {strides = array<i32>} : memref<4x64xi32, #tpu.memory_space<vmem>>, vector<16xi32>,
    tpu.vector_store %arg11[%swap3A_40, %swap3A_41], %add3A_38 {strides = array<i32>} : memref<4x64xi32, #tpu.memory_space<vmem>>, vector<16xi32>,
    %get3A_43 = arith.constant 0 : i32
    %get3A_44 = arith.index_cast %get3A_43 : i32 to index
    %get3A_45 = arith.constant 32 : index
    %get3A_46 = tpu.vector_load %arg11[%get3A_44, %get3A_45] {strides = array<i32>} : memref<4x64xi32, #tpu.memory_space<vmem>>, vector<16xi32>,
    %add3A_47 = vector.broadcast %mul3A_18 : i32 to vector<16xi32>
    %add3A_48 = arith.addi %get3A_46, %add3A_47 : vector<16xi32>
    %swap3A_49 = arith.constant 0 : i32
    %swap3A_50 = arith.index_cast %swap3A_49 : i32 to index
    %swap3A_51 = arith.constant 32 : index
    %swap3A_52 = tpu.vector_load %arg11[%swap3A_50, %swap3A_51] {strides = array<i32>} : memref<4x64xi32, #tpu.memory_space<vmem>>, vector<16xi32>,
    tpu.vector_store %arg11[%swap3A_50, %swap3A_51], %add3A_48 {strides = array<i32>} : memref<4x64xi32, #tpu.memory_space<vmem>>, vector<16xi32>,
    %get3A_53 = arith.constant 0 : i32
    %get3A_54 = arith.index_cast %get3A_53 : i32 to index
    %get3A_55 = arith.constant 48 : index
    %get3A_56 = tpu.vector_load %arg11[%get3A_54, %get3A_55] {strides = array<i32>} : memref<4x64xi32, #tpu.memory_space<vmem>>, vector<16xi32>,
    %add3A_57 = vector.broadcast %mul3A_18 : i32 to vector<16xi32>
    %add3A_58 = arith.addi %get3A_56, %add3A_57 : vector<16xi32>
    %swap3A_59 = arith.constant 0 : i32
    %swap3A_60 = arith.index_cast %swap3A_59 : i32 to index
    %swap3A_61 = arith.constant 48 : index
    %swap3A_62 = tpu.vector_load %arg11[%swap3A_60, %swap3A_61] {strides = array<i32>} : memref<4x64xi32, #tpu.memory_space<vmem>>, vector<16xi32>,
    tpu.vector_store %arg11[%swap3A_60, %swap3A_61], %add3A_58 {strides = array<i32>} : memref<4x64xi32, #tpu.memory_space<vmem>>, vector<16xi32>,
    %dma_start3A = arith.constant 0 : i32
    %dma_start3A_63 = arith.constant 0 : i32
    %dma_start3A_64 = arith.constant 0 : i32
    %dma_start3A_65 = arith.constant 0 : i32
    %dma_start3A_66 = tpu.memref_slice %arg17[%dma_start3A_63, %dma_start3A_64, %dma_start3A_65] : memref<4x64x128xf32, #tpu.memory_space<vmem>> -> memref<1x64x128xf32, #tpu.memory_space<vmem>>
    %dma_start3A_67 = tpu.memref_squeeze %dma_start3A_66 : memref<1x64x128xf32, #tpu.memory_space<vmem>> -> memref<64x128xf32, #tpu.memory_space<vmem>>
    %dma_start3A_68 = arith.constant 0 : i32
    %dma_start3A_69 = tpu.memref_slice %arg11[%dma_start3A, %dma_start3A_68] : memref<4x64xi32, #tpu.memory_space<vmem>> -> memref<1x64xi32, #tpu.memory_space<vmem>>
    %dma_start3A_70 = tpu.memref_squeeze %dma_start3A_69 : memref<1x64xi32, #tpu.memory_space<vmem>> -> memref<64xi32, #tpu.memory_space<vmem>>
    %dma_start3A_71 = arith.constant 0 : i32
    %dma_start3A_72 = arith.constant 0 : i32
    %dma_start3A_73 = tpu.memref_slice %arg8[%dma_start3A_71, %dma_start3A_72] : memref<32768x128xf32, #tpu.memory_space<hbm>> -> memref<32768x128xf32, #tpu.memory_space<hbm>>
    tpu.enqueue_indirect_dma source(%dma_start3A_73 : memref<32768x128xf32, #tpu.memory_space<hbm>>) target(%dma_start3A_67 : memref<64x128xf32, #tpu.memory_space<vmem>>) offsets(%dma_start3A_70 : memref<64xi32, #tpu.memory_space<vmem>>) semaphore(%arg20 : memref<!tpu.dma_semaphore, #tpu.memory_space<semaphore_mem>>)
    %dma_wait3A = arith.constant 0 : i32
    %dma_wait3A_74 = arith.constant 0 : i32
    %dma_wait3A_75 = arith.constant 0 : i32
    %dma_wait3A_76 = arith.constant 0 : i32
    %dma_wait3A_77 = tpu.memref_slice %arg17[%dma_wait3A_74, %dma_wait3A_75, %dma_wait3A_76] : memref<4x64x128xf32, #tpu.memory_space<vmem>> -> memref<1x64x128xf32, #tpu.memory_space<vmem>>
    %dma_wait3A_78 = tpu.memref_squeeze %dma_wait3A_77 : memref<1x64x128xf32, #tpu.memory_space<vmem>> -> memref<64x128xf32, #tpu.memory_space<vmem>>
    %dma_wait3A_79 = arith.constant 0 : i32
    %dma_wait3A_80 = tpu.memref_slice %arg11[%dma_wait3A, %dma_wait3A_79] : memref<4x64xi32, #tpu.memory_space<vmem>> -> memref<1x64xi32, #tpu.memory_space<vmem>>
    %dma_wait3A_81 = tpu.memref_squeeze %dma_wait3A_80 : memref<1x64xi32, #tpu.memory_space<vmem>> -> memref<64xi32, #tpu.memory_space<vmem>>
    %dma_wait3A_82 = arith.constant 0 : i32
    %dma_wait3A_83 = arith.constant 0 : i32
    %dma_wait3A_84 = tpu.memref_slice %arg8[%dma_wait3A_82, %dma_wait3A_83] : memref<32768x128xf32, #tpu.memory_space<hbm>> -> memref<32768x128xf32, #tpu.memory_space<hbm>>
    tpu.wait_indirect_dma semaphore(%arg20 : memref<!tpu.dma_semaphore, #tpu.memory_space<semaphore_mem>>) src(%dma_wait3A_84 : memref<32768x128xf32, #tpu.memory_space<hbm>>) dst(%dma_wait3A_78 : memref<64x128xf32, #tpu.memory_space<vmem>>)
    %run_scoped3A = arith.constant 0 : i32
    "tpu.region"() ({
      %run_scoped3A_488 = tpu.sem_alloc : memref<!tpu.dma_semaphore, #tpu.memory_space<semaphore_mem>>
      %dma_start3A_489 = arith.constant 0 : i32
      %dma_start3A_490 = arith.constant 0 : i32
      %dma_start3A_491 = tpu.memref_slice %arg17[%run_scoped3A, %dma_start3A_489, %dma_start3A_490] : memref<4x64x128xf32, #tpu.memory_space<vmem>> -> memref<1x64x128xf32, #tpu.memory_space<vmem>>
      %dma_start3A_492 = tpu.memref_squeeze %dma_start3A_491 : memref<1x64x128xf32, #tpu.memory_space<vmem>> -> memref<64x128xf32, #tpu.memory_space<vmem>>
      %dma_start3A_493 = arith.constant 0 : i32
      %dma_start3A_494 = arith.constant 0 : i32
      %dma_start3A_495 = tpu.memref_slice %arg10[%add3A_24, %dma_start3A_493, %dma_start3A_494] : memref<128x64x128xf32, #tpu.memory_space<hbm>> -> memref<1x64x128xf32, #tpu.memory_space<hbm>>
      %dma_start3A_496 = tpu.memref_squeeze %dma_start3A_495 : memref<1x64x128xf32, #tpu.memory_space<hbm>> -> memref<64x128xf32, #tpu.memory_space<hbm>>
      %dma_start3A_497 = arith.constant 0 : i32
      %dma_start3A_498 = arith.constant 0 : i32
      %dma_start3A_499 = tpu.memref_slice %arg10[%add3A_24, %dma_start3A_497, %dma_start3A_498] : memref<128x64x128xf32, #tpu.memory_space<hbm>> -> memref<1x64x128xf32, #tpu.memory_space<hbm>>
      %dma_start3A_500 = tpu.memref_squeeze %dma_start3A_499 : memref<1x64x128xf32, #tpu.memory_space<hbm>> -> memref<64x128xf32, #tpu.memory_space<hbm>>
      %dma_start3A_501 = arith.constant 0 : i32
      %dma_start3A_502 = arith.constant 0 : i32
      %dma_start3A_503 = tpu.memref_slice %arg17[%run_scoped3A, %dma_start3A_501, %dma_start3A_502] : memref<4x64x128xf32, #tpu.memory_space<vmem>> -> memref<1x64x128xf32, #tpu.memory_space<vmem>>
      %dma_start3A_504 = tpu.memref_squeeze %dma_start3A_503 : memref<1x64x128xf32, #tpu.memory_space<vmem>> -> memref<64x128xf32, #tpu.memory_space<vmem>>
      tpu.enqueue_dma source(%dma_start3A_504 : memref<64x128xf32, #tpu.memory_space<vmem>>) target(%dma_start3A_500 : memref<64x128xf32, #tpu.memory_space<hbm>>) target_semaphore(%run_scoped3A_488 : memref<!tpu.dma_semaphore, #tpu.memory_space<semaphore_mem>>)
      %dma_wait3A_505 = arith.constant 0 : i32
      %dma_wait3A_506 = arith.constant 0 : i32
      %dma_wait3A_507 = tpu.memref_slice %arg17[%run_scoped3A, %dma_wait3A_505, %dma_wait3A_506] : memref<4x64x128xf32, #tpu.memory_space<vmem>> -> memref<1x64x128xf32, #tpu.memory_space<vmem>>
      %dma_wait3A_508 = tpu.memref_squeeze %dma_wait3A_507 : memref<1x64x128xf32, #tpu.memory_space<vmem>> -> memref<64x128xf32, #tpu.memory_space<vmem>>
      %dma_wait3A_509 = arith.constant 0 : i32
      %dma_wait3A_510 = arith.constant 0 : i32
      %dma_wait3A_511 = tpu.memref_slice %arg10[%add3A_24, %dma_wait3A_509, %dma_wait3A_510] : memref<128x64x128xf32, #tpu.memory_space<hbm>> -> memref<1x64x128xf32, #tpu.memory_space<hbm>>
      %dma_wait3A_512 = tpu.memref_squeeze %dma_wait3A_511 : memref<1x64x128xf32, #tpu.memory_space<hbm>> -> memref<64x128xf32, #tpu.memory_space<hbm>>
      %dma_wait3A_513 = arith.constant 0 : i32
      %dma_wait3A_514 = arith.constant 0 : i32
      %dma_wait3A_515 = tpu.memref_slice %arg10[%add3A_24, %dma_wait3A_513, %dma_wait3A_514] : memref<128x64x128xf32, #tpu.memory_space<hbm>> -> memref<1x64x128xf32, #tpu.memory_space<hbm>>
      %dma_wait3A_516 = tpu.memref_squeeze %dma_wait3A_515 : memref<1x64x128xf32, #tpu.memory_space<hbm>> -> memref<64x128xf32, #tpu.memory_space<hbm>>
      %dma_wait3A_517 = arith.constant 0 : i32
      %dma_wait3A_518 = arith.constant 0 : i32
      %dma_wait3A_519 = tpu.memref_slice %arg17[%run_scoped3A, %dma_wait3A_517, %dma_wait3A_518] : memref<4x64x128xf32, #tpu.memory_space<vmem>> -> memref<1x64x128xf32, #tpu.memory_space<vmem>>
      %dma_wait3A_520 = tpu.memref_squeeze %dma_wait3A_519 : memref<1x64x128xf32, #tpu.memory_space<vmem>> -> memref<64x128xf32, #tpu.memory_space<vmem>>
      tpu.wait_dma2 semaphore(%run_scoped3A_488 : memref<!tpu.dma_semaphore, #tpu.memory_space<semaphore_mem>>) src(%dma_wait3A_520 : memref<64x128xf32, #tpu.memory_space<vmem>>) dst(%dma_wait3A_516 : memref<64x128xf32, #tpu.memory_space<hbm>>)
      tpu.yield
    }) : () -> ()
    %mul3A_85 = arith.constant 4 : i32
    %mul3A_86 = arith.muli %add3A, %mul3A_85 : i32
    %add3A_87 = arith.constant 1 : i32
    %add3A_88 = arith.addi %mul3A_86, %add3A_87 : i32
    %get3A_89 = arith.constant 1 : i32
    %get3A_90 = arith.index_cast %get3A_89 : i32 to index
    %get3A_91 = arith.constant 0 : index
    %get3A_92 = tpu.vector_load %arg11[%get3A_90, %get3A_91] {strides = array<i32>} : memref<4x64xi32, #tpu.memory_space<vmem>>, vector<16xi32>,
    %add3A_93 = vector.broadcast %mul3A_18 : i32 to vector<16xi32>
    %add3A_94 = arith.addi %get3A_92, %add3A_93 : vector<16xi32>
    %swap3A_95 = arith.constant 1 : i32
    %swap3A_96 = arith.index_cast %swap3A_95 : i32 to index
    %swap3A_97 = arith.constant 0 : index
    %swap3A_98 = tpu.vector_load %arg11[%swap3A_96, %swap3A_97] {strides = array<i32>} : memref<4x64xi32, #tpu.memory_space<vmem>>, vector<16xi32>,
    tpu.vector_store %arg11[%swap3A_96, %swap3A_97], %add3A_94 {strides = array<i32>} : memref<4x64xi32, #tpu.memory_space<vmem>>, vector<16xi32>,
    %get3A_99 = arith.constant 1 : i32
    %get3A_100 = arith.index_cast %get3A_99 : i32 to index
    %get3A_101 = arith.constant 16 : index
    %get3A_102 = tpu.vector_load %arg11[%get3A_100, %get3A_101] {strides = array<i32>} : memref<4x64xi32, #tpu.memory_space<vmem>>, vector<16xi32>,
    %add3A_103 = vector.broadcast %mul3A_18 : i32 to vector<16xi32>
    %add3A_104 = arith.addi %get3A_102, %add3A_103 : vector<16xi32>
    %swap3A_105 = arith.constant 1 : i32
    %swap3A_106 = arith.index_cast %swap3A_105 : i32 to index
    %swap3A_107 = arith.constant 16 : index
    %swap3A_108 = tpu.vector_load %arg11[%swap3A_106, %swap3A_107] {strides = array<i32>} : memref<4x64xi32, #tpu.memory_space<vmem>>, vector<16xi32>,
    tpu.vector_store %arg11[%swap3A_106, %swap3A_107], %add3A_104 {strides = array<i32>} : memref<4x64xi32, #tpu.memory_space<vmem>>, vector<16xi32>,
    %get3A_109 = arith.constant 1 : i32
    %get3A_110 = arith.index_cast %get3A_109 : i32 to index
    %get3A_111 = arith.constant 32 : index
    %get3A_112 = tpu.vector_load %arg11[%get3A_110, %get3A_111] {strides = array<i32>} : memref<4x64xi32, #tpu.memory_space<vmem>>, vector<16xi32>,
    %add3A_113 = vector.broadcast %mul3A_18 : i32 to vector<16xi32>
    %add3A_114 = arith.addi %get3A_112, %add3A_113 : vector<16xi32>
    %swap3A_115 = arith.constant 1 : i32
    %swap3A_116 = arith.index_cast %swap3A_115 : i32 to index
    %swap3A_117 = arith.constant 32 : index
    %swap3A_118 = tpu.vector_load %arg11[%swap3A_116, %swap3A_117] {strides = array<i32>} : memref<4x64xi32, #tpu.memory_space<vmem>>, vector<16xi32>,
    tpu.vector_store %arg11[%swap3A_116, %swap3A_117], %add3A_114 {strides = array<i32>} : memref<4x64xi32, #tpu.memory_space<vmem>>, vector<16xi32>,
    %get3A_119 = arith.constant 1 : i32
    %get3A_120 = arith.index_cast %get3A_119 : i32 to index
    %get3A_121 = arith.constant 48 : index
    %get3A_122 = tpu.vector_load %arg11[%get3A_120, %get3A_121] {strides = array<i32>} : memref<4x64xi32, #tpu.memory_space<vmem>>, vector<16xi32>,
    %add3A_123 = vector.broadcast %mul3A_18 : i32 to vector<16xi32>
    %add3A_124 = arith.addi %get3A_122, %add3A_123 : vector<16xi32>
    %swap3A_125 = arith.constant 1 : i32
    %swap3A_126 = arith.index_cast %swap3A_125 : i32 to index
    %swap3A_127 = arith.constant 48 : index
    %swap3A_128 = tpu.vector_load %arg11[%swap3A_126, %swap3A_127] {strides = array<i32>} : memref<4x64xi32, #tpu.memory_space<vmem>>, vector<16xi32>,
    tpu.vector_store %arg11[%swap3A_126, %swap3A_127], %add3A_124 {strides = array<i32>} : memref<4x64xi32, #tpu.memory_space<vmem>>, vector<16xi32>,
    %dma_start3A_129 = arith.constant 1 : i32
    %dma_start3A_130 = arith.constant 0 : i32
    %dma_start3A_131 = arith.constant 0 : i32
    %dma_start3A_132 = arith.constant 0 : i32
    %dma_start3A_133 = tpu.memref_slice %arg17[%dma_start3A_130, %dma_start3A_131, %dma_start3A_132] : memref<4x64x128xf32, #tpu.memory_space<vmem>> -> memref<1x64x128xf32, #tpu.memory_space<vmem>>
    %dma_start3A_134 = tpu.memref_squeeze %dma_start3A_133 : memref<1x64x128xf32, #tpu.memory_space<vmem>> -> memref<64x128xf32, #tpu.memory_space<vmem>>
    %dma_start3A_135 = arith.constant 0 : i32
    %dma_start3A_136 = tpu.memref_slice %arg11[%dma_start3A_129, %dma_start3A_135] : memref<4x64xi32, #tpu.memory_space<vmem>> -> memref<1x64xi32, #tpu.memory_space<vmem>>
    %dma_start3A_137 = tpu.memref_squeeze %dma_start3A_136 : memref<1x64xi32, #tpu.memory_space<vmem>> -> memref<64xi32, #tpu.memory_space<vmem>>
    %dma_start3A_138 = arith.constant 0 : i32
    %dma_start3A_139 = arith.constant 0 : i32
    %dma_start3A_140 = tpu.memref_slice %arg8[%dma_start3A_138, %dma_start3A_139] : memref<32768x128xf32, #tpu.memory_space<hbm>> -> memref<32768x128xf32, #tpu.memory_space<hbm>>
    tpu.enqueue_indirect_dma source(%dma_start3A_140 : memref<32768x128xf32, #tpu.memory_space<hbm>>) target(%dma_start3A_134 : memref<64x128xf32, #tpu.memory_space<vmem>>) offsets(%dma_start3A_137 : memref<64xi32, #tpu.memory_space<vmem>>) semaphore(%arg20 : memref<!tpu.dma_semaphore, #tpu.memory_space<semaphore_mem>>)
    %dma_wait3A_141 = arith.constant 1 : i32
    %dma_wait3A_142 = arith.constant 0 : i32
    %dma_wait3A_143 = arith.constant 0 : i32
    %dma_wait3A_144 = arith.constant 0 : i32
    %dma_wait3A_145 = tpu.memref_slice %arg17[%dma_wait3A_142, %dma_wait3A_143, %dma_wait3A_144] : memref<4x64x128xf32, #tpu.memory_space<vmem>> -> memref<1x64x128xf32, #tpu.memory_space<vmem>>
    %dma_wait3A_146 = tpu.memref_squeeze %dma_wait3A_145 : memref<1x64x128xf32, #tpu.memory_space<vmem>> -> memref<64x128xf32, #tpu.memory_space<vmem>>
    %dma_wait3A_147 = arith.constant 0 : i32
    %dma_wait3A_148 = tpu.memref_slice %arg11[%dma_wait3A_141, %dma_wait3A_147] : memref<4x64xi32, #tpu.memory_space<vmem>> -> memref<1x64xi32, #tpu.memory_space<vmem>>
    %dma_wait3A_149 = tpu.memref_squeeze %dma_wait3A_148 : memref<1x64xi32, #tpu.memory_space<vmem>> -> memref<64xi32, #tpu.memory_space<vmem>>
    %dma_wait3A_150 = arith.constant 0 : i32
    %dma_wait3A_151 = arith.constant 0 : i32
    %dma_wait3A_152 = tpu.memref_slice %arg8[%dma_wait3A_150, %dma_wait3A_151] : memref<32768x128xf32, #tpu.memory_space<hbm>> -> memref<32768x128xf32, #tpu.memory_space<hbm>>
    tpu.wait_indirect_dma semaphore(%arg20 : memref<!tpu.dma_semaphore, #tpu.memory_space<semaphore_mem>>) src(%dma_wait3A_152 : memref<32768x128xf32, #tpu.memory_space<hbm>>) dst(%dma_wait3A_146 : memref<64x128xf32, #tpu.memory_space<vmem>>)
    %run_scoped3A_153 = arith.constant 0 : i32
    "tpu.region"() ({
      %run_scoped3A_488 = tpu.sem_alloc : memref<!tpu.dma_semaphore, #tpu.memory_space<semaphore_mem>>
      %dma_start3A_489 = arith.constant 0 : i32
      %dma_start3A_490 = arith.constant 0 : i32
      %dma_start3A_491 = tpu.memref_slice %arg17[%run_scoped3A_153, %dma_start3A_489, %dma_start3A_490] : memref<4x64x128xf32, #tpu.memory_space<vmem>> -> memref<1x64x128xf32, #tpu.memory_space<vmem>>
      %dma_start3A_492 = tpu.memref_squeeze %dma_start3A_491 : memref<1x64x128xf32, #tpu.memory_space<vmem>> -> memref<64x128xf32, #tpu.memory_space<vmem>>
      %dma_start3A_493 = arith.constant 0 : i32
      %dma_start3A_494 = arith.constant 0 : i32
      %dma_start3A_495 = tpu.memref_slice %arg10[%add3A_88, %dma_start3A_493, %dma_start3A_494] : memref<128x64x128xf32, #tpu.memory_space<hbm>> -> memref<1x64x128xf32, #tpu.memory_space<hbm>>
      %dma_start3A_496 = tpu.memref_squeeze %dma_start3A_495 : memref<1x64x128xf32, #tpu.memory_space<hbm>> -> memref<64x128xf32, #tpu.memory_space<hbm>>
      %dma_start3A_497 = arith.constant 0 : i32
      %dma_start3A_498 = arith.constant 0 : i32
      %dma_start3A_499 = tpu.memref_slice %arg10[%add3A_88, %dma_start3A_497, %dma_start3A_498] : memref<128x64x128xf32, #tpu.memory_space<hbm>> -> memref<1x64x128xf32, #tpu.memory_space<hbm>>
      %dma_start3A_500 = tpu.memref_squeeze %dma_start3A_499 : memref<1x64x128xf32, #tpu.memory_space<hbm>> -> memref<64x128xf32, #tpu.memory_space<hbm>>
      %dma_start3A_501 = arith.constant 0 : i32
      %dma_start3A_502 = arith.constant 0 : i32
      %dma_start3A_503 = tpu.memref_slice %arg17[%run_scoped3A_153, %dma_start3A_501, %dma_start3A_502] : memref<4x64x128xf32, #tpu.memory_space<vmem>> -> memref<1x64x128xf32, #tpu.memory_space<vmem>>
      %dma_start3A_504 = tpu.memref_squeeze %dma_start3A_503 : memref<1x64x128xf32, #tpu.memory_space<vmem>> -> memref<64x128xf32, #tpu.memory_space<vmem>>
      tpu.enqueue_dma source(%dma_start3A_504 : memref<64x128xf32, #tpu.memory_space<vmem>>) target(%dma_start3A_500 : memref<64x128xf32, #tpu.memory_space<hbm>>) target_semaphore(%run_scoped3A_488 : memref<!tpu.dma_semaphore, #tpu.memory_space<semaphore_mem>>)
      %dma_wait3A_505 = arith.constant 0 : i32
      %dma_wait3A_506 = arith.constant 0 : i32
      %dma_wait3A_507 = tpu.memref_slice %arg17[%run_scoped3A_153, %dma_wait3A_505, %dma_wait3A_506] : memref<4x64x128xf32, #tpu.memory_space<vmem>> -> memref<1x64x128xf32, #tpu.memory_space<vmem>>
      %dma_wait3A_508 = tpu.memref_squeeze %dma_wait3A_507 : memref<1x64x128xf32, #tpu.memory_space<vmem>> -> memref<64x128xf32, #tpu.memory_space<vmem>>
      %dma_wait3A_509 = arith.constant 0 : i32
      %dma_wait3A_510 = arith.constant 0 : i32
      %dma_wait3A_511 = tpu.memref_slice %arg10[%add3A_88, %dma_wait3A_509, %dma_wait3A_510] : memref<128x64x128xf32, #tpu.memory_space<hbm>> -> memref<1x64x128xf32, #tpu.memory_space<hbm>>
      %dma_wait3A_512 = tpu.memref_squeeze %dma_wait3A_511 : memref<1x64x128xf32, #tpu.memory_space<hbm>> -> memref<64x128xf32, #tpu.memory_space<hbm>>
      %dma_wait3A_513 = arith.constant 0 : i32
      %dma_wait3A_514 = arith.constant 0 : i32
      %dma_wait3A_515 = tpu.memref_slice %arg10[%add3A_88, %dma_wait3A_513, %dma_wait3A_514] : memref<128x64x128xf32, #tpu.memory_space<hbm>> -> memref<1x64x128xf32, #tpu.memory_space<hbm>>
      %dma_wait3A_516 = tpu.memref_squeeze %dma_wait3A_515 : memref<1x64x128xf32, #tpu.memory_space<hbm>> -> memref<64x128xf32, #tpu.memory_space<hbm>>
      %dma_wait3A_517 = arith.constant 0 : i32
      %dma_wait3A_518 = arith.constant 0 : i32
      %dma_wait3A_519 = tpu.memref_slice %arg17[%run_scoped3A_153, %dma_wait3A_517, %dma_wait3A_518] : memref<4x64x128xf32, #tpu.memory_space<vmem>> -> memref<1x64x128xf32, #tpu.memory_space<vmem>>
      %dma_wait3A_520 = tpu.memref_squeeze %dma_wait3A_519 : memref<1x64x128xf32, #tpu.memory_space<vmem>> -> memref<64x128xf32, #tpu.memory_space<vmem>>
      tpu.wait_dma2 semaphore(%run_scoped3A_488 : memref<!tpu.dma_semaphore, #tpu.memory_space<semaphore_mem>>) src(%dma_wait3A_520 : memref<64x128xf32, #tpu.memory_space<vmem>>) dst(%dma_wait3A_516 : memref<64x128xf32, #tpu.memory_space<hbm>>)
      tpu.yield
    }) : () -> ()
    %mul3A_154 = arith.constant 4 : i32
    %mul3A_155 = arith.muli %add3A, %mul3A_154 : i32
    %add3A_156 = arith.constant 2 : i32
    %add3A_157 = arith.addi %mul3A_155, %add3A_156 : i32
    %get3A_158 = arith.constant 2 : i32
    %get3A_159 = arith.index_cast %get3A_158 : i32 to index
    %get3A_160 = arith.constant 0 : index
    %get3A_161 = tpu.vector_load %arg11[%get3A_159, %get3A_160] {strides = array<i32>} : memref<4x64xi32, #tpu.memory_space<vmem>>, vector<16xi32>,
    %add3A_162 = vector.broadcast %mul3A_18 : i32 to vector<16xi32>
    %add3A_163 = arith.addi %get3A_161, %add3A_162 : vector<16xi32>
    %swap3A_164 = arith.constant 2 : i32
    %swap3A_165 = arith.index_cast %swap3A_164 : i32 to index
    %swap3A_166 = arith.constant 0 : index
    %swap3A_167 = tpu.vector_load %arg11[%swap3A_165, %swap3A_166] {strides = array<i32>} : memref<4x64xi32, #tpu.memory_space<vmem>>, vector<16xi32>,
    tpu.vector_store %arg11[%swap3A_165, %swap3A_166], %add3A_163 {strides = array<i32>} : memref<4x64xi32, #tpu.memory_space<vmem>>, vector<16xi32>,
    %get3A_168 = arith.constant 2 : i32
    %get3A_169 = arith.index_cast %get3A_168 : i32 to index
    %get3A_170 = arith.constant 16 : index
    %get3A_171 = tpu.vector_load %arg11[%get3A_169, %get3A_170] {strides = array<i32>} : memref<4x64xi32, #tpu.memory_space<vmem>>, vector<16xi32>,
    %add3A_172 = vector.broadcast %mul3A_18 : i32 to vector<16xi32>
    %add3A_173 = arith.addi %get3A_171, %add3A_172 : vector<16xi32>
    %swap3A_174 = arith.constant 2 : i32
    %swap3A_175 = arith.index_cast %swap3A_174 : i32 to index
    %swap3A_176 = arith.constant 16 : index
    %swap3A_177 = tpu.vector_load %arg11[%swap3A_175, %swap3A_176] {strides = array<i32>} : memref<4x64xi32, #tpu.memory_space<vmem>>, vector<16xi32>,
    tpu.vector_store %arg11[%swap3A_175, %swap3A_176], %add3A_173 {strides = array<i32>} : memref<4x64xi32, #tpu.memory_space<vmem>>, vector<16xi32>,
    %get3A_178 = arith.constant 2 : i32
    %get3A_179 = arith.index_cast %get3A_178 : i32 to index
    %get3A_180 = arith.constant 32 : index
    %get3A_181 = tpu.vector_load %arg11[%get3A_179, %get3A_180] {strides = array<i32>} : memref<4x64xi32, #tpu.memory_space<vmem>>, vector<16xi32>,
    %add3A_182 = vector.broadcast %mul3A_18 : i32 to vector<16xi32>
    %add3A_183 = arith.addi %get3A_181, %add3A_182 : vector<16xi32>
    %swap3A_184 = arith.constant 2 : i32
    %swap3A_185 = arith.index_cast %swap3A_184 : i32 to index
    %swap3A_186 = arith.constant 32 : index
    %swap3A_187 = tpu.vector_load %arg11[%swap3A_185, %swap3A_186] {strides = array<i32>} : memref<4x64xi32, #tpu.memory_space<vmem>>, vector<16xi32>,
    tpu.vector_store %arg11[%swap3A_185, %swap3A_186], %add3A_183 {strides = array<i32>} : memref<4x64xi32, #tpu.memory_space<vmem>>, vector<16xi32>,
    %get3A_188 = arith.constant 2 : i32
    %get3A_189 = arith.index_cast %get3A_188 : i32 to index
    %get3A_190 = arith.constant 48 : index
    %get3A_191 = tpu.vector_load %arg11[%get3A_189, %get3A_190] {strides = array<i32>} : memref<4x64xi32, #tpu.memory_space<vmem>>, vector<16xi32>,
    %add3A_192 = vector.broadcast %mul3A_18 : i32 to vector<16xi32>
    %add3A_193 = arith.addi %get3A_191, %add3A_192 : vector<16xi32>
    %swap3A_194 = arith.constant 2 : i32
    %swap3A_195 = arith.index_cast %swap3A_194 : i32 to index
    %swap3A_196 = arith.constant 48 : index
    %swap3A_197 = tpu.vector_load %arg11[%swap3A_195, %swap3A_196] {strides = array<i32>} : memref<4x64xi32, #tpu.memory_space<vmem>>, vector<16xi32>,
    tpu.vector_store %arg11[%swap3A_195, %swap3A_196], %add3A_193 {strides = array<i32>} : memref<4x64xi32, #tpu.memory_space<vmem>>, vector<16xi32>,
    %dma_start3A_198 = arith.constant 2 : i32
    %dma_start3A_199 = arith.constant 0 : i32
    %dma_start3A_200 = arith.constant 0 : i32
    %dma_start3A_201 = arith.constant 0 : i32
    %dma_start3A_202 = tpu.memref_slice %arg17[%dma_start3A_199, %dma_start3A_200, %dma_start3A_201] : memref<4x64x128xf32, #tpu.memory_space<vmem>> -> memref<1x64x128xf32, #tpu.memory_space<vmem>>
    %dma_start3A_203 = tpu.memref_squeeze %dma_start3A_202 : memref<1x64x128xf32, #tpu.memory_space<vmem>> -> memref<64x128xf32, #tpu.memory_space<vmem>>
    %dma_start3A_204 = arith.constant 0 : i32
    %dma_start3A_205 = tpu.memref_slice %arg11[%dma_start3A_198, %dma_start3A_204] : memref<4x64xi32, #tpu.memory_space<vmem>> -> memref<1x64xi32, #tpu.memory_space<vmem>>
    %dma_start3A_206 = tpu.memref_squeeze %dma_start3A_205 : memref<1x64xi32, #tpu.memory_space<vmem>> -> memref<64xi32, #tpu.memory_space<vmem>>
    %dma_start3A_207 = arith.constant 0 : i32
    %dma_start3A_208 = arith.constant 0 : i32
    %dma_start3A_209 = tpu.memref_slice %arg8[%dma_start3A_207, %dma_start3A_208] : memref<32768x128xf32, #tpu.memory_space<hbm>> -> memref<32768x128xf32, #tpu.memory_space<hbm>>
    tpu.enqueue_indirect_dma source(%dma_start3A_209 : memref<32768x128xf32, #tpu.memory_space<hbm>>) target(%dma_start3A_203 : memref<64x128xf32, #tpu.memory_space<vmem>>) offsets(%dma_start3A_206 : memref<64xi32, #tpu.memory_space<vmem>>) semaphore(%arg20 : memref<!tpu.dma_semaphore, #tpu.memory_space<semaphore_mem>>)
    %dma_wait3A_210 = arith.constant 2 : i32
    %dma_wait3A_211 = arith.constant 0 : i32
    %dma_wait3A_212 = arith.constant 0 : i32
    %dma_wait3A_213 = arith.constant 0 : i32
    %dma_wait3A_214 = tpu.memref_slice %arg17[%dma_wait3A_211, %dma_wait3A_212, %dma_wait3A_213] : memref<4x64x128xf32, #tpu.memory_space<vmem>> -> memref<1x64x128xf32, #tpu.memory_space<vmem>>
    %dma_wait3A_215 = tpu.memref_squeeze %dma_wait3A_214 : memref<1x64x128xf32, #tpu.memory_space<vmem>> -> memref<64x128xf32, #tpu.memory_space<vmem>>
    %dma_wait3A_216 = arith.constant 0 : i32
    %dma_wait3A_217 = tpu.memref_slice %arg11[%dma_wait3A_210, %dma_wait3A_216] : memref<4x64xi32, #tpu.memory_space<vmem>> -> memref<1x64xi32, #tpu.memory_space<vmem>>
    %dma_wait3A_218 = tpu.memref_squeeze %dma_wait3A_217 : memref<1x64xi32, #tpu.memory_space<vmem>> -> memref<64xi32, #tpu.memory_space<vmem>>
    %dma_wait3A_219 = arith.constant 0 : i32
    %dma_wait3A_220 = arith.constant 0 : i32
    %dma_wait3A_221 = tpu.memref_slice %arg8[%dma_wait3A_219, %dma_wait3A_220] : memref<32768x128xf32, #tpu.memory_space<hbm>> -> memref<32768x128xf32, #tpu.memory_space<hbm>>
    tpu.wait_indirect_dma semaphore(%arg20 : memref<!tpu.dma_semaphore, #tpu.memory_space<semaphore_mem>>) src(%dma_wait3A_221 : memref<32768x128xf32, #tpu.memory_space<hbm>>) dst(%dma_wait3A_215 : memref<64x128xf32, #tpu.memory_space<vmem>>)
    %run_scoped3A_222 = arith.constant 0 : i32
    "tpu.region"() ({
      %run_scoped3A_488 = tpu.sem_alloc : memref<!tpu.dma_semaphore, #tpu.memory_space<semaphore_mem>>
      %dma_start3A_489 = arith.constant 0 : i32
      %dma_start3A_490 = arith.constant 0 : i32
      %dma_start3A_491 = tpu.memref_slice %arg17[%run_scoped3A_222, %dma_start3A_489, %dma_start3A_490] : memref<4x64x128xf32, #tpu.memory_space<vmem>> -> memref<1x64x128xf32, #tpu.memory_space<vmem>>
      %dma_start3A_492 = tpu.memref_squeeze %dma_start3A_491 : memref<1x64x128xf32, #tpu.memory_space<vmem>> -> memref<64x128xf32, #tpu.memory_space<vmem>>
      %dma_start3A_493 = arith.constant 0 : i32
      %dma_start3A_494 = arith.constant 0 : i32
      %dma_start3A_495 = tpu.memref_slice %arg10[%add3A_157, %dma_start3A_493, %dma_start3A_494] : memref<128x64x128xf32, #tpu.memory_space<hbm>> -> memref<1x64x128xf32, #tpu.memory_space<hbm>>
      %dma_start3A_496 = tpu.memref_squeeze %dma_start3A_495 : memref<1x64x128xf32, #tpu.memory_space<hbm>> -> memref<64x128xf32, #tpu.memory_space<hbm>>
      %dma_start3A_497 = arith.constant 0 : i32
      %dma_start3A_498 = arith.constant 0 : i32
      %dma_start3A_499 = tpu.memref_slice %arg10[%add3A_157, %dma_start3A_497, %dma_start3A_498] : memref<128x64x128xf32, #tpu.memory_space<hbm>> -> memref<1x64x128xf32, #tpu.memory_space<hbm>>
      %dma_start3A_500 = tpu.memref_squeeze %dma_start3A_499 : memref<1x64x128xf32, #tpu.memory_space<hbm>> -> memref<64x128xf32, #tpu.memory_space<hbm>>
      %dma_start3A_501 = arith.constant 0 : i32
      %dma_start3A_502 = arith.constant 0 : i32
      %dma_start3A_503 = tpu.memref_slice %arg17[%run_scoped3A_222, %dma_start3A_501, %dma_start3A_502] : memref<4x64x128xf32, #tpu.memory_space<vmem>> -> memref<1x64x128xf32, #tpu.memory_space<vmem>>
      %dma_start3A_504 = tpu.memref_squeeze %dma_start3A_503 : memref<1x64x128xf32, #tpu.memory_space<vmem>> -> memref<64x128xf32, #tpu.memory_space<vmem>>
      tpu.enqueue_dma source(%dma_start3A_504 : memref<64x128xf32, #tpu.memory_space<vmem>>) target(%dma_start3A_500 : memref<64x128xf32, #tpu.memory_space<hbm>>) target_semaphore(%run_scoped3A_488 : memref<!tpu.dma_semaphore, #tpu.memory_space<semaphore_mem>>)
      %dma_wait3A_505 = arith.constant 0 : i32
      %dma_wait3A_506 = arith.constant 0 : i32
      %dma_wait3A_507 = tpu.memref_slice %arg17[%run_scoped3A_222, %dma_wait3A_505, %dma_wait3A_506] : memref<4x64x128xf32, #tpu.memory_space<vmem>> -> memref<1x64x128xf32, #tpu.memory_space<vmem>>
      %dma_wait3A_508 = tpu.memref_squeeze %dma_wait3A_507 : memref<1x64x128xf32, #tpu.memory_space<vmem>> -> memref<64x128xf32, #tpu.memory_space<vmem>>
      %dma_wait3A_509 = arith.constant 0 : i32
      %dma_wait3A_510 = arith.constant 0 : i32
      %dma_wait3A_511 = tpu.memref_slice %arg10[%add3A_157, %dma_wait3A_509, %dma_wait3A_510] : memref<128x64x128xf32, #tpu.memory_space<hbm>> -> memref<1x64x128xf32, #tpu.memory_space<hbm>>
      %dma_wait3A_512 = tpu.memref_squeeze %dma_wait3A_511 : memref<1x64x128xf32, #tpu.memory_space<hbm>> -> memref<64x128xf32, #tpu.memory_space<hbm>>
      %dma_wait3A_513 = arith.constant 0 : i32
      %dma_wait3A_514 = arith.constant 0 : i32
      %dma_wait3A_515 = tpu.memref_slice %arg10[%add3A_157, %dma_wait3A_513, %dma_wait3A_514] : memref<128x64x128xf32, #tpu.memory_space<hbm>> -> memref<1x64x128xf32, #tpu.memory_space<hbm>>
      %dma_wait3A_516 = tpu.memref_squeeze %dma_wait3A_515 : memref<1x64x128xf32, #tpu.memory_space<hbm>> -> memref<64x128xf32, #tpu.memory_space<hbm>>
      %dma_wait3A_517 = arith.constant 0 : i32
      %dma_wait3A_518 = arith.constant 0 : i32
      %dma_wait3A_519 = tpu.memref_slice %arg17[%run_scoped3A_222, %dma_wait3A_517, %dma_wait3A_518] : memref<4x64x128xf32, #tpu.memory_space<vmem>> -> memref<1x64x128xf32, #tpu.memory_space<vmem>>
      %dma_wait3A_520 = tpu.memref_squeeze %dma_wait3A_519 : memref<1x64x128xf32, #tpu.memory_space<vmem>> -> memref<64x128xf32, #tpu.memory_space<vmem>>
      tpu.wait_dma2 semaphore(%run_scoped3A_488 : memref<!tpu.dma_semaphore, #tpu.memory_space<semaphore_mem>>) src(%dma_wait3A_520 : memref<64x128xf32, #tpu.memory_space<vmem>>) dst(%dma_wait3A_516 : memref<64x128xf32, #tpu.memory_space<hbm>>)
      tpu.yield
    }) : () -> ()
    %mul3A_223 = arith.constant 4 : i32
    %mul3A_224 = arith.muli %add3A, %mul3A_223 : i32
    %add3A_225 = arith.constant 3 : i32
    %add3A_226 = arith.addi %mul3A_224, %add3A_225 : i32
    %get3A_227 = arith.constant 3 : i32
    %get3A_228 = arith.index_cast %get3A_227 : i32 to index
    %get3A_229 = arith.constant 0 : index
    %get3A_230 = tpu.vector_load %arg11[%get3A_228, %get3A_229] {strides = array<i32>} : memref<4x64xi32, #tpu.memory_space<vmem>>, vector<16xi32>,
    %add3A_231 = vector.broadcast %mul3A_18 : i32 to vector<16xi32>
    %add3A_232 = arith.addi %get3A_230, %add3A_231 : vector<16xi32>
    %swap3A_233 = arith.constant 3 : i32
    %swap3A_234 = arith.index_cast %swap3A_233 : i32 to index
    %swap3A_235 = arith.constant 0 : index
    %swap3A_236 = tpu.vector_load %arg11[%swap3A_234, %swap3A_235] {strides = array<i32>} : memref<4x64xi32, #tpu.memory_space<vmem>>, vector<16xi32>,
    tpu.vector_store %arg11[%swap3A_234, %swap3A_235], %add3A_232 {strides = array<i32>} : memref<4x64xi32, #tpu.memory_space<vmem>>, vector<16xi32>,
    %get3A_237 = arith.constant 3 : i32
    %get3A_238 = arith.index_cast %get3A_237 : i32 to index
    %get3A_239 = arith.constant 16 : index
    %get3A_240 = tpu.vector_load %arg11[%get3A_238, %get3A_239] {strides = array<i32>} : memref<4x64xi32, #tpu.memory_space<vmem>>, vector<16xi32>,
    %add3A_241 = vector.broadcast %mul3A_18 : i32 to vector<16xi32>
    %add3A_242 = arith.addi %get3A_240, %add3A_241 : vector<16xi32>
    %swap3A_243 = arith.constant 3 : i32
    %swap3A_244 = arith.index_cast %swap3A_243 : i32 to index
    %swap3A_245 = arith.constant 16 : index
    %swap3A_246 = tpu.vector_load %arg11[%swap3A_244, %swap3A_245] {strides = array<i32>} : memref<4x64xi32, #tpu.memory_space<vmem>>, vector<16xi32>,
    tpu.vector_store %arg11[%swap3A_244, %swap3A_245], %add3A_242 {strides = array<i32>} : memref<4x64xi32, #tpu.memory_space<vmem>>, vector<16xi32>,
    %get3A_247 = arith.constant 3 : i32
    %get3A_248 = arith.index_cast %get3A_247 : i32 to index
    %get3A_249 = arith.constant 32 : index
    %get3A_250 = tpu.vector_load %arg11[%get3A_248, %get3A_249] {strides = array<i32>} : memref<4x64xi32, #tpu.memory_space<vmem>>, vector<16xi32>,
    %add3A_251 = vector.broadcast %mul3A_18 : i32 to vector<16xi32>
    %add3A_252 = arith.addi %get3A_250, %add3A_251 : vector<16xi32>
    %swap3A_253 = arith.constant 3 : i32
    %swap3A_254 = arith.index_cast %swap3A_253 : i32 to index
    %swap3A_255 = arith.constant 32 : index
    %swap3A_256 = tpu.vector_load %arg11[%swap3A_254, %swap3A_255] {strides = array<i32>} : memref<4x64xi32, #tpu.memory_space<vmem>>, vector<16xi32>,
    tpu.vector_store %arg11[%swap3A_254, %swap3A_255], %add3A_252 {strides = array<i32>} : memref<4x64xi32, #tpu.memory_space<vmem>>, vector<16xi32>,
    %get3A_257 = arith.constant 3 : i32
    %get3A_258 = arith.index_cast %get3A_257 : i32 to index
    %get3A_259 = arith.constant 48 : index
    %get3A_260 = tpu.vector_load %arg11[%get3A_258, %get3A_259] {strides = array<i32>} : memref<4x64xi32, #tpu.memory_space<vmem>>, vector<16xi32>,
    %add3A_261 = vector.broadcast %mul3A_18 : i32 to vector<16xi32>
    %add3A_262 = arith.addi %get3A_260, %add3A_261 : vector<16xi32>
    %swap3A_263 = arith.constant 3 : i32
    %swap3A_264 = arith.index_cast %swap3A_263 : i32 to index
    %swap3A_265 = arith.constant 48 : index
    %swap3A_266 = tpu.vector_load %arg11[%swap3A_264, %swap3A_265] {strides = array<i32>} : memref<4x64xi32, #tpu.memory_space<vmem>>, vector<16xi32>,
    tpu.vector_store %arg11[%swap3A_264, %swap3A_265], %add3A_262 {strides = array<i32>} : memref<4x64xi32, #tpu.memory_space<vmem>>, vector<16xi32>,
    %dma_start3A_267 = arith.constant 3 : i32
    %dma_start3A_268 = arith.constant 0 : i32
    %dma_start3A_269 = arith.constant 0 : i32
    %dma_start3A_270 = arith.constant 0 : i32
    %dma_start3A_271 = tpu.memref_slice %arg17[%dma_start3A_268, %dma_start3A_269, %dma_start3A_270] : memref<4x64x128xf32, #tpu.memory_space<vmem>> -> memref<1x64x128xf32, #tpu.memory_space<vmem>>
    %dma_start3A_272 = tpu.memref_squeeze %dma_start3A_271 : memref<1x64x128xf32, #tpu.memory_space<vmem>> -> memref<64x128xf32, #tpu.memory_space<vmem>>
    %dma_start3A_273 = arith.constant 0 : i32
    %dma_start3A_274 = tpu.memref_slice %arg11[%dma_start3A_267, %dma_start3A_273] : memref<4x64xi32, #tpu.memory_space<vmem>> -> memref<1x64xi32, #tpu.memory_space<vmem>>
    %dma_start3A_275 = tpu.memref_squeeze %dma_start3A_274 : memref<1x64xi32, #tpu.memory_space<vmem>> -> memref<64xi32, #tpu.memory_space<vmem>>
    %dma_start3A_276 = arith.constant 0 : i32
    %dma_start3A_277 = arith.constant 0 : i32
    %dma_start3A_278 = tpu.memref_slice %arg8[%dma_start3A_276, %dma_start3A_277] : memref<32768x128xf32, #tpu.memory_space<hbm>> -> memref<32768x128xf32, #tpu.memory_space<hbm>>
    tpu.enqueue_indirect_dma source(%dma_start3A_278 : memref<32768x128xf32, #tpu.memory_space<hbm>>) target(%dma_start3A_272 : memref<64x128xf32, #tpu.memory_space<vmem>>) offsets(%dma_start3A_275 : memref<64xi32, #tpu.memory_space<vmem>>) semaphore(%arg20 : memref<!tpu.dma_semaphore, #tpu.memory_space<semaphore_mem>>)
    %dma_wait3A_279 = arith.constant 3 : i32
    %dma_wait3A_280 = arith.constant 0 : i32
    %dma_wait3A_281 = arith.constant 0 : i32
    %dma_wait3A_282 = arith.constant 0 : i32
    %dma_wait3A_283 = tpu.memref_slice %arg17[%dma_wait3A_280, %dma_wait3A_281, %dma_wait3A_282] : memref<4x64x128xf32, #tpu.memory_space<vmem>> -> memref<1x64x128xf32, #tpu.memory_space<vmem>>
    %dma_wait3A_284 = tpu.memref_squeeze %dma_wait3A_283 : memref<1x64x128xf32, #tpu.memory_space<vmem>> -> memref<64x128xf32, #tpu.memory_space<vmem>>
    %dma_wait3A_285 = arith.constant 0 : i32
    %dma_wait3A_286 = tpu.memref_slice %arg11[%dma_wait3A_279, %dma_wait3A_285] : memref<4x64xi32, #tpu.memory_space<vmem>> -> memref<1x64xi32, #tpu.memory_space<vmem>>
    %dma_wait3A_287 = tpu.memref_squeeze %dma_wait3A_286 : memref<1x64xi32, #tpu.memory_space<vmem>> -> memref<64xi32, #tpu.memory_space<vmem>>
    %dma_wait3A_288 = arith.constant 0 : i32
    %dma_wait3A_289 = arith.constant 0 : i32
    %dma_wait3A_290 = tpu.memref_slice %arg8[%dma_wait3A_288, %dma_wait3A_289] : memref<32768x128xf32, #tpu.memory_space<hbm>> -> memref<32768x128xf32, #tpu.memory_space<hbm>>
    tpu.wait_indirect_dma semaphore(%arg20 : memref<!tpu.dma_semaphore, #tpu.memory_space<semaphore_mem>>) src(%dma_wait3A_290 : memref<32768x128xf32, #tpu.memory_space<hbm>>) dst(%dma_wait3A_284 : memref<64x128xf32, #tpu.memory_space<vmem>>)
    %run_scoped3A_291 = arith.constant 0 : i32
    "tpu.region"() ({
      %run_scoped3A_488 = tpu.sem_alloc : memref<!tpu.dma_semaphore, #tpu.memory_space<semaphore_mem>>
      %dma_start3A_489 = arith.constant 0 : i32
      %dma_start3A_490 = arith.constant 0 : i32
      %dma_start3A_491 = tpu.memref_slice %arg17[%run_scoped3A_291, %dma_start3A_489, %dma_start3A_490] : memref<4x64x128xf32, #tpu.memory_space<vmem>> -> memref<1x64x128xf32, #tpu.memory_space<vmem>>
      %dma_start3A_492 = tpu.memref_squeeze %dma_start3A_491 : memref<1x64x128xf32, #tpu.memory_space<vmem>> -> memref<64x128xf32, #tpu.memory_space<vmem>>
      %dma_start3A_493 = arith.constant 0 : i32
      %dma_start3A_494 = arith.constant 0 : i32
      %dma_start3A_495 = tpu.memref_slice %arg10[%add3A_226, %dma_start3A_493, %dma_start3A_494] : memref<128x64x128xf32, #tpu.memory_space<hbm>> -> memref<1x64x128xf32, #tpu.memory_space<hbm>>
      %dma_start3A_496 = tpu.memref_squeeze %dma_start3A_495 : memref<1x64x128xf32, #tpu.memory_space<hbm>> -> memref<64x128xf32, #tpu.memory_space<hbm>>
      %dma_start3A_497 = arith.constant 0 : i32
      %dma_start3A_498 = arith.constant 0 : i32
      %dma_start3A_499 = tpu.memref_slice %arg10[%add3A_226, %dma_start3A_497, %dma_start3A_498] : memref<128x64x128xf32, #tpu.memory_space<hbm>> -> memref<1x64x128xf32, #tpu.memory_space<hbm>>
      %dma_start3A_500 = tpu.memref_squeeze %dma_start3A_499 : memref<1x64x128xf32, #tpu.memory_space<hbm>> -> memref<64x128xf32, #tpu.memory_space<hbm>>
      %dma_start3A_501 = arith.constant 0 : i32
      %dma_start3A_502 = arith.constant 0 : i32
      %dma_start3A_503 = tpu.memref_slice %arg17[%run_scoped3A_291, %dma_start3A_501, %dma_start3A_502] : memref<4x64x128xf32, #tpu.memory_space<vmem>> -> memref<1x64x128xf32, #tpu.memory_space<vmem>>
      %dma_start3A_504 = tpu.memref_squeeze %dma_start3A_503 : memref<1x64x128xf32, #tpu.memory_space<vmem>> -> memref<64x128xf32, #tpu.memory_space<vmem>>
      tpu.enqueue_dma source(%dma_start3A_504 : memref<64x128xf32, #tpu.memory_space<vmem>>) target(%dma_start3A_500 : memref<64x128xf32, #tpu.memory_space<hbm>>) target_semaphore(%run_scoped3A_488 : memref<!tpu.dma_semaphore, #tpu.memory_space<semaphore_mem>>)
      %dma_wait3A_505 = arith.constant 0 : i32
      %dma_wait3A_506 = arith.constant 0 : i32
      %dma_wait3A_507 = tpu.memref_slice %arg17[%run_scoped3A_291, %dma_wait3A_505, %dma_wait3A_506] : memref<4x64x128xf32, #tpu.memory_space<vmem>> -> memref<1x64x128xf32, #tpu.memory_space<vmem>>
      %dma_wait3A_508 = tpu.memref_squeeze %dma_wait3A_507 : memref<1x64x128xf32, #tpu.memory_space<vmem>> -> memref<64x128xf32, #tpu.memory_space<vmem>>
      %dma_wait3A_509 = arith.constant 0 : i32
      %dma_wait3A_510 = arith.constant 0 : i32
      %dma_wait3A_511 = tpu.memref_slice %arg10[%add3A_226, %dma_wait3A_509, %dma_wait3A_510] : memref<128x64x128xf32, #tpu.memory_space<hbm>> -> memref<1x64x128xf32, #tpu.memory_space<hbm>>
      %dma_wait3A_512 = tpu.memref_squeeze %dma_wait3A_511 : memref<1x64x128xf32, #tpu.memory_space<hbm>> -> memref<64x128xf32, #tpu.memory_space<hbm>>
      %dma_wait3A_513 = arith.constant 0 : i32
      %dma_wait3A_514 = arith.constant 0 : i32
      %dma_wait3A_515 = tpu.memref_slice %arg10[%add3A_226, %dma_wait3A_513, %dma_wait3A_514] : memref<128x64x128xf32, #tpu.memory_space<hbm>> -> memref<1x64x128xf32, #tpu.memory_space<hbm>>
      %dma_wait3A_516 = tpu.memref_squeeze %dma_wait3A_515 : memref<1x64x128xf32, #tpu.memory_space<hbm>> -> memref<64x128xf32, #tpu.memory_space<hbm>>
      %dma_wait3A_517 = arith.constant 0 : i32
      %dma_wait3A_518 = arith.constant 0 : i32
      %dma_wait3A_519 = tpu.memref_slice %arg17[%run_scoped3A_291, %dma_wait3A_517, %dma_wait3A_518] : memref<4x64x128xf32, #tpu.memory_space<vmem>> -> memref<1x64x128xf32, #tpu.memory_space<vmem>>
      %dma_wait3A_520 = tpu.memref_squeeze %dma_wait3A_519 : memref<1x64x128xf32, #tpu.memory_space<vmem>> -> memref<64x128xf32, #tpu.memory_space<vmem>>
      tpu.wait_dma2 semaphore(%run_scoped3A_488 : memref<!tpu.dma_semaphore, #tpu.memory_space<semaphore_mem>>) src(%dma_wait3A_520 : memref<64x128xf32, #tpu.memory_space<vmem>>) dst(%dma_wait3A_516 : memref<64x128xf32, #tpu.memory_space<hbm>>)
      tpu.yield
    }) : () -> ()
    %mul3A_292 = arith.constant 128 : i32
    %mul3A_293 = arith.muli %add3A, %mul3A_292 : i32
    "tpu.region"() ({
      %run_scoped3A_488 = tpu.sem_alloc : memref<!tpu.dma_semaphore, #tpu.memory_space<semaphore_mem>>
      %dma_start3A_489 = arith.constant 0 : i32
      %dma_start3A_490 = tpu.memref_slice %arg3[%mul3A_293, %dma_start3A_489] : memref<4096x64xi32, #tpu.memory_space<hbm>> -> memref<128x64xi32, #tpu.memory_space<hbm>>
      %dma_start3A_491 = arith.constant 0 : i32
      %dma_start3A_492 = tpu.memref_slice %arg3[%mul3A_293, %dma_start3A_491] : memref<4096x64xi32, #tpu.memory_space<hbm>> -> memref<128x64xi32, #tpu.memory_space<hbm>>
      tpu.enqueue_dma source(%dma_start3A_492 : memref<128x64xi32, #tpu.memory_space<hbm>>) target(%arg12 : memref<128x64xi32, #tpu.memory_space<vmem>>) target_semaphore(%run_scoped3A_488 : memref<!tpu.dma_semaphore, #tpu.memory_space<semaphore_mem>>)
      %dma_wait3A_493 = arith.constant 0 : i32
      %dma_wait3A_494 = tpu.memref_slice %arg3[%mul3A_293, %dma_wait3A_493] : memref<4096x64xi32, #tpu.memory_space<hbm>> -> memref<128x64xi32, #tpu.memory_space<hbm>>
      %dma_wait3A_495 = arith.constant 0 : i32
      %dma_wait3A_496 = tpu.memref_slice %arg3[%mul3A_293, %dma_wait3A_495] : memref<4096x64xi32, #tpu.memory_space<hbm>> -> memref<128x64xi32, #tpu.memory_space<hbm>>
      tpu.wait_dma2 semaphore(%run_scoped3A_488 : memref<!tpu.dma_semaphore, #tpu.memory_space<semaphore_mem>>) src(%dma_wait3A_496 : memref<128x64xi32, #tpu.memory_space<hbm>>) dst(%arg12 : memref<128x64xi32, #tpu.memory_space<vmem>>)
      tpu.yield
    }) : () -> ()
    "tpu.region"() ({
      %run_scoped3A_488 = tpu.sem_alloc : memref<!tpu.dma_semaphore, #tpu.memory_space<semaphore_mem>>
      %dma_start3A_489 = arith.constant 0 : i32
      %dma_start3A_490 = tpu.memref_slice %arg4[%mul3A_293, %dma_start3A_489] : memref<4096x64xf32, #tpu.memory_space<hbm>> -> memref<128x64xf32, #tpu.memory_space<hbm>>
      %dma_start3A_491 = arith.constant 0 : i32
      %dma_start3A_492 = tpu.memref_slice %arg4[%mul3A_293, %dma_start3A_491] : memref<4096x64xf32, #tpu.memory_space<hbm>> -> memref<128x64xf32, #tpu.memory_space<hbm>>
      tpu.enqueue_dma source(%dma_start3A_492 : memref<128x64xf32, #tpu.memory_space<hbm>>) target(%arg14 : memref<128x64xf32, #tpu.memory_space<vmem>>) target_semaphore(%run_scoped3A_488 : memref<!tpu.dma_semaphore, #tpu.memory_space<semaphore_mem>>)
      %dma_wait3A_493 = arith.constant 0 : i32
      %dma_wait3A_494 = tpu.memref_slice %arg4[%mul3A_293, %dma_wait3A_493] : memref<4096x64xf32, #tpu.memory_space<hbm>> -> memref<128x64xf32, #tpu.memory_space<hbm>>
      %dma_wait3A_495 = arith.constant 0 : i32
      %dma_wait3A_496 = tpu.memref_slice %arg4[%mul3A_293, %dma_wait3A_495] : memref<4096x64xf32, #tpu.memory_space<hbm>> -> memref<128x64xf32, #tpu.memory_space<hbm>>
      tpu.wait_dma2 semaphore(%run_scoped3A_488 : memref<!tpu.dma_semaphore, #tpu.memory_space<semaphore_mem>>) src(%dma_wait3A_496 : memref<128x64xf32, #tpu.memory_space<hbm>>) dst(%arg14 : memref<128x64xf32, #tpu.memory_space<vmem>>)
      tpu.yield
    }) : () -> ()
    "tpu.region"() ({
      %run_scoped3A_488 = tpu.sem_alloc : memref<!tpu.dma_semaphore, #tpu.memory_space<semaphore_mem>>
      %dma_start3A_489 = arith.constant 0 : i32
      %dma_start3A_490 = tpu.memref_slice %arg5[%mul3A_293, %dma_start3A_489] : memref<4096x64xf32, #tpu.memory_space<hbm>> -> memref<128x64xf32, #tpu.memory_space<hbm>>
      %dma_start3A_491 = arith.constant 0 : i32
      %dma_start3A_492 = tpu.memref_slice %arg5[%mul3A_293, %dma_start3A_491] : memref<4096x64xf32, #tpu.memory_space<hbm>> -> memref<128x64xf32, #tpu.memory_space<hbm>>
      tpu.enqueue_dma source(%dma_start3A_492 : memref<128x64xf32, #tpu.memory_space<hbm>>) target(%arg15 : memref<128x64xf32, #tpu.memory_space<vmem>>) target_semaphore(%run_scoped3A_488 : memref<!tpu.dma_semaphore, #tpu.memory_space<semaphore_mem>>)
      %dma_wait3A_493 = arith.constant 0 : i32
      %dma_wait3A_494 = tpu.memref_slice %arg5[%mul3A_293, %dma_wait3A_493] : memref<4096x64xf32, #tpu.memory_space<hbm>> -> memref<128x64xf32, #tpu.memory_space<hbm>>
      %dma_wait3A_495 = arith.constant 0 : i32
      %dma_wait3A_496 = tpu.memref_slice %arg5[%mul3A_293, %dma_wait3A_495] : memref<4096x64xf32, #tpu.memory_space<hbm>> -> memref<128x64xf32, #tpu.memory_space<hbm>>
      tpu.wait_dma2 semaphore(%run_scoped3A_488 : memref<!tpu.dma_semaphore, #tpu.memory_space<semaphore_mem>>) src(%dma_wait3A_496 : memref<128x64xf32, #tpu.memory_space<hbm>>) dst(%arg15 : memref<128x64xf32, #tpu.memory_space<vmem>>)
      tpu.yield
    }) : () -> ()
    "tpu.region"() ({
      %run_scoped3A_488 = tpu.sem_alloc : memref<!tpu.dma_semaphore, #tpu.memory_space<semaphore_mem>>
      %dma_start3A_489 = arith.constant 0 : i32
      %dma_start3A_490 = tpu.memref_slice %arg6[%mul3A_293, %dma_start3A_489] : memref<4096x64xf32, #tpu.memory_space<hbm>> -> memref<128x64xf32, #tpu.memory_space<hbm>>
      %dma_start3A_491 = arith.constant 0 : i32
      %dma_start3A_492 = tpu.memref_slice %arg6[%mul3A_293, %dma_start3A_491] : memref<4096x64xf32, #tpu.memory_space<hbm>> -> memref<128x64xf32, #tpu.memory_space<hbm>>
      tpu.enqueue_dma source(%dma_start3A_492 : memref<128x64xf32, #tpu.memory_space<hbm>>) target(%arg16 : memref<128x64xf32, #tpu.memory_space<vmem>>) target_semaphore(%run_scoped3A_488 : memref<!tpu.dma_semaphore, #tpu.memory_space<semaphore_mem>>)
      %dma_wait3A_493 = arith.constant 0 : i32
      %dma_wait3A_494 = tpu.memref_slice %arg6[%mul3A_293, %dma_wait3A_493] : memref<4096x64xf32, #tpu.memory_space<hbm>> -> memref<128x64xf32, #tpu.memory_space<hbm>>
      %dma_wait3A_495 = arith.constant 0 : i32
      %dma_wait3A_496 = tpu.memref_slice %arg6[%mul3A_293, %dma_wait3A_495] : memref<4096x64xf32, #tpu.memory_space<hbm>> -> memref<128x64xf32, #tpu.memory_space<hbm>>
      tpu.wait_dma2 semaphore(%run_scoped3A_488 : memref<!tpu.dma_semaphore, #tpu.memory_space<semaphore_mem>>) src(%dma_wait3A_496 : memref<128x64xf32, #tpu.memory_space<hbm>>) dst(%arg16 : memref<128x64xf32, #tpu.memory_space<vmem>>)
      tpu.yield
    }) : () -> ()
    %broadcast_in_dim3A = arith.constant 0.000000e+00 : f32
    %broadcast_in_dim3A_294 = vector.broadcast %broadcast_in_dim3A : f32 to vector<16xf32>
    %scan3A = arith.constant 0 : i32
    %scan3A_295 = arith.constant 0 : i32
    %scan3A_296 = arith.constant 40 : i32
    %scan3A_297 = arith.addi %scan3A_295, %scan3A_296 : i32
    %scan3A_298 = arith.constant 1 : i32
    %scan3A_299 = scf.for %scan3A_488 = %scan3A_295 to %scan3A_297 step %scan3A_298 iter_args(%scan3A_489 = %scan3A) -> (i32)  : i32 {
      %swap3A_490 = arith.index_cast %scan3A_488 : i32 to index
      %swap3A_491 = arith.constant 0 : index
      %swap3A_492 = tpu.vector_load %arg18[%swap3A_490, %swap3A_491] {strides = array<i32>} : memref<40x128xf32, #tpu.memory_space<vmem>>, vector<16xf32>,
      tpu.vector_store %arg18[%swap3A_490, %swap3A_491], %broadcast_in_dim3A_294 {strides = array<i32>} : memref<40x128xf32, #tpu.memory_space<vmem>>, vector<16xf32>,
      %swap3A_493 = arith.index_cast %scan3A_488 : i32 to index
      %swap3A_494 = arith.constant 16 : index
      %swap3A_495 = tpu.vector_load %arg18[%swap3A_493, %swap3A_494] {strides = array<i32>} : memref<40x128xf32, #tpu.memory_space<vmem>>, vector<16xf32>,
      tpu.vector_store %arg18[%swap3A_493, %swap3A_494], %broadcast_in_dim3A_294 {strides = array<i32>} : memref<40x128xf32, #tpu.memory_space<vmem>>, vector<16xf32>,
      %swap3A_496 = arith.index_cast %scan3A_488 : i32 to index
      %swap3A_497 = arith.constant 32 : index
      %swap3A_498 = tpu.vector_load %arg18[%swap3A_496, %swap3A_497] {strides = array<i32>} : memref<40x128xf32, #tpu.memory_space<vmem>>, vector<16xf32>,
      tpu.vector_store %arg18[%swap3A_496, %swap3A_497], %broadcast_in_dim3A_294 {strides = array<i32>} : memref<40x128xf32, #tpu.memory_space<vmem>>, vector<16xf32>,
      %swap3A_499 = arith.index_cast %scan3A_488 : i32 to index
      %swap3A_500 = arith.constant 48 : index
      %swap3A_501 = tpu.vector_load %arg18[%swap3A_499, %swap3A_500] {strides = array<i32>} : memref<40x128xf32, #tpu.memory_space<vmem>>, vector<16xf32>,
      tpu.vector_store %arg18[%swap3A_499, %swap3A_500], %broadcast_in_dim3A_294 {strides = array<i32>} : memref<40x128xf32, #tpu.memory_space<vmem>>, vector<16xf32>,
      %swap3A_502 = arith.index_cast %scan3A_488 : i32 to index
      %swap3A_503 = arith.constant 64 : index
      %swap3A_504 = tpu.vector_load %arg18[%swap3A_502, %swap3A_503] {strides = array<i32>} : memref<40x128xf32, #tpu.memory_space<vmem>>, vector<16xf32>,
      tpu.vector_store %arg18[%swap3A_502, %swap3A_503], %broadcast_in_dim3A_294 {strides = array<i32>} : memref<40x128xf32, #tpu.memory_space<vmem>>, vector<16xf32>,
      %swap3A_505 = arith.index_cast %scan3A_488 : i32 to index
      %swap3A_506 = arith.constant 80 : index
      %swap3A_507 = tpu.vector_load %arg18[%swap3A_505, %swap3A_506] {strides = array<i32>} : memref<40x128xf32, #tpu.memory_space<vmem>>, vector<16xf32>,
      tpu.vector_store %arg18[%swap3A_505, %swap3A_506], %broadcast_in_dim3A_294 {strides = array<i32>} : memref<40x128xf32, #tpu.memory_space<vmem>>, vector<16xf32>,
      %swap3A_508 = arith.index_cast %scan3A_488 : i32 to index
      %swap3A_509 = arith.constant 96 : index
      %swap3A_510 = tpu.vector_load %arg18[%swap3A_508, %swap3A_509] {strides = array<i32>} : memref<40x128xf32, #tpu.memory_space<vmem>>, vector<16xf32>,
      tpu.vector_store %arg18[%swap3A_508, %swap3A_509], %broadcast_in_dim3A_294 {strides = array<i32>} : memref<40x128xf32, #tpu.memory_space<vmem>>, vector<16xf32>,
      %swap3A_511 = arith.index_cast %scan3A_488 : i32 to index
      %swap3A_512 = arith.constant 112 : index
      %swap3A_513 = tpu.vector_load %arg18[%swap3A_511, %swap3A_512] {strides = array<i32>} : memref<40x128xf32, #tpu.memory_space<vmem>>, vector<16xf32>,
      tpu.vector_store %arg18[%swap3A_511, %swap3A_512], %broadcast_in_dim3A_294 {strides = array<i32>} : memref<40x128xf32, #tpu.memory_space<vmem>>, vector<16xf32>,
      %scan3A_514 = arith.constant 0 : i32
      scf.yield %scan3A_514 : i32
    }
    %scan3A_300 = arith.constant 40 : i32
    %scan3A_301 = arith.constant 0 : i32
    %scan3A_302 = arith.constant 0 : i32
    %scan3A_303 = arith.constant 128 : i32
    %scan3A_304 = arith.addi %scan3A_302, %scan3A_303 : i32
    %scan3A_305 = arith.constant 1 : i32
    %scan3A_306 = scf.for %scan3A_488 = %scan3A_302 to %scan3A_304 step %scan3A_305 iter_args(%scan3A_489 = %scan3A_301) -> (i32)  : i32 {
      %get3A_490 = arith.index_cast %scan3A_488 : i32 to index
      %get3A_491 = arith.constant 0 : index
      %get3A_492 = tpu.vector_load %arg12[%get3A_490, %get3A_491] {strides = array<i32>} : memref<128x64xi32, #tpu.memory_space<vmem>>, vector<16xi32>,
      %add3A_493 = vector.broadcast %mul3A_18 : i32 to vector<16xi32>
      %add3A_494 = arith.addi %get3A_492, %add3A_493 : vector<16xi32>
      %swap3A_495 = arith.index_cast %scan3A_488 : i32 to index
      %swap3A_496 = arith.constant 0 : index
      %swap3A_497 = tpu.vector_load %arg12[%swap3A_495, %swap3A_496] {strides = array<i32>} : memref<128x64xi32, #tpu.memory_space<vmem>>, vector<16xi32>,
      tpu.vector_store %arg12[%swap3A_495, %swap3A_496], %add3A_494 {strides = array<i32>} : memref<128x64xi32, #tpu.memory_space<vmem>>, vector<16xi32>,
      %get3A_498 = arith.index_cast %scan3A_488 : i32 to index
      %get3A_499 = arith.constant 0 : index
      %get3A_500 = tpu.vector_load %arg14[%get3A_498, %get3A_499] {strides = array<i32>} : memref<128x64xf32, #tpu.memory_space<vmem>>, vector<16xf32>,
      %get3A_501 = arith.index_cast %scan3A_488 : i32 to index
      %get3A_502 = arith.constant 0 : index
      %get3A_503 = tpu.vector_load %arg15[%get3A_501, %get3A_502] {strides = array<i32>} : memref<128x64xf32, #tpu.memory_space<vmem>>, vector<16xf32>,
      %add3A_504 = arith.constant 2.000000e+00 : f32
      %add3A_505 = vector.broadcast %add3A_504 : f32 to vector<16xf32>
      %add3A_506 = arith.addf %get3A_500, %add3A_505 : vector<16xf32>
      %div3A_507 = arith.constant 4.000000e+00 : f32
      %div3A_508 = vector.broadcast %div3A_507 : f32 to vector<16xf32>
      %div3A_509 = arith.divf %add3A_506, %div3A_508 : vector<16xf32>
      %mul3A_510 = arith.constant 3.990000e+00 : f32
      %mul3A_511 = vector.broadcast %mul3A_510 : f32 to vector<16xf32>
      %mul3A_512 = arith.mulf %div3A_509, %mul3A_511 : vector<16xf32>
      %add3A_513 = arith.constant 2.000000e+00 : f32
      %add3A_514 = vector.broadcast %add3A_513 : f32 to vector<16xf32>
      %add3A_515 = arith.addf %get3A_503, %add3A_514 : vector<16xf32>
      %div3A_516 = arith.constant 4.000000e+00 : f32
      %div3A_517 = vector.broadcast %div3A_516 : f32 to vector<16xf32>
      %div3A_518 = arith.divf %add3A_515, %div3A_517 : vector<16xf32>
      %mul3A_519 = arith.constant 3.990000e+00 : f32
      %mul3A_520 = vector.broadcast %mul3A_519 : f32 to vector<16xf32>
      %mul3A_521 = arith.mulf %div3A_518, %mul3A_520 : vector<16xf32>
      %convert_element_type3A = arith.fptosi %mul3A_512 : vector<16xf32> to vector<16xi32>
      %mul3A_522 = arith.constant 5 : i32
      %mul3A_523 = vector.broadcast %mul3A_522 : i32 to vector<16xi32>
      %mul3A_524 = arith.muli %convert_element_type3A, %mul3A_523 : vector<16xi32>
      %convert_element_type3A_525 = arith.fptosi %mul3A_521 : vector<16xf32> to vector<16xi32>
      %add3A_526 = arith.addi %mul3A_524, %convert_element_type3A_525 : vector<16xi32>
      %add3A_527 = arith.constant 1 : i32
      %add3A_528 = vector.broadcast %add3A_527 : i32 to vector<16xi32>
      %add3A_529 = arith.addi %add3A_526, %add3A_528 : vector<16xi32>
      %mul3A_530 = arith.mulf %get3A_500, %get3A_500 : vector<16xf32>
      %gt3A = arith.constant 4.000000e+00 : f32
      %gt3A_531 = vector.broadcast %gt3A : f32 to vector<16xf32>
      %gt3A_532 = arith.cmpf ogt, %mul3A_530, %gt3A_531 : vector<16xf32>
      %mul3A_533 = arith.mulf %get3A_503, %get3A_503 : vector<16xf32>
      %gt3A_534 = arith.constant 4.000000e+00 : f32
      %gt3A_535 = vector.broadcast %gt3A_534 : f32 to vector<16xf32>
      %gt3A_536 = arith.cmpf ogt, %mul3A_533, %gt3A_535 : vector<16xf32>
      %or3A = arith.ori %gt3A_532, %gt3A_536 : vector<16xi1>
      %jit3A_537 = arith.constant 0 : i32
      %broadcast_in_dim3A_538 = vector.broadcast %jit3A_537 : i32 to vector<16xi32>
      %select_n3A_539 = arith.select %or3A, %broadcast_in_dim3A_538, %add3A_529 : vector<16xi1>, vector<16xi32>
      %add3A_540 = arith.constant 0 : i32
      %add3A_541 = vector.broadcast %add3A_540 : i32 to vector<16xi32>
      %add3A_542 = arith.addi %select_n3A_539, %add3A_541 : vector<16xi32>
      %swap3A_543 = arith.index_cast %scan3A_488 : i32 to index
      %swap3A_544 = arith.constant 0 : index
      %swap3A_545 = tpu.vector_load %arg13[%swap3A_543, %swap3A_544] {strides = array<i32>} : memref<128x64xi32, #tpu.memory_space<vmem>>, vector<16xi32>,
      tpu.vector_store %arg13[%swap3A_543, %swap3A_544], %add3A_542 {strides = array<i32>} : memref<128x64xi32, #tpu.memory_space<vmem>>, vector<16xi32>,
      %get3A_546 = arith.index_cast %scan3A_488 : i32 to index
      %get3A_547 = arith.constant 16 : index
      %get3A_548 = tpu.vector_load %arg12[%get3A_546, %get3A_547] {strides = array<i32>} : memref<128x64xi32, #tpu.memory_space<vmem>>, vector<16xi32>,
      %add3A_549 = vector.broadcast %mul3A_18 : i32 to vector<16xi32>
      %add3A_550 = arith.addi %get3A_548, %add3A_549 : vector<16xi32>
      %swap3A_551 = arith.index_cast %scan3A_488 : i32 to index
      %swap3A_552 = arith.constant 16 : index
      %swap3A_553 = tpu.vector_load %arg12[%swap3A_551, %swap3A_552] {strides = array<i32>} : memref<128x64xi32, #tpu.memory_space<vmem>>, vector<16xi32>,
      tpu.vector_store %arg12[%swap3A_551, %swap3A_552], %add3A_550 {strides = array<i32>} : memref<128x64xi32, #tpu.memory_space<vmem>>, vector<16xi32>,
      %get3A_554 = arith.index_cast %scan3A_488 : i32 to index
      %get3A_555 = arith.constant 16 : index
      %get3A_556 = tpu.vector_load %arg14[%get3A_554, %get3A_555] {strides = array<i32>} : memref<128x64xf32, #tpu.memory_space<vmem>>, vector<16xf32>,
      %get3A_557 = arith.index_cast %scan3A_488 : i32 to index
      %get3A_558 = arith.constant 16 : index
      %get3A_559 = tpu.vector_load %arg15[%get3A_557, %get3A_558] {strides = array<i32>} : memref<128x64xf32, #tpu.memory_space<vmem>>, vector<16xf32>,
      %add3A_560 = arith.constant 2.000000e+00 : f32
      %add3A_561 = vector.broadcast %add3A_560 : f32 to vector<16xf32>
      %add3A_562 = arith.addf %get3A_556, %add3A_561 : vector<16xf32>
      %div3A_563 = arith.constant 4.000000e+00 : f32
      %div3A_564 = vector.broadcast %div3A_563 : f32 to vector<16xf32>
      %div3A_565 = arith.divf %add3A_562, %div3A_564 : vector<16xf32>
      %mul3A_566 = arith.constant 3.990000e+00 : f32
      %mul3A_567 = vector.broadcast %mul3A_566 : f32 to vector<16xf32>
      %mul3A_568 = arith.mulf %div3A_565, %mul3A_567 : vector<16xf32>
      %add3A_569 = arith.constant 2.000000e+00 : f32
      %add3A_570 = vector.broadcast %add3A_569 : f32 to vector<16xf32>
      %add3A_571 = arith.addf %get3A_559, %add3A_570 : vector<16xf32>
      %div3A_572 = arith.constant 4.000000e+00 : f32
      %div3A_573 = vector.broadcast %div3A_572 : f32 to vector<16xf32>
      %div3A_574 = arith.divf %add3A_571, %div3A_573 : vector<16xf32>
      %mul3A_575 = arith.constant 3.990000e+00 : f32
      %mul3A_576 = vector.broadcast %mul3A_575 : f32 to vector<16xf32>
      %mul3A_577 = arith.mulf %div3A_574, %mul3A_576 : vector<16xf32>
      %convert_element_type3A_578 = arith.fptosi %mul3A_568 : vector<16xf32> to vector<16xi32>
      %mul3A_579 = arith.constant 5 : i32
      %mul3A_580 = vector.broadcast %mul3A_579 : i32 to vector<16xi32>
      %mul3A_581 = arith.muli %convert_element_type3A_578, %mul3A_580 : vector<16xi32>
      %convert_element_type3A_582 = arith.fptosi %mul3A_577 : vector<16xf32> to vector<16xi32>
      %add3A_583 = arith.addi %mul3A_581, %convert_element_type3A_582 : vector<16xi32>
      %add3A_584 = arith.constant 1 : i32
      %add3A_585 = vector.broadcast %add3A_584 : i32 to vector<16xi32>
      %add3A_586 = arith.addi %add3A_583, %add3A_585 : vector<16xi32>
      %mul3A_587 = arith.mulf %get3A_556, %get3A_556 : vector<16xf32>
      %gt3A_588 = arith.constant 4.000000e+00 : f32
      %gt3A_589 = vector.broadcast %gt3A_588 : f32 to vector<16xf32>
      %gt3A_590 = arith.cmpf ogt, %mul3A_587, %gt3A_589 : vector<16xf32>
      %mul3A_591 = arith.mulf %get3A_559, %get3A_559 : vector<16xf32>
      %gt3A_592 = arith.constant 4.000000e+00 : f32
      %gt3A_593 = vector.broadcast %gt3A_592 : f32 to vector<16xf32>
      %gt3A_594 = arith.cmpf ogt, %mul3A_591, %gt3A_593 : vector<16xf32>
      %or3A_595 = arith.ori %gt3A_590, %gt3A_594 : vector<16xi1>
      %jit3A_596 = arith.constant 0 : i32
      %broadcast_in_dim3A_597 = vector.broadcast %jit3A_596 : i32 to vector<16xi32>
      %select_n3A_598 = arith.select %or3A_595, %broadcast_in_dim3A_597, %add3A_586 : vector<16xi1>, vector<16xi32>
      %add3A_599 = arith.constant 0 : i32
      %add3A_600 = vector.broadcast %add3A_599 : i32 to vector<16xi32>
      %add3A_601 = arith.addi %select_n3A_598, %add3A_600 : vector<16xi32>
      %swap3A_602 = arith.index_cast %scan3A_488 : i32 to index
      %swap3A_603 = arith.constant 16 : index
      %swap3A_604 = tpu.vector_load %arg13[%swap3A_602, %swap3A_603] {strides = array<i32>} : memref<128x64xi32, #tpu.memory_space<vmem>>, vector<16xi32>,
      tpu.vector_store %arg13[%swap3A_602, %swap3A_603], %add3A_601 {strides = array<i32>} : memref<128x64xi32, #tpu.memory_space<vmem>>, vector<16xi32>,
      %get3A_605 = arith.index_cast %scan3A_488 : i32 to index
      %get3A_606 = arith.constant 32 : index
      %get3A_607 = tpu.vector_load %arg12[%get3A_605, %get3A_606] {strides = array<i32>} : memref<128x64xi32, #tpu.memory_space<vmem>>, vector<16xi32>,
      %add3A_608 = vector.broadcast %mul3A_18 : i32 to vector<16xi32>
      %add3A_609 = arith.addi %get3A_607, %add3A_608 : vector<16xi32>
      %swap3A_610 = arith.index_cast %scan3A_488 : i32 to index
      %swap3A_611 = arith.constant 32 : index
      %swap3A_612 = tpu.vector_load %arg12[%swap3A_610, %swap3A_611] {strides = array<i32>} : memref<128x64xi32, #tpu.memory_space<vmem>>, vector<16xi32>,
      tpu.vector_store %arg12[%swap3A_610, %swap3A_611], %add3A_609 {strides = array<i32>} : memref<128x64xi32, #tpu.memory_space<vmem>>, vector<16xi32>,
      %get3A_613 = arith.index_cast %scan3A_488 : i32 to index
      %get3A_614 = arith.constant 32 : index
      %get3A_615 = tpu.vector_load %arg14[%get3A_613, %get3A_614] {strides = array<i32>} : memref<128x64xf32, #tpu.memory_space<vmem>>, vector<16xf32>,
      %get3A_616 = arith.index_cast %scan3A_488 : i32 to index
      %get3A_617 = arith.constant 32 : index
      %get3A_618 = tpu.vector_load %arg15[%get3A_616, %get3A_617] {strides = array<i32>} : memref<128x64xf32, #tpu.memory_space<vmem>>, vector<16xf32>,
      %add3A_619 = arith.constant 2.000000e+00 : f32
      %add3A_620 = vector.broadcast %add3A_619 : f32 to vector<16xf32>
      %add3A_621 = arith.addf %get3A_615, %add3A_620 : vector<16xf32>
      %div3A_622 = arith.constant 4.000000e+00 : f32
      %div3A_623 = vector.broadcast %div3A_622 : f32 to vector<16xf32>
      %div3A_624 = arith.divf %add3A_621, %div3A_623 : vector<16xf32>
      %mul3A_625 = arith.constant 3.990000e+00 : f32
      %mul3A_626 = vector.broadcast %mul3A_625 : f32 to vector<16xf32>
      %mul3A_627 = arith.mulf %div3A_624, %mul3A_626 : vector<16xf32>
      %add3A_628 = arith.constant 2.000000e+00 : f32
      %add3A_629 = vector.broadcast %add3A_628 : f32 to vector<16xf32>
      %add3A_630 = arith.addf %get3A_618, %add3A_629 : vector<16xf32>
      %div3A_631 = arith.constant 4.000000e+00 : f32
      %div3A_632 = vector.broadcast %div3A_631 : f32 to vector<16xf32>
      %div3A_633 = arith.divf %add3A_630, %div3A_632 : vector<16xf32>
      %mul3A_634 = arith.constant 3.990000e+00 : f32
      %mul3A_635 = vector.broadcast %mul3A_634 : f32 to vector<16xf32>
      %mul3A_636 = arith.mulf %div3A_633, %mul3A_635 : vector<16xf32>
      %convert_element_type3A_637 = arith.fptosi %mul3A_627 : vector<16xf32> to vector<16xi32>
      %mul3A_638 = arith.constant 5 : i32
      %mul3A_639 = vector.broadcast %mul3A_638 : i32 to vector<16xi32>
      %mul3A_640 = arith.muli %convert_element_type3A_637, %mul3A_639 : vector<16xi32>
      %convert_element_type3A_641 = arith.fptosi %mul3A_636 : vector<16xf32> to vector<16xi32>
      %add3A_642 = arith.addi %mul3A_640, %convert_element_type3A_641 : vector<16xi32>
      %add3A_643 = arith.constant 1 : i32
      %add3A_644 = vector.broadcast %add3A_643 : i32 to vector<16xi32>
      %add3A_645 = arith.addi %add3A_642, %add3A_644 : vector<16xi32>
      %mul3A_646 = arith.mulf %get3A_615, %get3A_615 : vector<16xf32>
      %gt3A_647 = arith.constant 4.000000e+00 : f32
      %gt3A_648 = vector.broadcast %gt3A_647 : f32 to vector<16xf32>
      %gt3A_649 = arith.cmpf ogt, %mul3A_646, %gt3A_648 : vector<16xf32>
      %mul3A_650 = arith.mulf %get3A_618, %get3A_618 : vector<16xf32>
      %gt3A_651 = arith.constant 4.000000e+00 : f32
      %gt3A_652 = vector.broadcast %gt3A_651 : f32 to vector<16xf32>
      %gt3A_653 = arith.cmpf ogt, %mul3A_650, %gt3A_652 : vector<16xf32>
      %or3A_654 = arith.ori %gt3A_649, %gt3A_653 : vector<16xi1>
      %jit3A_655 = arith.constant 0 : i32
      %broadcast_in_dim3A_656 = vector.broadcast %jit3A_655 : i32 to vector<16xi32>
      %select_n3A_657 = arith.select %or3A_654, %broadcast_in_dim3A_656, %add3A_645 : vector<16xi1>, vector<16xi32>
      %add3A_658 = arith.constant 20 : i32
      %add3A_659 = vector.broadcast %add3A_658 : i32 to vector<16xi32>
      %add3A_660 = arith.addi %select_n3A_657, %add3A_659 : vector<16xi32>
      %swap3A_661 = arith.index_cast %scan3A_488 : i32 to index
      %swap3A_662 = arith.constant 32 : index
      %swap3A_663 = tpu.vector_load %arg13[%swap3A_661, %swap3A_662] {strides = array<i32>} : memref<128x64xi32, #tpu.memory_space<vmem>>, vector<16xi32>,
      tpu.vector_store %arg13[%swap3A_661, %swap3A_662], %add3A_660 {strides = array<i32>} : memref<128x64xi32, #tpu.memory_space<vmem>>, vector<16xi32>,
      %get3A_664 = arith.index_cast %scan3A_488 : i32 to index
      %get3A_665 = arith.constant 48 : index
      %get3A_666 = tpu.vector_load %arg12[%get3A_664, %get3A_665] {strides = array<i32>} : memref<128x64xi32, #tpu.memory_space<vmem>>, vector<16xi32>,
      %add3A_667 = vector.broadcast %mul3A_18 : i32 to vector<16xi32>
      %add3A_668 = arith.addi %get3A_666, %add3A_667 : vector<16xi32>
      %swap3A_669 = arith.index_cast %scan3A_488 : i32 to index
      %swap3A_670 = arith.constant 48 : index
      %swap3A_671 = tpu.vector_load %arg12[%swap3A_669, %swap3A_670] {strides = array<i32>} : memref<128x64xi32, #tpu.memory_space<vmem>>, vector<16xi32>,
      tpu.vector_store %arg12[%swap3A_669, %swap3A_670], %add3A_668 {strides = array<i32>} : memref<128x64xi32, #tpu.memory_space<vmem>>, vector<16xi32>,
      %get3A_672 = arith.index_cast %scan3A_488 : i32 to index
      %get3A_673 = arith.constant 48 : index
      %get3A_674 = tpu.vector_load %arg14[%get3A_672, %get3A_673] {strides = array<i32>} : memref<128x64xf32, #tpu.memory_space<vmem>>, vector<16xf32>,
      %get3A_675 = arith.index_cast %scan3A_488 : i32 to index
      %get3A_676 = arith.constant 48 : index
      %get3A_677 = tpu.vector_load %arg15[%get3A_675, %get3A_676] {strides = array<i32>} : memref<128x64xf32, #tpu.memory_space<vmem>>, vector<16xf32>,
      %add3A_678 = arith.constant 2.000000e+00 : f32
      %add3A_679 = vector.broadcast %add3A_678 : f32 to vector<16xf32>
      %add3A_680 = arith.addf %get3A_674, %add3A_679 : vector<16xf32>
      %div3A_681 = arith.constant 4.000000e+00 : f32
      %div3A_682 = vector.broadcast %div3A_681 : f32 to vector<16xf32>
      %div3A_683 = arith.divf %add3A_680, %div3A_682 : vector<16xf32>
      %mul3A_684 = arith.constant 3.990000e+00 : f32
      %mul3A_685 = vector.broadcast %mul3A_684 : f32 to vector<16xf32>
      %mul3A_686 = arith.mulf %div3A_683, %mul3A_685 : vector<16xf32>
      %add3A_687 = arith.constant 2.000000e+00 : f32
      %add3A_688 = vector.broadcast %add3A_687 : f32 to vector<16xf32>
      %add3A_689 = arith.addf %get3A_677, %add3A_688 : vector<16xf32>
      %div3A_690 = arith.constant 4.000000e+00 : f32
      %div3A_691 = vector.broadcast %div3A_690 : f32 to vector<16xf32>
      %div3A_692 = arith.divf %add3A_689, %div3A_691 : vector<16xf32>
      %mul3A_693 = arith.constant 3.990000e+00 : f32
      %mul3A_694 = vector.broadcast %mul3A_693 : f32 to vector<16xf32>
      %mul3A_695 = arith.mulf %div3A_692, %mul3A_694 : vector<16xf32>
      %convert_element_type3A_696 = arith.fptosi %mul3A_686 : vector<16xf32> to vector<16xi32>
      %mul3A_697 = arith.constant 5 : i32
      %mul3A_698 = vector.broadcast %mul3A_697 : i32 to vector<16xi32>
      %mul3A_699 = arith.muli %convert_element_type3A_696, %mul3A_698 : vector<16xi32>
      %convert_element_type3A_700 = arith.fptosi %mul3A_695 : vector<16xf32> to vector<16xi32>
      %add3A_701 = arith.addi %mul3A_699, %convert_element_type3A_700 : vector<16xi32>
      %add3A_702 = arith.constant 1 : i32
      %add3A_703 = vector.broadcast %add3A_702 : i32 to vector<16xi32>
      %add3A_704 = arith.addi %add3A_701, %add3A_703 : vector<16xi32>
      %mul3A_705 = arith.mulf %get3A_674, %get3A_674 : vector<16xf32>
      %gt3A_706 = arith.constant 4.000000e+00 : f32
      %gt3A_707 = vector.broadcast %gt3A_706 : f32 to vector<16xf32>
      %gt3A_708 = arith.cmpf ogt, %mul3A_705, %gt3A_707 : vector<16xf32>
      %mul3A_709 = arith.mulf %get3A_677, %get3A_677 : vector<16xf32>
      %gt3A_710 = arith.constant 4.000000e+00 : f32
      %gt3A_711 = vector.broadcast %gt3A_710 : f32 to vector<16xf32>
      %gt3A_712 = arith.cmpf ogt, %mul3A_709, %gt3A_711 : vector<16xf32>
      %or3A_713 = arith.ori %gt3A_708, %gt3A_712 : vector<16xi1>
      %jit3A_714 = arith.constant 0 : i32
      %broadcast_in_dim3A_715 = vector.broadcast %jit3A_714 : i32 to vector<16xi32>
      %select_n3A_716 = arith.select %or3A_713, %broadcast_in_dim3A_715, %add3A_704 : vector<16xi1>, vector<16xi32>
      %add3A_717 = arith.constant 20 : i32
      %add3A_718 = vector.broadcast %add3A_717 : i32 to vector<16xi32>
      %add3A_719 = arith.addi %select_n3A_716, %add3A_718 : vector<16xi32>
      %swap3A_720 = arith.index_cast %scan3A_488 : i32 to index
      %swap3A_721 = arith.constant 48 : index
      %swap3A_722 = tpu.vector_load %arg13[%swap3A_720, %swap3A_721] {strides = array<i32>} : memref<128x64xi32, #tpu.memory_space<vmem>>, vector<16xi32>,
      tpu.vector_store %arg13[%swap3A_720, %swap3A_721], %add3A_719 {strides = array<i32>} : memref<128x64xi32, #tpu.memory_space<vmem>>, vector<16xi32>,
      %scan3A_723 = arith.constant 0 : i32
      scf.yield %scan3A_723 : i32
    }
    %scan3A_307 = arith.constant 128 : i32
    %dma_start3A_308 = arith.constant 0 : i32
    %dma_start3A_309 = arith.constant 0 : i32
    %dma_start3A_310 = arith.constant 0 : i32
    %dma_start3A_311 = arith.constant 0 : i32
    %dma_start3A_312 = tpu.memref_slice %arg19[%arg1, %dma_start3A_308, %dma_start3A_310, %dma_start3A_311] : memref<16x4x40x128xf32, #tpu.memory_space<vmem_shared>> -> memref<1x1x40x128xf32, #tpu.memory_space<vmem_shared>>
    %dma_start3A_313 = tpu.memref_squeeze %dma_start3A_312 : memref<1x1x40x128xf32, #tpu.memory_space<vmem_shared>> -> memref<40x128xf32, #tpu.memory_space<vmem_shared>>
    %dma_start3A_314 = tpu.memref_slice %arg22[%dma_start3A_309] : memref<4x!tpu.dma_semaphore, #tpu.memory_space<semaphore_mem>> -> memref<1x!tpu.dma_semaphore, #tpu.memory_space<semaphore_mem>>
    %dma_start3A_315 = tpu.memref_squeeze %dma_start3A_314 : memref<1x!tpu.dma_semaphore, #tpu.memory_space<semaphore_mem>> -> memref<!tpu.dma_semaphore, #tpu.memory_space<semaphore_mem>>
    %dma_start3A_316 = arith.constant 0 : i32
    %dma_start3A_317 = arith.constant 0 : i32
    %dma_start3A_318 = tpu.memref_slice %arg19[%arg1, %dma_start3A_308, %dma_start3A_316, %dma_start3A_317] : memref<16x4x40x128xf32, #tpu.memory_space<vmem_shared>> -> memref<1x1x40x128xf32, #tpu.memory_space<vmem_shared>>
    %dma_start3A_319 = tpu.memref_squeeze %dma_start3A_318 : memref<1x1x40x128xf32, #tpu.memory_space<vmem_shared>> -> memref<40x128xf32, #tpu.memory_space<vmem_shared>>
    tpu.enqueue_dma source(%arg18 : memref<40x128xf32, #tpu.memory_space<vmem>>) target(%dma_start3A_319 : memref<40x128xf32, #tpu.memory_space<vmem_shared>>) target_semaphore(%dma_start3A_315 : memref<!tpu.dma_semaphore, #tpu.memory_space<semaphore_mem>>)
    %dma_start3A_320 = arith.constant 1 : i32
    %dma_start3A_321 = arith.constant 1 : i32
    %dma_start3A_322 = arith.constant 0 : i32
    %dma_start3A_323 = arith.constant 0 : i32
    %dma_start3A_324 = tpu.memref_slice %arg19[%arg1, %dma_start3A_320, %dma_start3A_322, %dma_start3A_323] : memref<16x4x40x128xf32, #tpu.memory_space<vmem_shared>> -> memref<1x1x40x128xf32, #tpu.memory_space<vmem_shared>>
    %dma_start3A_325 = tpu.memref_squeeze %dma_start3A_324 : memref<1x1x40x128xf32, #tpu.memory_space<vmem_shared>> -> memref<40x128xf32, #tpu.memory_space<vmem_shared>>
    %dma_start3A_326 = tpu.memref_slice %arg22[%dma_start3A_321] : memref<4x!tpu.dma_semaphore, #tpu.memory_space<semaphore_mem>> -> memref<1x!tpu.dma_semaphore, #tpu.memory_space<semaphore_mem>>
    %dma_start3A_327 = tpu.memref_squeeze %dma_start3A_326 : memref<1x!tpu.dma_semaphore, #tpu.memory_space<semaphore_mem>> -> memref<!tpu.dma_semaphore, #tpu.memory_space<semaphore_mem>>
    %dma_start3A_328 = arith.constant 0 : i32
    %dma_start3A_329 = arith.constant 0 : i32
    %dma_start3A_330 = tpu.memref_slice %arg19[%arg1, %dma_start3A_320, %dma_start3A_328, %dma_start3A_329] : memref<16x4x40x128xf32, #tpu.memory_space<vmem_shared>> -> memref<1x1x40x128xf32, #tpu.memory_space<vmem_shared>>
    %dma_start3A_331 = tpu.memref_squeeze %dma_start3A_330 : memref<1x1x40x128xf32, #tpu.memory_space<vmem_shared>> -> memref<40x128xf32, #tpu.memory_space<vmem_shared>>
    tpu.enqueue_dma source(%arg18 : memref<40x128xf32, #tpu.memory_space<vmem>>) target(%dma_start3A_331 : memref<40x128xf32, #tpu.memory_space<vmem_shared>>) target_semaphore(%dma_start3A_327 : memref<!tpu.dma_semaphore, #tpu.memory_space<semaphore_mem>>)
    %dma_start3A_332 = arith.constant 2 : i32
    %dma_start3A_333 = arith.constant 2 : i32
    %dma_start3A_334 = arith.constant 0 : i32
    %dma_start3A_335 = arith.constant 0 : i32
    %dma_start3A_336 = tpu.memref_slice %arg19[%arg1, %dma_start3A_332, %dma_start3A_334, %dma_start3A_335] : memref<16x4x40x128xf32, #tpu.memory_space<vmem_shared>> -> memref<1x1x40x128xf32, #tpu.memory_space<vmem_shared>>
    %dma_start3A_337 = tpu.memref_squeeze %dma_start3A_336 : memref<1x1x40x128xf32, #tpu.memory_space<vmem_shared>> -> memref<40x128xf32, #tpu.memory_space<vmem_shared>>
    %dma_start3A_338 = tpu.memref_slice %arg22[%dma_start3A_333] : memref<4x!tpu.dma_semaphore, #tpu.memory_space<semaphore_mem>> -> memref<1x!tpu.dma_semaphore, #tpu.memory_space<semaphore_mem>>
    %dma_start3A_339 = tpu.memref_squeeze %dma_start3A_338 : memref<1x!tpu.dma_semaphore, #tpu.memory_space<semaphore_mem>> -> memref<!tpu.dma_semaphore, #tpu.memory_space<semaphore_mem>>
    %dma_start3A_340 = arith.constant 0 : i32
    %dma_start3A_341 = arith.constant 0 : i32
    %dma_start3A_342 = tpu.memref_slice %arg19[%arg1, %dma_start3A_332, %dma_start3A_340, %dma_start3A_341] : memref<16x4x40x128xf32, #tpu.memory_space<vmem_shared>> -> memref<1x1x40x128xf32, #tpu.memory_space<vmem_shared>>
    %dma_start3A_343 = tpu.memref_squeeze %dma_start3A_342 : memref<1x1x40x128xf32, #tpu.memory_space<vmem_shared>> -> memref<40x128xf32, #tpu.memory_space<vmem_shared>>
    tpu.enqueue_dma source(%arg18 : memref<40x128xf32, #tpu.memory_space<vmem>>) target(%dma_start3A_343 : memref<40x128xf32, #tpu.memory_space<vmem_shared>>) target_semaphore(%dma_start3A_339 : memref<!tpu.dma_semaphore, #tpu.memory_space<semaphore_mem>>)
    %dma_start3A_344 = arith.constant 3 : i32
    %dma_start3A_345 = arith.constant 3 : i32
    %dma_start3A_346 = arith.constant 0 : i32
    %dma_start3A_347 = arith.constant 0 : i32
    %dma_start3A_348 = tpu.memref_slice %arg19[%arg1, %dma_start3A_344, %dma_start3A_346, %dma_start3A_347] : memref<16x4x40x128xf32, #tpu.memory_space<vmem_shared>> -> memref<1x1x40x128xf32, #tpu.memory_space<vmem_shared>>
    %dma_start3A_349 = tpu.memref_squeeze %dma_start3A_348 : memref<1x1x40x128xf32, #tpu.memory_space<vmem_shared>> -> memref<40x128xf32, #tpu.memory_space<vmem_shared>>
    %dma_start3A_350 = tpu.memref_slice %arg22[%dma_start3A_345] : memref<4x!tpu.dma_semaphore, #tpu.memory_space<semaphore_mem>> -> memref<1x!tpu.dma_semaphore, #tpu.memory_space<semaphore_mem>>
    %dma_start3A_351 = tpu.memref_squeeze %dma_start3A_350 : memref<1x!tpu.dma_semaphore, #tpu.memory_space<semaphore_mem>> -> memref<!tpu.dma_semaphore, #tpu.memory_space<semaphore_mem>>
    %dma_start3A_352 = arith.constant 0 : i32
    %dma_start3A_353 = arith.constant 0 : i32
    %dma_start3A_354 = tpu.memref_slice %arg19[%arg1, %dma_start3A_344, %dma_start3A_352, %dma_start3A_353] : memref<16x4x40x128xf32, #tpu.memory_space<vmem_shared>> -> memref<1x1x40x128xf32, #tpu.memory_space<vmem_shared>>
    %dma_start3A_355 = tpu.memref_squeeze %dma_start3A_354 : memref<1x1x40x128xf32, #tpu.memory_space<vmem_shared>> -> memref<40x128xf32, #tpu.memory_space<vmem_shared>>
    tpu.enqueue_dma source(%arg18 : memref<40x128xf32, #tpu.memory_space<vmem>>) target(%dma_start3A_355 : memref<40x128xf32, #tpu.memory_space<vmem_shared>>) target_semaphore(%dma_start3A_351 : memref<!tpu.dma_semaphore, #tpu.memory_space<semaphore_mem>>)
    %dma_start3A_356 = arith.constant 0 : i32
    %dma_start3A_357 = arith.constant 0 : i32
    %dma_start3A_358 = arith.constant 0 : i32
    %dma_start3A_359 = arith.constant 0 : i32
    %dma_start3A_360 = arith.constant 0 : i32
    %dma_start3A_361 = tpu.memref_slice %arg17[%dma_start3A_357, %dma_start3A_359, %dma_start3A_360] : memref<4x64x128xf32, #tpu.memory_space<vmem>> -> memref<1x64x128xf32, #tpu.memory_space<vmem>>
    %dma_start3A_362 = tpu.memref_squeeze %dma_start3A_361 : memref<1x64x128xf32, #tpu.memory_space<vmem>> -> memref<64x128xf32, #tpu.memory_space<vmem>>
    %dma_start3A_363 = arith.constant 0 : i32
    %dma_start3A_364 = tpu.memref_slice %arg12[%dma_start3A_356, %dma_start3A_363] : memref<128x64xi32, #tpu.memory_space<vmem>> -> memref<1x64xi32, #tpu.memory_space<vmem>>
    %dma_start3A_365 = tpu.memref_squeeze %dma_start3A_364 : memref<1x64xi32, #tpu.memory_space<vmem>> -> memref<64xi32, #tpu.memory_space<vmem>>
    %dma_start3A_366 = arith.constant 0 : i32
    %dma_start3A_367 = arith.constant 0 : i32
    %dma_start3A_368 = tpu.memref_slice %arg2[%dma_start3A_366, %dma_start3A_367] : memref<32768x128xf32, #tpu.memory_space<hbm>> -> memref<32768x128xf32, #tpu.memory_space<hbm>>
    %dma_start3A_369 = tpu.memref_slice %arg21[%dma_start3A_358] : memref<4x!tpu.dma_semaphore, #tpu.memory_space<semaphore_mem>> -> memref<1x!tpu.dma_semaphore, #tpu.memory_space<semaphore_mem>>
    %dma_start3A_370 = tpu.memref_squeeze %dma_start3A_369 : memref<1x!tpu.dma_semaphore, #tpu.memory_space<semaphore_mem>> -> memref<!tpu.dma_semaphore, #tpu.memory_space<semaphore_mem>>
    tpu.enqueue_indirect_dma source(%dma_start3A_368 : memref<32768x128xf32, #tpu.memory_space<hbm>>) target(%dma_start3A_362 : memref<64x128xf32, #tpu.memory_space<vmem>>) offsets(%dma_start3A_365 : memref<64xi32, #tpu.memory_space<vmem>>) semaphore(%dma_start3A_370 : memref<!tpu.dma_semaphore, #tpu.memory_space<semaphore_mem>>)
    %scan3A_371 = arith.constant 0 : i32
    %scan3A_372 = arith.constant 0 : i32
    %scan3A_373 = arith.constant 32 : i32
    %scan3A_374 = arith.addi %scan3A_372, %scan3A_373 : i32
    %scan3A_375 = arith.constant 1 : i32
    %scan3A_376 = scf.for %scan3A_488 = %scan3A_372 to %scan3A_374 step %scan3A_375 iter_args(%scan3A_489 = %scan3A_371) -> (i32)  : i32 {
      %mul3A_490 = arith.constant 4 : i32
      %mul3A_491 = arith.muli %scan3A_488, %mul3A_490 : i32
      %add3A_492 = arith.constant 0 : i32
      %add3A_493 = arith.addi %mul3A_491, %add3A_492 : i32
      %dma_wait3A_494 = arith.constant 0 : i32
      %dma_wait3A_495 = arith.constant 0 : i32
      %dma_wait3A_496 = arith.constant 0 : i32
      %dma_wait3A_497 = arith.constant 0 : i32
      %dma_wait3A_498 = tpu.memref_slice %arg17[%dma_wait3A_494, %dma_wait3A_496, %dma_wait3A_497] : memref<4x64x128xf32, #tpu.memory_space<vmem>> -> memref<1x64x128xf32, #tpu.memory_space<vmem>>
      %dma_wait3A_499 = tpu.memref_squeeze %dma_wait3A_498 : memref<1x64x128xf32, #tpu.memory_space<vmem>> -> memref<64x128xf32, #tpu.memory_space<vmem>>
      %dma_wait3A_500 = arith.constant 0 : i32
      %dma_wait3A_501 = tpu.memref_slice %arg12[%add3A_493, %dma_wait3A_500] : memref<128x64xi32, #tpu.memory_space<vmem>> -> memref<1x64xi32, #tpu.memory_space<vmem>>
      %dma_wait3A_502 = tpu.memref_squeeze %dma_wait3A_501 : memref<1x64xi32, #tpu.memory_space<vmem>> -> memref<64xi32, #tpu.memory_space<vmem>>
      %dma_wait3A_503 = arith.constant 0 : i32
      %dma_wait3A_504 = arith.constant 0 : i32
      %dma_wait3A_505 = tpu.memref_slice %arg2[%dma_wait3A_503, %dma_wait3A_504] : memref<32768x128xf32, #tpu.memory_space<hbm>> -> memref<32768x128xf32, #tpu.memory_space<hbm>>
      %dma_wait3A_506 = tpu.memref_slice %arg21[%dma_wait3A_495] : memref<4x!tpu.dma_semaphore, #tpu.memory_space<semaphore_mem>> -> memref<1x!tpu.dma_semaphore, #tpu.memory_space<semaphore_mem>>
      %dma_wait3A_507 = tpu.memref_squeeze %dma_wait3A_506 : memref<1x!tpu.dma_semaphore, #tpu.memory_space<semaphore_mem>> -> memref<!tpu.dma_semaphore, #tpu.memory_space<semaphore_mem>>
      tpu.wait_indirect_dma semaphore(%dma_wait3A_507 : memref<!tpu.dma_semaphore, #tpu.memory_space<semaphore_mem>>) src(%dma_wait3A_505 : memref<32768x128xf32, #tpu.memory_space<hbm>>) dst(%dma_wait3A_499 : memref<64x128xf32, #tpu.memory_space<vmem>>)
      %add3A_508 = arith.constant 1 : i32
      %add3A_509 = arith.addi %add3A_493, %add3A_508 : i32
      %lt3A = arith.constant 128 : i32
      %lt3A_510 = arith.cmpi slt, %add3A_509, %lt3A : i32
      %convert_element_type3A = arith.extui %lt3A_510 : i1 to i32
      %cond3A = arith.constant 0 : i32
      %cond3A_511 = arith.cmpi ne, %convert_element_type3A, %cond3A : i32
      scf.if %cond3A_511 {
        %add3A_1326 = arith.constant 1 : i32
        %add3A_1327 = arith.addi %add3A_493, %add3A_1326 : i32
        %dma_start3A_1328 = arith.constant 1 : i32
        %dma_start3A_1329 = arith.constant 1 : i32
        %dma_start3A_1330 = arith.constant 0 : i32
        %dma_start3A_1331 = arith.constant 0 : i32
        %dma_start3A_1332 = tpu.memref_slice %arg17[%dma_start3A_1328, %dma_start3A_1330, %dma_start3A_1331] : memref<4x64x128xf32, #tpu.memory_space<vmem>> -> memref<1x64x128xf32, #tpu.memory_space<vmem>>
        %dma_start3A_1333 = tpu.memref_squeeze %dma_start3A_1332 : memref<1x64x128xf32, #tpu.memory_space<vmem>> -> memref<64x128xf32, #tpu.memory_space<vmem>>
        %dma_start3A_1334 = arith.constant 0 : i32
        %dma_start3A_1335 = tpu.memref_slice %arg12[%add3A_1327, %dma_start3A_1334] : memref<128x64xi32, #tpu.memory_space<vmem>> -> memref<1x64xi32, #tpu.memory_space<vmem>>
        %dma_start3A_1336 = tpu.memref_squeeze %dma_start3A_1335 : memref<1x64xi32, #tpu.memory_space<vmem>> -> memref<64xi32, #tpu.memory_space<vmem>>
        %dma_start3A_1337 = arith.constant 0 : i32
        %dma_start3A_1338 = arith.constant 0 : i32
        %dma_start3A_1339 = tpu.memref_slice %arg2[%dma_start3A_1337, %dma_start3A_1338] : memref<32768x128xf32, #tpu.memory_space<hbm>> -> memref<32768x128xf32, #tpu.memory_space<hbm>>
        %dma_start3A_1340 = tpu.memref_slice %arg21[%dma_start3A_1329] : memref<4x!tpu.dma_semaphore, #tpu.memory_space<semaphore_mem>> -> memref<1x!tpu.dma_semaphore, #tpu.memory_space<semaphore_mem>>
        %dma_start3A_1341 = tpu.memref_squeeze %dma_start3A_1340 : memref<1x!tpu.dma_semaphore, #tpu.memory_space<semaphore_mem>> -> memref<!tpu.dma_semaphore, #tpu.memory_space<semaphore_mem>>
        tpu.enqueue_indirect_dma source(%dma_start3A_1339 : memref<32768x128xf32, #tpu.memory_space<hbm>>) target(%dma_start3A_1333 : memref<64x128xf32, #tpu.memory_space<vmem>>) offsets(%dma_start3A_1336 : memref<64xi32, #tpu.memory_space<vmem>>) semaphore(%dma_start3A_1341 : memref<!tpu.dma_semaphore, #tpu.memory_space<semaphore_mem>>)
      } else {
      }
      %broadcast_in_dim3A_512 = arith.constant 0 : i32
      %broadcast_in_dim3A_513 = vector.broadcast %broadcast_in_dim3A_512 : i32 to vector<16xi32>
      %add3A_514 = arith.addi %broadcast_in_dim3A_513, %iota3A : vector<16xi32>
      %broadcast_in_dim3A_515 = arith.constant 0 : i32
      %broadcast_in_dim3A_516 = vector.broadcast %broadcast_in_dim3A_515 : i32 to vector<16xi32>
      %get3A_517 = arith.index_cast %add3A_493 : i32 to index
      %get3A_518 = arith.constant 0 : index
      %get3A_519 = tpu.vector_load %arg14[%get3A_517, %get3A_518] {strides = array<i32>} : memref<128x64xf32, #tpu.memory_space<vmem>>, vector<16xf32>,
      %scatter3A = arith.constant 0 : i32
      %scatter3A_520 = arith.constant 0 : i32
      %scatter3A_521 = arith.constant 0 : i32
      %scatter3A_522 = tpu.memref_slice %arg17[%scatter3A, %scatter3A_520, %scatter3A_521] : memref<4x64x128xf32, #tpu.memory_space<vmem>> -> memref<1x64x128xf32, #tpu.memory_space<vmem>>
      %scatter3A_523 = tpu.memref_squeeze %scatter3A_522 : memref<1x64x128xf32, #tpu.memory_space<vmem>> -> memref<64x128xf32, #tpu.memory_space<vmem>>
      tpu.vector_store_idx %scatter3A_523[%add3A_514, %broadcast_in_dim3A_516], %get3A_519 {add = true} : memref<64x128xf32, #tpu.memory_space<vmem>>[vector<16xi32>, vector<16xi32>], vector<16xf32>,
      %broadcast_in_dim3A_524 = arith.constant 1 : i32
      %broadcast_in_dim3A_525 = vector.broadcast %broadcast_in_dim3A_524 : i32 to vector<16xi32>
      %get3A_526 = arith.index_cast %add3A_493 : i32 to index
      %get3A_527 = arith.constant 0 : index
      %get3A_528 = tpu.vector_load %arg15[%get3A_526, %get3A_527] {strides = array<i32>} : memref<128x64xf32, #tpu.memory_space<vmem>>, vector<16xf32>,
      %scatter3A_529 = arith.constant 0 : i32
      %scatter3A_530 = arith.constant 0 : i32
      %scatter3A_531 = arith.constant 0 : i32
      %scatter3A_532 = tpu.memref_slice %arg17[%scatter3A_529, %scatter3A_530, %scatter3A_531] : memref<4x64x128xf32, #tpu.memory_space<vmem>> -> memref<1x64x128xf32, #tpu.memory_space<vmem>>
      %scatter3A_533 = tpu.memref_squeeze %scatter3A_532 : memref<1x64x128xf32, #tpu.memory_space<vmem>> -> memref<64x128xf32, #tpu.memory_space<vmem>>
      tpu.vector_store_idx %scatter3A_533[%add3A_514, %broadcast_in_dim3A_525], %get3A_528 {add = true} : memref<64x128xf32, #tpu.memory_space<vmem>>[vector<16xi32>, vector<16xi32>], vector<16xf32>,
      %broadcast_in_dim3A_534 = arith.constant 2 : i32
      %broadcast_in_dim3A_535 = vector.broadcast %broadcast_in_dim3A_534 : i32 to vector<16xi32>
      %get3A_536 = arith.index_cast %add3A_493 : i32 to index
      %get3A_537 = arith.constant 0 : index
      %get3A_538 = tpu.vector_load %arg16[%get3A_536, %get3A_537] {strides = array<i32>} : memref<128x64xf32, #tpu.memory_space<vmem>>, vector<16xf32>,
      %scatter3A_539 = arith.constant 0 : i32
      %scatter3A_540 = arith.constant 0 : i32
      %scatter3A_541 = arith.constant 0 : i32
      %scatter3A_542 = tpu.memref_slice %arg17[%scatter3A_539, %scatter3A_540, %scatter3A_541] : memref<4x64x128xf32, #tpu.memory_space<vmem>> -> memref<1x64x128xf32, #tpu.memory_space<vmem>>
      %scatter3A_543 = tpu.memref_squeeze %scatter3A_542 : memref<1x64x128xf32, #tpu.memory_space<vmem>> -> memref<64x128xf32, #tpu.memory_space<vmem>>
      tpu.vector_store_idx %scatter3A_543[%add3A_514, %broadcast_in_dim3A_535], %get3A_538 {add = true} : memref<64x128xf32, #tpu.memory_space<vmem>>[vector<16xi32>, vector<16xi32>], vector<16xf32>,
      %broadcast_in_dim3A_544 = arith.constant 16 : i32
      %broadcast_in_dim3A_545 = vector.broadcast %broadcast_in_dim3A_544 : i32 to vector<16xi32>
      %add3A_546 = arith.addi %broadcast_in_dim3A_545, %iota3A : vector<16xi32>
      %broadcast_in_dim3A_547 = arith.constant 0 : i32
      %broadcast_in_dim3A_548 = vector.broadcast %broadcast_in_dim3A_547 : i32 to vector<16xi32>
      %get3A_549 = arith.index_cast %add3A_493 : i32 to index
      %get3A_550 = arith.constant 16 : index
      %get3A_551 = tpu.vector_load %arg14[%get3A_549, %get3A_550] {strides = array<i32>} : memref<128x64xf32, #tpu.memory_space<vmem>>, vector<16xf32>,
      %scatter3A_552 = arith.constant 0 : i32
      %scatter3A_553 = arith.constant 0 : i32
      %scatter3A_554 = arith.constant 0 : i32
      %scatter3A_555 = tpu.memref_slice %arg17[%scatter3A_552, %scatter3A_553, %scatter3A_554] : memref<4x64x128xf32, #tpu.memory_space<vmem>> -> memref<1x64x128xf32, #tpu.memory_space<vmem>>
      %scatter3A_556 = tpu.memref_squeeze %scatter3A_555 : memref<1x64x128xf32, #tpu.memory_space<vmem>> -> memref<64x128xf32, #tpu.memory_space<vmem>>
      tpu.vector_store_idx %scatter3A_556[%add3A_546, %broadcast_in_dim3A_548], %get3A_551 {add = true} : memref<64x128xf32, #tpu.memory_space<vmem>>[vector<16xi32>, vector<16xi32>], vector<16xf32>,
      %broadcast_in_dim3A_557 = arith.constant 1 : i32
      %broadcast_in_dim3A_558 = vector.broadcast %broadcast_in_dim3A_557 : i32 to vector<16xi32>
      %get3A_559 = arith.index_cast %add3A_493 : i32 to index
      %get3A_560 = arith.constant 16 : index
      %get3A_561 = tpu.vector_load %arg15[%get3A_559, %get3A_560] {strides = array<i32>} : memref<128x64xf32, #tpu.memory_space<vmem>>, vector<16xf32>,
      %scatter3A_562 = arith.constant 0 : i32
      %scatter3A_563 = arith.constant 0 : i32
      %scatter3A_564 = arith.constant 0 : i32
      %scatter3A_565 = tpu.memref_slice %arg17[%scatter3A_562, %scatter3A_563, %scatter3A_564] : memref<4x64x128xf32, #tpu.memory_space<vmem>> -> memref<1x64x128xf32, #tpu.memory_space<vmem>>
      %scatter3A_566 = tpu.memref_squeeze %scatter3A_565 : memref<1x64x128xf32, #tpu.memory_space<vmem>> -> memref<64x128xf32, #tpu.memory_space<vmem>>
      tpu.vector_store_idx %scatter3A_566[%add3A_546, %broadcast_in_dim3A_558], %get3A_561 {add = true} : memref<64x128xf32, #tpu.memory_space<vmem>>[vector<16xi32>, vector<16xi32>], vector<16xf32>,
      %broadcast_in_dim3A_567 = arith.constant 2 : i32
      %broadcast_in_dim3A_568 = vector.broadcast %broadcast_in_dim3A_567 : i32 to vector<16xi32>
      %get3A_569 = arith.index_cast %add3A_493 : i32 to index
      %get3A_570 = arith.constant 16 : index
      %get3A_571 = tpu.vector_load %arg16[%get3A_569, %get3A_570] {strides = array<i32>} : memref<128x64xf32, #tpu.memory_space<vmem>>, vector<16xf32>,
      %scatter3A_572 = arith.constant 0 : i32
      %scatter3A_573 = arith.constant 0 : i32
      %scatter3A_574 = arith.constant 0 : i32
      %scatter3A_575 = tpu.memref_slice %arg17[%scatter3A_572, %scatter3A_573, %scatter3A_574] : memref<4x64x128xf32, #tpu.memory_space<vmem>> -> memref<1x64x128xf32, #tpu.memory_space<vmem>>
      %scatter3A_576 = tpu.memref_squeeze %scatter3A_575 : memref<1x64x128xf32, #tpu.memory_space<vmem>> -> memref<64x128xf32, #tpu.memory_space<vmem>>
      tpu.vector_store_idx %scatter3A_576[%add3A_546, %broadcast_in_dim3A_568], %get3A_571 {add = true} : memref<64x128xf32, #tpu.memory_space<vmem>>[vector<16xi32>, vector<16xi32>], vector<16xf32>,
      %broadcast_in_dim3A_577 = arith.constant 32 : i32
      %broadcast_in_dim3A_578 = vector.broadcast %broadcast_in_dim3A_577 : i32 to vector<16xi32>
      %add3A_579 = arith.addi %broadcast_in_dim3A_578, %iota3A : vector<16xi32>
      %broadcast_in_dim3A_580 = arith.constant 0 : i32
      %broadcast_in_dim3A_581 = vector.broadcast %broadcast_in_dim3A_580 : i32 to vector<16xi32>
      %get3A_582 = arith.index_cast %add3A_493 : i32 to index
      %get3A_583 = arith.constant 32 : index
      %get3A_584 = tpu.vector_load %arg14[%get3A_582, %get3A_583] {strides = array<i32>} : memref<128x64xf32, #tpu.memory_space<vmem>>, vector<16xf32>,
      %scatter3A_585 = arith.constant 0 : i32
      %scatter3A_586 = arith.constant 0 : i32
      %scatter3A_587 = arith.constant 0 : i32
      %scatter3A_588 = tpu.memref_slice %arg17[%scatter3A_585, %scatter3A_586, %scatter3A_587] : memref<4x64x128xf32, #tpu.memory_space<vmem>> -> memref<1x64x128xf32, #tpu.memory_space<vmem>>
      %scatter3A_589 = tpu.memref_squeeze %scatter3A_588 : memref<1x64x128xf32, #tpu.memory_space<vmem>> -> memref<64x128xf32, #tpu.memory_space<vmem>>
      tpu.vector_store_idx %scatter3A_589[%add3A_579, %broadcast_in_dim3A_581], %get3A_584 {add = true} : memref<64x128xf32, #tpu.memory_space<vmem>>[vector<16xi32>, vector<16xi32>], vector<16xf32>,
      %broadcast_in_dim3A_590 = arith.constant 1 : i32
      %broadcast_in_dim3A_591 = vector.broadcast %broadcast_in_dim3A_590 : i32 to vector<16xi32>
      %get3A_592 = arith.index_cast %add3A_493 : i32 to index
      %get3A_593 = arith.constant 32 : index
      %get3A_594 = tpu.vector_load %arg15[%get3A_592, %get3A_593] {strides = array<i32>} : memref<128x64xf32, #tpu.memory_space<vmem>>, vector<16xf32>,
      %scatter3A_595 = arith.constant 0 : i32
      %scatter3A_596 = arith.constant 0 : i32
      %scatter3A_597 = arith.constant 0 : i32
      %scatter3A_598 = tpu.memref_slice %arg17[%scatter3A_595, %scatter3A_596, %scatter3A_597] : memref<4x64x128xf32, #tpu.memory_space<vmem>> -> memref<1x64x128xf32, #tpu.memory_space<vmem>>
      %scatter3A_599 = tpu.memref_squeeze %scatter3A_598 : memref<1x64x128xf32, #tpu.memory_space<vmem>> -> memref<64x128xf32, #tpu.memory_space<vmem>>
      tpu.vector_store_idx %scatter3A_599[%add3A_579, %broadcast_in_dim3A_591], %get3A_594 {add = true} : memref<64x128xf32, #tpu.memory_space<vmem>>[vector<16xi32>, vector<16xi32>], vector<16xf32>,
      %broadcast_in_dim3A_600 = arith.constant 2 : i32
      %broadcast_in_dim3A_601 = vector.broadcast %broadcast_in_dim3A_600 : i32 to vector<16xi32>
      %get3A_602 = arith.index_cast %add3A_493 : i32 to index
      %get3A_603 = arith.constant 32 : index
      %get3A_604 = tpu.vector_load %arg16[%get3A_602, %get3A_603] {strides = array<i32>} : memref<128x64xf32, #tpu.memory_space<vmem>>, vector<16xf32>,
      %scatter3A_605 = arith.constant 0 : i32
      %scatter3A_606 = arith.constant 0 : i32
      %scatter3A_607 = arith.constant 0 : i32
      %scatter3A_608 = tpu.memref_slice %arg17[%scatter3A_605, %scatter3A_606, %scatter3A_607] : memref<4x64x128xf32, #tpu.memory_space<vmem>> -> memref<1x64x128xf32, #tpu.memory_space<vmem>>
      %scatter3A_609 = tpu.memref_squeeze %scatter3A_608 : memref<1x64x128xf32, #tpu.memory_space<vmem>> -> memref<64x128xf32, #tpu.memory_space<vmem>>
      tpu.vector_store_idx %scatter3A_609[%add3A_579, %broadcast_in_dim3A_601], %get3A_604 {add = true} : memref<64x128xf32, #tpu.memory_space<vmem>>[vector<16xi32>, vector<16xi32>], vector<16xf32>,
      %broadcast_in_dim3A_610 = arith.constant 48 : i32
      %broadcast_in_dim3A_611 = vector.broadcast %broadcast_in_dim3A_610 : i32 to vector<16xi32>
      %add3A_612 = arith.addi %broadcast_in_dim3A_611, %iota3A : vector<16xi32>
      %broadcast_in_dim3A_613 = arith.constant 0 : i32
      %broadcast_in_dim3A_614 = vector.broadcast %broadcast_in_dim3A_613 : i32 to vector<16xi32>
      %get3A_615 = arith.index_cast %add3A_493 : i32 to index
      %get3A_616 = arith.constant 48 : index
      %get3A_617 = tpu.vector_load %arg14[%get3A_615, %get3A_616] {strides = array<i32>} : memref<128x64xf32, #tpu.memory_space<vmem>>, vector<16xf32>,
      %scatter3A_618 = arith.constant 0 : i32
      %scatter3A_619 = arith.constant 0 : i32
      %scatter3A_620 = arith.constant 0 : i32
      %scatter3A_621 = tpu.memref_slice %arg17[%scatter3A_618, %scatter3A_619, %scatter3A_620] : memref<4x64x128xf32, #tpu.memory_space<vmem>> -> memref<1x64x128xf32, #tpu.memory_space<vmem>>
      %scatter3A_622 = tpu.memref_squeeze %scatter3A_621 : memref<1x64x128xf32, #tpu.memory_space<vmem>> -> memref<64x128xf32, #tpu.memory_space<vmem>>
      tpu.vector_store_idx %scatter3A_622[%add3A_612, %broadcast_in_dim3A_614], %get3A_617 {add = true} : memref<64x128xf32, #tpu.memory_space<vmem>>[vector<16xi32>, vector<16xi32>], vector<16xf32>,
      %broadcast_in_dim3A_623 = arith.constant 1 : i32
      %broadcast_in_dim3A_624 = vector.broadcast %broadcast_in_dim3A_623 : i32 to vector<16xi32>
      %get3A_625 = arith.index_cast %add3A_493 : i32 to index
      %get3A_626 = arith.constant 48 : index
      %get3A_627 = tpu.vector_load %arg15[%get3A_625, %get3A_626] {strides = array<i32>} : memref<128x64xf32, #tpu.memory_space<vmem>>, vector<16xf32>,
      %scatter3A_628 = arith.constant 0 : i32
      %scatter3A_629 = arith.constant 0 : i32
      %scatter3A_630 = arith.constant 0 : i32
      %scatter3A_631 = tpu.memref_slice %arg17[%scatter3A_628, %scatter3A_629, %scatter3A_630] : memref<4x64x128xf32, #tpu.memory_space<vmem>> -> memref<1x64x128xf32, #tpu.memory_space<vmem>>
      %scatter3A_632 = tpu.memref_squeeze %scatter3A_631 : memref<1x64x128xf32, #tpu.memory_space<vmem>> -> memref<64x128xf32, #tpu.memory_space<vmem>>
      tpu.vector_store_idx %scatter3A_632[%add3A_612, %broadcast_in_dim3A_624], %get3A_627 {add = true} : memref<64x128xf32, #tpu.memory_space<vmem>>[vector<16xi32>, vector<16xi32>], vector<16xf32>,
      %broadcast_in_dim3A_633 = arith.constant 2 : i32
      %broadcast_in_dim3A_634 = vector.broadcast %broadcast_in_dim3A_633 : i32 to vector<16xi32>
      %get3A_635 = arith.index_cast %add3A_493 : i32 to index
      %get3A_636 = arith.constant 48 : index
      %get3A_637 = tpu.vector_load %arg16[%get3A_635, %get3A_636] {strides = array<i32>} : memref<128x64xf32, #tpu.memory_space<vmem>>, vector<16xf32>,
      %scatter3A_638 = arith.constant 0 : i32
      %scatter3A_639 = arith.constant 0 : i32
      %scatter3A_640 = arith.constant 0 : i32
      %scatter3A_641 = tpu.memref_slice %arg17[%scatter3A_638, %scatter3A_639, %scatter3A_640] : memref<4x64x128xf32, #tpu.memory_space<vmem>> -> memref<1x64x128xf32, #tpu.memory_space<vmem>>
      %scatter3A_642 = tpu.memref_squeeze %scatter3A_641 : memref<1x64x128xf32, #tpu.memory_space<vmem>> -> memref<64x128xf32, #tpu.memory_space<vmem>>
      tpu.vector_store_idx %scatter3A_642[%add3A_612, %broadcast_in_dim3A_634], %get3A_637 {add = true} : memref<64x128xf32, #tpu.memory_space<vmem>>[vector<16xi32>, vector<16xi32>], vector<16xf32>,
      %dma_wait3A_643 = arith.constant 0 : i32
      %dma_wait3A_644 = arith.constant 0 : i32
      %dma_wait3A_645 = arith.constant 0 : i32
      %dma_wait3A_646 = arith.constant 0 : i32
      %dma_wait3A_647 = tpu.memref_slice %arg19[%arg1, %dma_wait3A_643, %dma_wait3A_645, %dma_wait3A_646] : memref<16x4x40x128xf32, #tpu.memory_space<vmem_shared>> -> memref<1x1x40x128xf32, #tpu.memory_space<vmem_shared>>
      %dma_wait3A_648 = tpu.memref_squeeze %dma_wait3A_647 : memref<1x1x40x128xf32, #tpu.memory_space<vmem_shared>> -> memref<40x128xf32, #tpu.memory_space<vmem_shared>>
      %dma_wait3A_649 = tpu.memref_slice %arg22[%dma_wait3A_644] : memref<4x!tpu.dma_semaphore, #tpu.memory_space<semaphore_mem>> -> memref<1x!tpu.dma_semaphore, #tpu.memory_space<semaphore_mem>>
      %dma_wait3A_650 = tpu.memref_squeeze %dma_wait3A_649 : memref<1x!tpu.dma_semaphore, #tpu.memory_space<semaphore_mem>> -> memref<!tpu.dma_semaphore, #tpu.memory_space<semaphore_mem>>
      %dma_wait3A_651 = arith.constant 0 : i32
      %dma_wait3A_652 = arith.constant 0 : i32
      %dma_wait3A_653 = tpu.memref_slice %arg19[%arg1, %dma_wait3A_643, %dma_wait3A_651, %dma_wait3A_652] : memref<16x4x40x128xf32, #tpu.memory_space<vmem_shared>> -> memref<1x1x40x128xf32, #tpu.memory_space<vmem_shared>>
      %dma_wait3A_654 = tpu.memref_squeeze %dma_wait3A_653 : memref<1x1x40x128xf32, #tpu.memory_space<vmem_shared>> -> memref<40x128xf32, #tpu.memory_space<vmem_shared>>
      tpu.wait_dma2 semaphore(%dma_wait3A_650 : memref<!tpu.dma_semaphore, #tpu.memory_space<semaphore_mem>>) src(%arg18 : memref<40x128xf32, #tpu.memory_space<vmem>>) dst(%dma_wait3A_654 : memref<40x128xf32, #tpu.memory_space<vmem_shared>>)
      %run_scoped3A_655 = arith.constant 0 : i32
      %run_scoped3A_656 = arith.constant 0 : i32
      "tpu.region"() ({
        %run_scoped3A_1326 = tpu.sem_alloc : memref<!tpu.dma_semaphore, #tpu.memory_space<semaphore_mem>>
        %dma_start3A_1327 = arith.constant 0 : i32
        %dma_start3A_1328 = arith.constant 0 : i32
        %dma_start3A_1329 = tpu.memref_slice %arg17[%run_scoped3A_655, %dma_start3A_1327, %dma_start3A_1328] : memref<4x64x128xf32, #tpu.memory_space<vmem>> -> memref<1x64x128xf32, #tpu.memory_space<vmem>>
        %dma_start3A_1330 = tpu.memref_squeeze %dma_start3A_1329 : memref<1x64x128xf32, #tpu.memory_space<vmem>> -> memref<64x128xf32, #tpu.memory_space<vmem>>
        %dma_start3A_1331 = arith.constant 0 : i32
        %dma_start3A_1332 = tpu.memref_slice %arg13[%add3A_493, %dma_start3A_1331] : memref<128x64xi32, #tpu.memory_space<vmem>> -> memref<1x64xi32, #tpu.memory_space<vmem>>
        %dma_start3A_1333 = tpu.memref_squeeze %dma_start3A_1332 : memref<1x64xi32, #tpu.memory_space<vmem>> -> memref<64xi32, #tpu.memory_space<vmem>>
        %dma_start3A_1334 = arith.constant 0 : i32
        %dma_start3A_1335 = arith.constant 0 : i32
        %dma_start3A_1336 = tpu.memref_slice %arg19[%arg1, %run_scoped3A_656, %dma_start3A_1334, %dma_start3A_1335] : memref<16x4x40x128xf32, #tpu.memory_space<vmem_shared>> -> memref<1x1x40x128xf32, #tpu.memory_space<vmem_shared>>
        %dma_start3A_1337 = tpu.memref_squeeze %dma_start3A_1336 : memref<1x1x40x128xf32, #tpu.memory_space<vmem_shared>> -> memref<40x128xf32, #tpu.memory_space<vmem_shared>>
        %dma_start3A_1338 = arith.constant 0 : i32
        %dma_start3A_1339 = arith.constant 0 : i32
        %dma_start3A_1340 = tpu.memref_slice %dma_start3A_1337[%dma_start3A_1338, %dma_start3A_1339] : memref<40x128xf32, #tpu.memory_space<vmem_shared>> -> memref<40x128xf32, #tpu.memory_space<vmem_shared>>
        tpu.enqueue_indirect_dma source(%dma_start3A_1330 : memref<64x128xf32, #tpu.memory_space<vmem>>) target(%dma_start3A_1340 : memref<40x128xf32, #tpu.memory_space<vmem_shared>>) offsets(%dma_start3A_1333 : memref<64xi32, #tpu.memory_space<vmem>>) semaphore(%run_scoped3A_1326 : memref<!tpu.dma_semaphore, #tpu.memory_space<semaphore_mem>>) {add = true}
        %dma_wait3A_1341 = arith.constant 0 : i32
        %dma_wait3A_1342 = arith.constant 0 : i32
        %dma_wait3A_1343 = tpu.memref_slice %arg17[%run_scoped3A_655, %dma_wait3A_1341, %dma_wait3A_1342] : memref<4x64x128xf32, #tpu.memory_space<vmem>> -> memref<1x64x128xf32, #tpu.memory_space<vmem>>
        %dma_wait3A_1344 = tpu.memref_squeeze %dma_wait3A_1343 : memref<1x64x128xf32, #tpu.memory_space<vmem>> -> memref<64x128xf32, #tpu.memory_space<vmem>>
        %dma_wait3A_1345 = arith.constant 0 : i32
        %dma_wait3A_1346 = tpu.memref_slice %arg13[%add3A_493, %dma_wait3A_1345] : memref<128x64xi32, #tpu.memory_space<vmem>> -> memref<1x64xi32, #tpu.memory_space<vmem>>
        %dma_wait3A_1347 = tpu.memref_squeeze %dma_wait3A_1346 : memref<1x64xi32, #tpu.memory_space<vmem>> -> memref<64xi32, #tpu.memory_space<vmem>>
        %dma_wait3A_1348 = arith.constant 0 : i32
        %dma_wait3A_1349 = arith.constant 0 : i32
        %dma_wait3A_1350 = tpu.memref_slice %arg19[%arg1, %run_scoped3A_656, %dma_wait3A_1348, %dma_wait3A_1349] : memref<16x4x40x128xf32, #tpu.memory_space<vmem_shared>> -> memref<1x1x40x128xf32, #tpu.memory_space<vmem_shared>>
        %dma_wait3A_1351 = tpu.memref_squeeze %dma_wait3A_1350 : memref<1x1x40x128xf32, #tpu.memory_space<vmem_shared>> -> memref<40x128xf32, #tpu.memory_space<vmem_shared>>
        %dma_wait3A_1352 = arith.constant 0 : i32
        %dma_wait3A_1353 = arith.constant 0 : i32
        %dma_wait3A_1354 = tpu.memref_slice %dma_wait3A_1351[%dma_wait3A_1352, %dma_wait3A_1353] : memref<40x128xf32, #tpu.memory_space<vmem_shared>> -> memref<40x128xf32, #tpu.memory_space<vmem_shared>>
        tpu.wait_indirect_dma semaphore(%run_scoped3A_1326 : memref<!tpu.dma_semaphore, #tpu.memory_space<semaphore_mem>>) src(%dma_wait3A_1344 : memref<64x128xf32, #tpu.memory_space<vmem>>) dst(%dma_wait3A_1354 : memref<40x128xf32, #tpu.memory_space<vmem_shared>>)
        tpu.yield
      }) : () -> ()
      %mul3A_657 = arith.constant 32 : i32
      %mul3A_658 = arith.muli %add3A, %mul3A_657 : i32
      %add3A_659 = arith.addi %mul3A_658, %scan3A_488 : i32
      %dma_start3A_660 = arith.constant 0 : i32
      %dma_start3A_661 = arith.constant 0 : i32
      %dma_start3A_662 = arith.constant 0 : i32
      %dma_start3A_663 = tpu.memref_slice %arg23[%dma_start3A_662] : memref<4x!tpu.dma_semaphore, #tpu.memory_space<semaphore_mem>> -> memref<1x!tpu.dma_semaphore, #tpu.memory_space<semaphore_mem>>
      %dma_start3A_664 = tpu.memref_squeeze %dma_start3A_663 : memref<1x!tpu.dma_semaphore, #tpu.memory_space<semaphore_mem>> -> memref<!tpu.dma_semaphore, #tpu.memory_space<semaphore_mem>>
      %dma_start3A_665 = arith.constant 0 : i32
      %dma_start3A_666 = arith.constant 0 : i32
      %dma_start3A_667 = tpu.memref_slice %arg9[%add3A_659, %dma_start3A_665, %dma_start3A_661, %dma_start3A_666] : memref<1024x20x8x128xf32, #tpu.memory_space<hbm>> -> memref<1x20x1x128xf32, #tpu.memory_space<hbm>>
      %dma_start3A_668 = tpu.memref_squeeze %dma_start3A_667 : memref<1x20x1x128xf32, #tpu.memory_space<hbm>> -> memref<20x128xf32, #tpu.memory_space<hbm>>
      %dma_start3A_669 = arith.constant 0 : i32
      %dma_start3A_670 = arith.constant 0 : i32
      %dma_start3A_671 = tpu.memref_slice %arg19[%arg1, %dma_start3A_660, %dma_start3A_669, %dma_start3A_670] : memref<16x4x40x128xf32, #tpu.memory_space<vmem_shared>> -> memref<1x1x20x128xf32, #tpu.memory_space<vmem_shared>>
      %dma_start3A_672 = tpu.memref_squeeze %dma_start3A_671 : memref<1x1x20x128xf32, #tpu.memory_space<vmem_shared>> -> memref<20x128xf32, #tpu.memory_space<vmem_shared>>
      tpu.enqueue_dma source(%dma_start3A_672 : memref<20x128xf32, #tpu.memory_space<vmem_shared>>) target(%dma_start3A_668 : memref<20x128xf32, #tpu.memory_space<hbm>>) target_semaphore(%dma_start3A_664 : memref<!tpu.dma_semaphore, #tpu.memory_space<semaphore_mem>>)
      %dma_start3A_673 = arith.constant 0 : i32
      %dma_start3A_674 = arith.constant 1 : i32
      %dma_start3A_675 = arith.constant 0 : i32
      %dma_start3A_676 = tpu.memref_slice %arg23[%dma_start3A_675] : memref<4x!tpu.dma_semaphore, #tpu.memory_space<semaphore_mem>> -> memref<1x!tpu.dma_semaphore, #tpu.memory_space<semaphore_mem>>
      %dma_start3A_677 = tpu.memref_squeeze %dma_start3A_676 : memref<1x!tpu.dma_semaphore, #tpu.memory_space<semaphore_mem>> -> memref<!tpu.dma_semaphore, #tpu.memory_space<semaphore_mem>>
      %dma_start3A_678 = arith.constant 0 : i32
      %dma_start3A_679 = arith.constant 0 : i32
      %dma_start3A_680 = tpu.memref_slice %arg9[%add3A_659, %dma_start3A_678, %dma_start3A_674, %dma_start3A_679] : memref<1024x20x8x128xf32, #tpu.memory_space<hbm>> -> memref<1x20x1x128xf32, #tpu.memory_space<hbm>>
      %dma_start3A_681 = tpu.memref_squeeze %dma_start3A_680 : memref<1x20x1x128xf32, #tpu.memory_space<hbm>> -> memref<20x128xf32, #tpu.memory_space<hbm>>
      %dma_start3A_682 = arith.constant 20 : i32
      %dma_start3A_683 = arith.constant 0 : i32
      %dma_start3A_684 = tpu.memref_slice %arg19[%arg1, %dma_start3A_673, %dma_start3A_682, %dma_start3A_683] : memref<16x4x40x128xf32, #tpu.memory_space<vmem_shared>> -> memref<1x1x20x128xf32, #tpu.memory_space<vmem_shared>>
      %dma_start3A_685 = tpu.memref_squeeze %dma_start3A_684 : memref<1x1x20x128xf32, #tpu.memory_space<vmem_shared>> -> memref<20x128xf32, #tpu.memory_space<vmem_shared>>
      tpu.enqueue_dma source(%dma_start3A_685 : memref<20x128xf32, #tpu.memory_space<vmem_shared>>) target(%dma_start3A_681 : memref<20x128xf32, #tpu.memory_space<hbm>>) target_semaphore(%dma_start3A_677 : memref<!tpu.dma_semaphore, #tpu.memory_space<semaphore_mem>>)
      %ge3A = arith.constant 2 : i32
      %ge3A_686 = arith.cmpi sge, %add3A_493, %ge3A : i32
      %add3A_687 = arith.constant 2 : i32
      %add3A_688 = arith.addi %add3A_493, %add3A_687 : i32
      %lt3A_689 = arith.constant 128 : i32
      %lt3A_690 = arith.cmpi slt, %add3A_688, %lt3A_689 : i32
      %and3A_691 = arith.andi %ge3A_686, %lt3A_690 : i1
      %convert_element_type3A_692 = arith.extui %and3A_691 : i1 to i32
      %cond3A_693 = arith.constant 0 : i32
      %cond3A_694 = arith.cmpi ne, %convert_element_type3A_692, %cond3A_693 : i32
      scf.if %cond3A_694 {
        %mul3A_1326 = arith.constant 32 : i32
        %mul3A_1327 = arith.muli %add3A, %mul3A_1326 : i32
        %sub3A_1328 = arith.constant 2 : i32
        %sub3A_1329 = arith.subi %add3A_493, %sub3A_1328 : i32
        %jit3A_1330 = arith.constant 4 : i32
        %div3A_1331 = arith.divsi %sub3A_1329, %jit3A_1330 : i32
        %sign3A_1332 = arith.constant 0 : i32
        %sign3A_1333 = arith.cmpi sgt, %sub3A_1329, %sign3A_1332 : i32
        %sign3A_1334 = arith.extui %sign3A_1333 : i1 to i32
        %sign3A_1335 = arith.constant 0 : i32
        %sign3A_1336 = arith.cmpi slt, %sub3A_1329, %sign3A_1335 : i32
        %sign3A_1337 = arith.extui %sign3A_1336 : i1 to i32
        %sign3A_1338 = arith.subi %sign3A_1334, %sign3A_1337 : i32
        %sign3A_1339 = arith.constant 0 : i32
        %sign3A_1340 = arith.cmpi sgt, %jit3A_1330, %sign3A_1339 : i32
        %sign3A_1341 = arith.extui %sign3A_1340 : i1 to i32
        %sign3A_1342 = arith.constant 0 : i32
        %sign3A_1343 = arith.cmpi slt, %jit3A_1330, %sign3A_1342 : i32
        %sign3A_1344 = arith.extui %sign3A_1343 : i1 to i32
        %sign3A_1345 = arith.subi %sign3A_1341, %sign3A_1344 : i32
        %ne3A_1346 = arith.cmpi ne, %sign3A_1338, %sign3A_1345 : i32
        %rem3A_1347 = arith.remsi %sub3A_1329, %jit3A_1330 : i32
        %ne3A_1348 = arith.constant 0 : i32
        %ne3A_1349 = arith.cmpi ne, %rem3A_1347, %ne3A_1348 : i32
        %and3A_1350 = arith.andi %ne3A_1346, %ne3A_1349 : i1
        %sub3A_1351 = arith.constant 1 : i32
        %sub3A_1352 = arith.subi %div3A_1331, %sub3A_1351 : i32
        %select_n3A_1353 = arith.select %and3A_1350, %sub3A_1352, %div3A_1331 : i32
        %add3A_1354 = arith.addi %mul3A_1327, %select_n3A_1353 : i32
        %dma_wait3A_1355 = arith.constant 2 : i32
        %dma_wait3A_1356 = arith.constant 4 : i32
        %dma_wait3A_1357 = arith.constant 2 : i32
        %dma_wait3A_1358 = tpu.memref_slice %arg23[%dma_wait3A_1357] : memref<4x!tpu.dma_semaphore, #tpu.memory_space<semaphore_mem>> -> memref<1x!tpu.dma_semaphore, #tpu.memory_space<semaphore_mem>>
        %dma_wait3A_1359 = tpu.memref_squeeze %dma_wait3A_1358 : memref<1x!tpu.dma_semaphore, #tpu.memory_space<semaphore_mem>> -> memref<!tpu.dma_semaphore, #tpu.memory_space<semaphore_mem>>
        %dma_wait3A_1360 = arith.constant 0 : i32
        %dma_wait3A_1361 = arith.constant 0 : i32
        %dma_wait3A_1362 = tpu.memref_slice %arg9[%add3A_1354, %dma_wait3A_1360, %dma_wait3A_1356, %dma_wait3A_1361] : memref<1024x20x8x128xf32, #tpu.memory_space<hbm>> -> memref<1x20x1x128xf32, #tpu.memory_space<hbm>>
        %dma_wait3A_1363 = tpu.memref_squeeze %dma_wait3A_1362 : memref<1x20x1x128xf32, #tpu.memory_space<hbm>> -> memref<20x128xf32, #tpu.memory_space<hbm>>
        %dma_wait3A_1364 = arith.constant 0 : i32
        %dma_wait3A_1365 = arith.constant 0 : i32
        %dma_wait3A_1366 = tpu.memref_slice %arg19[%arg1, %dma_wait3A_1355, %dma_wait3A_1364, %dma_wait3A_1365] : memref<16x4x40x128xf32, #tpu.memory_space<vmem_shared>> -> memref<1x1x20x128xf32, #tpu.memory_space<vmem_shared>>
        %dma_wait3A_1367 = tpu.memref_squeeze %dma_wait3A_1366 : memref<1x1x20x128xf32, #tpu.memory_space<vmem_shared>> -> memref<20x128xf32, #tpu.memory_space<vmem_shared>>
        tpu.wait_dma2 semaphore(%dma_wait3A_1359 : memref<!tpu.dma_semaphore, #tpu.memory_space<semaphore_mem>>) src(%dma_wait3A_1367 : memref<20x128xf32, #tpu.memory_space<vmem_shared>>) dst(%dma_wait3A_1363 : memref<20x128xf32, #tpu.memory_space<hbm>>)
        %dma_wait3A_1368 = arith.constant 2 : i32
        %dma_wait3A_1369 = arith.constant 5 : i32
        %dma_wait3A_1370 = arith.constant 2 : i32
        %dma_wait3A_1371 = tpu.memref_slice %arg23[%dma_wait3A_1370] : memref<4x!tpu.dma_semaphore, #tpu.memory_space<semaphore_mem>> -> memref<1x!tpu.dma_semaphore, #tpu.memory_space<semaphore_mem>>
        %dma_wait3A_1372 = tpu.memref_squeeze %dma_wait3A_1371 : memref<1x!tpu.dma_semaphore, #tpu.memory_space<semaphore_mem>> -> memref<!tpu.dma_semaphore, #tpu.memory_space<semaphore_mem>>
        %dma_wait3A_1373 = arith.constant 0 : i32
        %dma_wait3A_1374 = arith.constant 0 : i32
        %dma_wait3A_1375 = tpu.memref_slice %arg9[%add3A_1354, %dma_wait3A_1373, %dma_wait3A_1369, %dma_wait3A_1374] : memref<1024x20x8x128xf32, #tpu.memory_space<hbm>> -> memref<1x20x1x128xf32, #tpu.memory_space<hbm>>
        %dma_wait3A_1376 = tpu.memref_squeeze %dma_wait3A_1375 : memref<1x20x1x128xf32, #tpu.memory_space<hbm>> -> memref<20x128xf32, #tpu.memory_space<hbm>>
        %dma_wait3A_1377 = arith.constant 20 : i32
        %dma_wait3A_1378 = arith.constant 0 : i32
        %dma_wait3A_1379 = tpu.memref_slice %arg19[%arg1, %dma_wait3A_1368, %dma_wait3A_1377, %dma_wait3A_1378] : memref<16x4x40x128xf32, #tpu.memory_space<vmem_shared>> -> memref<1x1x20x128xf32, #tpu.memory_space<vmem_shared>>
        %dma_wait3A_1380 = tpu.memref_squeeze %dma_wait3A_1379 : memref<1x1x20x128xf32, #tpu.memory_space<vmem_shared>> -> memref<20x128xf32, #tpu.memory_space<vmem_shared>>
        tpu.wait_dma2 semaphore(%dma_wait3A_1372 : memref<!tpu.dma_semaphore, #tpu.memory_space<semaphore_mem>>) src(%dma_wait3A_1380 : memref<20x128xf32, #tpu.memory_space<vmem_shared>>) dst(%dma_wait3A_1376 : memref<20x128xf32, #tpu.memory_space<hbm>>)
        %dma_start3A_1381 = arith.constant 2 : i32
        %dma_start3A_1382 = arith.constant 2 : i32
        %dma_start3A_1383 = arith.constant 0 : i32
        %dma_start3A_1384 = arith.constant 0 : i32
        %dma_start3A_1385 = tpu.memref_slice %arg19[%arg1, %dma_start3A_1381, %dma_start3A_1383, %dma_start3A_1384] : memref<16x4x40x128xf32, #tpu.memory_space<vmem_shared>> -> memref<1x1x40x128xf32, #tpu.memory_space<vmem_shared>>
        %dma_start3A_1386 = tpu.memref_squeeze %dma_start3A_1385 : memref<1x1x40x128xf32, #tpu.memory_space<vmem_shared>> -> memref<40x128xf32, #tpu.memory_space<vmem_shared>>
        %dma_start3A_1387 = tpu.memref_slice %arg22[%dma_start3A_1382] : memref<4x!tpu.dma_semaphore, #tpu.memory_space<semaphore_mem>> -> memref<1x!tpu.dma_semaphore, #tpu.memory_space<semaphore_mem>>
        %dma_start3A_1388 = tpu.memref_squeeze %dma_start3A_1387 : memref<1x!tpu.dma_semaphore, #tpu.memory_space<semaphore_mem>> -> memref<!tpu.dma_semaphore, #tpu.memory_space<semaphore_mem>>
        %dma_start3A_1389 = arith.constant 0 : i32
        %dma_start3A_1390 = arith.constant 0 : i32
        %dma_start3A_1391 = tpu.memref_slice %arg19[%arg1, %dma_start3A_1381, %dma_start3A_1389, %dma_start3A_1390] : memref<16x4x40x128xf32, #tpu.memory_space<vmem_shared>> -> memref<1x1x40x128xf32, #tpu.memory_space<vmem_shared>>
        %dma_start3A_1392 = tpu.memref_squeeze %dma_start3A_1391 : memref<1x1x40x128xf32, #tpu.memory_space<vmem_shared>> -> memref<40x128xf32, #tpu.memory_space<vmem_shared>>
        tpu.enqueue_dma source(%arg18 : memref<40x128xf32, #tpu.memory_space<vmem>>) target(%dma_start3A_1392 : memref<40x128xf32, #tpu.memory_space<vmem_shared>>) target_semaphore(%dma_start3A_1388 : memref<!tpu.dma_semaphore, #tpu.memory_space<semaphore_mem>>)
      } else {
      }
      %mul3A_695 = arith.constant 4 : i32
      %mul3A_696 = arith.muli %scan3A_488, %mul3A_695 : i32
      %add3A_697 = arith.constant 1 : i32
      %add3A_698 = arith.addi %mul3A_696, %add3A_697 : i32
      %dma_wait3A_699 = arith.constant 1 : i32
      %dma_wait3A_700 = arith.constant 1 : i32
      %dma_wait3A_701 = arith.constant 0 : i32
      %dma_wait3A_702 = arith.constant 0 : i32
      %dma_wait3A_703 = tpu.memref_slice %arg17[%dma_wait3A_699, %dma_wait3A_701, %dma_wait3A_702] : memref<4x64x128xf32, #tpu.memory_space<vmem>> -> memref<1x64x128xf32, #tpu.memory_space<vmem>>
      %dma_wait3A_704 = tpu.memref_squeeze %dma_wait3A_703 : memref<1x64x128xf32, #tpu.memory_space<vmem>> -> memref<64x128xf32, #tpu.memory_space<vmem>>
      %dma_wait3A_705 = arith.constant 0 : i32
      %dma_wait3A_706 = tpu.memref_slice %arg12[%add3A_698, %dma_wait3A_705] : memref<128x64xi32, #tpu.memory_space<vmem>> -> memref<1x64xi32, #tpu.memory_space<vmem>>
      %dma_wait3A_707 = tpu.memref_squeeze %dma_wait3A_706 : memref<1x64xi32, #tpu.memory_space<vmem>> -> memref<64xi32, #tpu.memory_space<vmem>>
      %dma_wait3A_708 = arith.constant 0 : i32
      %dma_wait3A_709 = arith.constant 0 : i32
      %dma_wait3A_710 = tpu.memref_slice %arg2[%dma_wait3A_708, %dma_wait3A_709] : memref<32768x128xf32, #tpu.memory_space<hbm>> -> memref<32768x128xf32, #tpu.memory_space<hbm>>
      %dma_wait3A_711 = tpu.memref_slice %arg21[%dma_wait3A_700] : memref<4x!tpu.dma_semaphore, #tpu.memory_space<semaphore_mem>> -> memref<1x!tpu.dma_semaphore, #tpu.memory_space<semaphore_mem>>
      %dma_wait3A_712 = tpu.memref_squeeze %dma_wait3A_711 : memref<1x!tpu.dma_semaphore, #tpu.memory_space<semaphore_mem>> -> memref<!tpu.dma_semaphore, #tpu.memory_space<semaphore_mem>>
      tpu.wait_indirect_dma semaphore(%dma_wait3A_712 : memref<!tpu.dma_semaphore, #tpu.memory_space<semaphore_mem>>) src(%dma_wait3A_710 : memref<32768x128xf32, #tpu.memory_space<hbm>>) dst(%dma_wait3A_704 : memref<64x128xf32, #tpu.memory_space<vmem>>)
      %add3A_713 = arith.constant 1 : i32
      %add3A_714 = arith.addi %add3A_698, %add3A_713 : i32
      %lt3A_715 = arith.constant 128 : i32
      %lt3A_716 = arith.cmpi slt, %add3A_714, %lt3A_715 : i32
      %convert_element_type3A_717 = arith.extui %lt3A_716 : i1 to i32
      %cond3A_718 = arith.constant 0 : i32
      %cond3A_719 = arith.cmpi ne, %convert_element_type3A_717, %cond3A_718 : i32
      scf.if %cond3A_719 {
        %add3A_1326 = arith.constant 1 : i32
        %add3A_1327 = arith.addi %add3A_698, %add3A_1326 : i32
        %dma_start3A_1328 = arith.constant 2 : i32
        %dma_start3A_1329 = arith.constant 2 : i32
        %dma_start3A_1330 = arith.constant 0 : i32
        %dma_start3A_1331 = arith.constant 0 : i32
        %dma_start3A_1332 = tpu.memref_slice %arg17[%dma_start3A_1328, %dma_start3A_1330, %dma_start3A_1331] : memref<4x64x128xf32, #tpu.memory_space<vmem>> -> memref<1x64x128xf32, #tpu.memory_space<vmem>>
        %dma_start3A_1333 = tpu.memref_squeeze %dma_start3A_1332 : memref<1x64x128xf32, #tpu.memory_space<vmem>> -> memref<64x128xf32, #tpu.memory_space<vmem>>
        %dma_start3A_1334 = arith.constant 0 : i32
        %dma_start3A_1335 = tpu.memref_slice %arg12[%add3A_1327, %dma_start3A_1334] : memref<128x64xi32, #tpu.memory_space<vmem>> -> memref<1x64xi32, #tpu.memory_space<vmem>>
        %dma_start3A_1336 = tpu.memref_squeeze %dma_start3A_1335 : memref<1x64xi32, #tpu.memory_space<vmem>> -> memref<64xi32, #tpu.memory_space<vmem>>
        %dma_start3A_1337 = arith.constant 0 : i32
        %dma_start3A_1338 = arith.constant 0 : i32
        %dma_start3A_1339 = tpu.memref_slice %arg2[%dma_start3A_1337, %dma_start3A_1338] : memref<32768x128xf32, #tpu.memory_space<hbm>> -> memref<32768x128xf32, #tpu.memory_space<hbm>>
        %dma_start3A_1340 = tpu.memref_slice %arg21[%dma_start3A_1329] : memref<4x!tpu.dma_semaphore, #tpu.memory_space<semaphore_mem>> -> memref<1x!tpu.dma_semaphore, #tpu.memory_space<semaphore_mem>>
        %dma_start3A_1341 = tpu.memref_squeeze %dma_start3A_1340 : memref<1x!tpu.dma_semaphore, #tpu.memory_space<semaphore_mem>> -> memref<!tpu.dma_semaphore, #tpu.memory_space<semaphore_mem>>
        tpu.enqueue_indirect_dma source(%dma_start3A_1339 : memref<32768x128xf32, #tpu.memory_space<hbm>>) target(%dma_start3A_1333 : memref<64x128xf32, #tpu.memory_space<vmem>>) offsets(%dma_start3A_1336 : memref<64xi32, #tpu.memory_space<vmem>>) semaphore(%dma_start3A_1341 : memref<!tpu.dma_semaphore, #tpu.memory_space<semaphore_mem>>)
      } else {
      }
      %broadcast_in_dim3A_720 = arith.constant 0 : i32
      %broadcast_in_dim3A_721 = vector.broadcast %broadcast_in_dim3A_720 : i32 to vector<16xi32>
      %add3A_722 = arith.addi %broadcast_in_dim3A_721, %iota3A : vector<16xi32>
      %broadcast_in_dim3A_723 = arith.constant 0 : i32
      %broadcast_in_dim3A_724 = vector.broadcast %broadcast_in_dim3A_723 : i32 to vector<16xi32>
      %get3A_725 = arith.index_cast %add3A_698 : i32 to index
      %get3A_726 = arith.constant 0 : index
      %get3A_727 = tpu.vector_load %arg14[%get3A_725, %get3A_726] {strides = array<i32>} : memref<128x64xf32, #tpu.memory_space<vmem>>, vector<16xf32>,
      %scatter3A_728 = arith.constant 1 : i32
      %scatter3A_729 = arith.constant 0 : i32
      %scatter3A_730 = arith.constant 0 : i32
      %scatter3A_731 = tpu.memref_slice %arg17[%scatter3A_728, %scatter3A_729, %scatter3A_730] : memref<4x64x128xf32, #tpu.memory_space<vmem>> -> memref<1x64x128xf32, #tpu.memory_space<vmem>>
      %scatter3A_732 = tpu.memref_squeeze %scatter3A_731 : memref<1x64x128xf32, #tpu.memory_space<vmem>> -> memref<64x128xf32, #tpu.memory_space<vmem>>
      tpu.vector_store_idx %scatter3A_732[%add3A_722, %broadcast_in_dim3A_724], %get3A_727 {add = true} : memref<64x128xf32, #tpu.memory_space<vmem>>[vector<16xi32>, vector<16xi32>], vector<16xf32>,
      %broadcast_in_dim3A_733 = arith.constant 1 : i32
      %broadcast_in_dim3A_734 = vector.broadcast %broadcast_in_dim3A_733 : i32 to vector<16xi32>
      %get3A_735 = arith.index_cast %add3A_698 : i32 to index
      %get3A_736 = arith.constant 0 : index
      %get3A_737 = tpu.vector_load %arg15[%get3A_735, %get3A_736] {strides = array<i32>} : memref<128x64xf32, #tpu.memory_space<vmem>>, vector<16xf32>,
      %scatter3A_738 = arith.constant 1 : i32
      %scatter3A_739 = arith.constant 0 : i32
      %scatter3A_740 = arith.constant 0 : i32
      %scatter3A_741 = tpu.memref_slice %arg17[%scatter3A_738, %scatter3A_739, %scatter3A_740] : memref<4x64x128xf32, #tpu.memory_space<vmem>> -> memref<1x64x128xf32, #tpu.memory_space<vmem>>
      %scatter3A_742 = tpu.memref_squeeze %scatter3A_741 : memref<1x64x128xf32, #tpu.memory_space<vmem>> -> memref<64x128xf32, #tpu.memory_space<vmem>>
      tpu.vector_store_idx %scatter3A_742[%add3A_722, %broadcast_in_dim3A_734], %get3A_737 {add = true} : memref<64x128xf32, #tpu.memory_space<vmem>>[vector<16xi32>, vector<16xi32>], vector<16xf32>,
      %broadcast_in_dim3A_743 = arith.constant 2 : i32
      %broadcast_in_dim3A_744 = vector.broadcast %broadcast_in_dim3A_743 : i32 to vector<16xi32>
      %get3A_745 = arith.index_cast %add3A_698 : i32 to index
      %get3A_746 = arith.constant 0 : index
      %get3A_747 = tpu.vector_load %arg16[%get3A_745, %get3A_746] {strides = array<i32>} : memref<128x64xf32, #tpu.memory_space<vmem>>, vector<16xf32>,
      %scatter3A_748 = arith.constant 1 : i32
      %scatter3A_749 = arith.constant 0 : i32
      %scatter3A_750 = arith.constant 0 : i32
      %scatter3A_751 = tpu.memref_slice %arg17[%scatter3A_748, %scatter3A_749, %scatter3A_750] : memref<4x64x128xf32, #tpu.memory_space<vmem>> -> memref<1x64x128xf32, #tpu.memory_space<vmem>>
      %scatter3A_752 = tpu.memref_squeeze %scatter3A_751 : memref<1x64x128xf32, #tpu.memory_space<vmem>> -> memref<64x128xf32, #tpu.memory_space<vmem>>
      tpu.vector_store_idx %scatter3A_752[%add3A_722, %broadcast_in_dim3A_744], %get3A_747 {add = true} : memref<64x128xf32, #tpu.memory_space<vmem>>[vector<16xi32>, vector<16xi32>], vector<16xf32>,
      %broadcast_in_dim3A_753 = arith.constant 16 : i32
      %broadcast_in_dim3A_754 = vector.broadcast %broadcast_in_dim3A_753 : i32 to vector<16xi32>
      %add3A_755 = arith.addi %broadcast_in_dim3A_754, %iota3A : vector<16xi32>
      %broadcast_in_dim3A_756 = arith.constant 0 : i32
      %broadcast_in_dim3A_757 = vector.broadcast %broadcast_in_dim3A_756 : i32 to vector<16xi32>
      %get3A_758 = arith.index_cast %add3A_698 : i32 to index
      %get3A_759 = arith.constant 16 : index
      %get3A_760 = tpu.vector_load %arg14[%get3A_758, %get3A_759] {strides = array<i32>} : memref<128x64xf32, #tpu.memory_space<vmem>>, vector<16xf32>,
      %scatter3A_761 = arith.constant 1 : i32
      %scatter3A_762 = arith.constant 0 : i32
      %scatter3A_763 = arith.constant 0 : i32
      %scatter3A_764 = tpu.memref_slice %arg17[%scatter3A_761, %scatter3A_762, %scatter3A_763] : memref<4x64x128xf32, #tpu.memory_space<vmem>> -> memref<1x64x128xf32, #tpu.memory_space<vmem>>
      %scatter3A_765 = tpu.memref_squeeze %scatter3A_764 : memref<1x64x128xf32, #tpu.memory_space<vmem>> -> memref<64x128xf32, #tpu.memory_space<vmem>>
      tpu.vector_store_idx %scatter3A_765[%add3A_755, %broadcast_in_dim3A_757], %get3A_760 {add = true} : memref<64x128xf32, #tpu.memory_space<vmem>>[vector<16xi32>, vector<16xi32>], vector<16xf32>,
      %broadcast_in_dim3A_766 = arith.constant 1 : i32
      %broadcast_in_dim3A_767 = vector.broadcast %broadcast_in_dim3A_766 : i32 to vector<16xi32>
      %get3A_768 = arith.index_cast %add3A_698 : i32 to index
      %get3A_769 = arith.constant 16 : index
      %get3A_770 = tpu.vector_load %arg15[%get3A_768, %get3A_769] {strides = array<i32>} : memref<128x64xf32, #tpu.memory_space<vmem>>, vector<16xf32>,
      %scatter3A_771 = arith.constant 1 : i32
      %scatter3A_772 = arith.constant 0 : i32
      %scatter3A_773 = arith.constant 0 : i32
      %scatter3A_774 = tpu.memref_slice %arg17[%scatter3A_771, %scatter3A_772, %scatter3A_773] : memref<4x64x128xf32, #tpu.memory_space<vmem>> -> memref<1x64x128xf32, #tpu.memory_space<vmem>>
      %scatter3A_775 = tpu.memref_squeeze %scatter3A_774 : memref<1x64x128xf32, #tpu.memory_space<vmem>> -> memref<64x128xf32, #tpu.memory_space<vmem>>
      tpu.vector_store_idx %scatter3A_775[%add3A_755, %broadcast_in_dim3A_767], %get3A_770 {add = true} : memref<64x128xf32, #tpu.memory_space<vmem>>[vector<16xi32>, vector<16xi32>], vector<16xf32>,
      %broadcast_in_dim3A_776 = arith.constant 2 : i32
      %broadcast_in_dim3A_777 = vector.broadcast %broadcast_in_dim3A_776 : i32 to vector<16xi32>
      %get3A_778 = arith.index_cast %add3A_698 : i32 to index
      %get3A_779 = arith.constant 16 : index
      %get3A_780 = tpu.vector_load %arg16[%get3A_778, %get3A_779] {strides = array<i32>} : memref<128x64xf32, #tpu.memory_space<vmem>>, vector<16xf32>,
      %scatter3A_781 = arith.constant 1 : i32
      %scatter3A_782 = arith.constant 0 : i32
      %scatter3A_783 = arith.constant 0 : i32
      %scatter3A_784 = tpu.memref_slice %arg17[%scatter3A_781, %scatter3A_782, %scatter3A_783] : memref<4x64x128xf32, #tpu.memory_space<vmem>> -> memref<1x64x128xf32, #tpu.memory_space<vmem>>
      %scatter3A_785 = tpu.memref_squeeze %scatter3A_784 : memref<1x64x128xf32, #tpu.memory_space<vmem>> -> memref<64x128xf32, #tpu.memory_space<vmem>>
      tpu.vector_store_idx %scatter3A_785[%add3A_755, %broadcast_in_dim3A_777], %get3A_780 {add = true} : memref<64x128xf32, #tpu.memory_space<vmem>>[vector<16xi32>, vector<16xi32>], vector<16xf32>,
      %broadcast_in_dim3A_786 = arith.constant 32 : i32
      %broadcast_in_dim3A_787 = vector.broadcast %broadcast_in_dim3A_786 : i32 to vector<16xi32>
      %add3A_788 = arith.addi %broadcast_in_dim3A_787, %iota3A : vector<16xi32>
      %broadcast_in_dim3A_789 = arith.constant 0 : i32
      %broadcast_in_dim3A_790 = vector.broadcast %broadcast_in_dim3A_789 : i32 to vector<16xi32>
      %get3A_791 = arith.index_cast %add3A_698 : i32 to index
      %get3A_792 = arith.constant 32 : index
      %get3A_793 = tpu.vector_load %arg14[%get3A_791, %get3A_792] {strides = array<i32>} : memref<128x64xf32, #tpu.memory_space<vmem>>, vector<16xf32>,
      %scatter3A_794 = arith.constant 1 : i32
      %scatter3A_795 = arith.constant 0 : i32
      %scatter3A_796 = arith.constant 0 : i32
      %scatter3A_797 = tpu.memref_slice %arg17[%scatter3A_794, %scatter3A_795, %scatter3A_796] : memref<4x64x128xf32, #tpu.memory_space<vmem>> -> memref<1x64x128xf32, #tpu.memory_space<vmem>>
      %scatter3A_798 = tpu.memref_squeeze %scatter3A_797 : memref<1x64x128xf32, #tpu.memory_space<vmem>> -> memref<64x128xf32, #tpu.memory_space<vmem>>
      tpu.vector_store_idx %scatter3A_798[%add3A_788, %broadcast_in_dim3A_790], %get3A_793 {add = true} : memref<64x128xf32, #tpu.memory_space<vmem>>[vector<16xi32>, vector<16xi32>], vector<16xf32>,
      %broadcast_in_dim3A_799 = arith.constant 1 : i32
      %broadcast_in_dim3A_800 = vector.broadcast %broadcast_in_dim3A_799 : i32 to vector<16xi32>
      %get3A_801 = arith.index_cast %add3A_698 : i32 to index
      %get3A_802 = arith.constant 32 : index
      %get3A_803 = tpu.vector_load %arg15[%get3A_801, %get3A_802] {strides = array<i32>} : memref<128x64xf32, #tpu.memory_space<vmem>>, vector<16xf32>,
      %scatter3A_804 = arith.constant 1 : i32
      %scatter3A_805 = arith.constant 0 : i32
      %scatter3A_806 = arith.constant 0 : i32
      %scatter3A_807 = tpu.memref_slice %arg17[%scatter3A_804, %scatter3A_805, %scatter3A_806] : memref<4x64x128xf32, #tpu.memory_space<vmem>> -> memref<1x64x128xf32, #tpu.memory_space<vmem>>
      %scatter3A_808 = tpu.memref_squeeze %scatter3A_807 : memref<1x64x128xf32, #tpu.memory_space<vmem>> -> memref<64x128xf32, #tpu.memory_space<vmem>>
      tpu.vector_store_idx %scatter3A_808[%add3A_788, %broadcast_in_dim3A_800], %get3A_803 {add = true} : memref<64x128xf32, #tpu.memory_space<vmem>>[vector<16xi32>, vector<16xi32>], vector<16xf32>,
      %broadcast_in_dim3A_809 = arith.constant 2 : i32
      %broadcast_in_dim3A_810 = vector.broadcast %broadcast_in_dim3A_809 : i32 to vector<16xi32>
      %get3A_811 = arith.index_cast %add3A_698 : i32 to index
      %get3A_812 = arith.constant 32 : index
      %get3A_813 = tpu.vector_load %arg16[%get3A_811, %get3A_812] {strides = array<i32>} : memref<128x64xf32, #tpu.memory_space<vmem>>, vector<16xf32>,
      %scatter3A_814 = arith.constant 1 : i32
      %scatter3A_815 = arith.constant 0 : i32
      %scatter3A_816 = arith.constant 0 : i32
      %scatter3A_817 = tpu.memref_slice %arg17[%scatter3A_814, %scatter3A_815, %scatter3A_816] : memref<4x64x128xf32, #tpu.memory_space<vmem>> -> memref<1x64x128xf32, #tpu.memory_space<vmem>>
      %scatter3A_818 = tpu.memref_squeeze %scatter3A_817 : memref<1x64x128xf32, #tpu.memory_space<vmem>> -> memref<64x128xf32, #tpu.memory_space<vmem>>
      tpu.vector_store_idx %scatter3A_818[%add3A_788, %broadcast_in_dim3A_810], %get3A_813 {add = true} : memref<64x128xf32, #tpu.memory_space<vmem>>[vector<16xi32>, vector<16xi32>], vector<16xf32>,
      %broadcast_in_dim3A_819 = arith.constant 48 : i32
      %broadcast_in_dim3A_820 = vector.broadcast %broadcast_in_dim3A_819 : i32 to vector<16xi32>
      %add3A_821 = arith.addi %broadcast_in_dim3A_820, %iota3A : vector<16xi32>
      %broadcast_in_dim3A_822 = arith.constant 0 : i32
      %broadcast_in_dim3A_823 = vector.broadcast %broadcast_in_dim3A_822 : i32 to vector<16xi32>
      %get3A_824 = arith.index_cast %add3A_698 : i32 to index
      %get3A_825 = arith.constant 48 : index
      %get3A_826 = tpu.vector_load %arg14[%get3A_824, %get3A_825] {strides = array<i32>} : memref<128x64xf32, #tpu.memory_space<vmem>>, vector<16xf32>,
      %scatter3A_827 = arith.constant 1 : i32
      %scatter3A_828 = arith.constant 0 : i32
      %scatter3A_829 = arith.constant 0 : i32
      %scatter3A_830 = tpu.memref_slice %arg17[%scatter3A_827, %scatter3A_828, %scatter3A_829] : memref<4x64x128xf32, #tpu.memory_space<vmem>> -> memref<1x64x128xf32, #tpu.memory_space<vmem>>
      %scatter3A_831 = tpu.memref_squeeze %scatter3A_830 : memref<1x64x128xf32, #tpu.memory_space<vmem>> -> memref<64x128xf32, #tpu.memory_space<vmem>>
      tpu.vector_store_idx %scatter3A_831[%add3A_821, %broadcast_in_dim3A_823], %get3A_826 {add = true} : memref<64x128xf32, #tpu.memory_space<vmem>>[vector<16xi32>, vector<16xi32>], vector<16xf32>,
      %broadcast_in_dim3A_832 = arith.constant 1 : i32
      %broadcast_in_dim3A_833 = vector.broadcast %broadcast_in_dim3A_832 : i32 to vector<16xi32>
      %get3A_834 = arith.index_cast %add3A_698 : i32 to index
      %get3A_835 = arith.constant 48 : index
      %get3A_836 = tpu.vector_load %arg15[%get3A_834, %get3A_835] {strides = array<i32>} : memref<128x64xf32, #tpu.memory_space<vmem>>, vector<16xf32>,
      %scatter3A_837 = arith.constant 1 : i32
      %scatter3A_838 = arith.constant 0 : i32
      %scatter3A_839 = arith.constant 0 : i32
      %scatter3A_840 = tpu.memref_slice %arg17[%scatter3A_837, %scatter3A_838, %scatter3A_839] : memref<4x64x128xf32, #tpu.memory_space<vmem>> -> memref<1x64x128xf32, #tpu.memory_space<vmem>>
      %scatter3A_841 = tpu.memref_squeeze %scatter3A_840 : memref<1x64x128xf32, #tpu.memory_space<vmem>> -> memref<64x128xf32, #tpu.memory_space<vmem>>
      tpu.vector_store_idx %scatter3A_841[%add3A_821, %broadcast_in_dim3A_833], %get3A_836 {add = true} : memref<64x128xf32, #tpu.memory_space<vmem>>[vector<16xi32>, vector<16xi32>], vector<16xf32>,
      %broadcast_in_dim3A_842 = arith.constant 2 : i32
      %broadcast_in_dim3A_843 = vector.broadcast %broadcast_in_dim3A_842 : i32 to vector<16xi32>
      %get3A_844 = arith.index_cast %add3A_698 : i32 to index
      %get3A_845 = arith.constant 48 : index
      %get3A_846 = tpu.vector_load %arg16[%get3A_844, %get3A_845] {strides = array<i32>} : memref<128x64xf32, #tpu.memory_space<vmem>>, vector<16xf32>,
      %scatter3A_847 = arith.constant 1 : i32
      %scatter3A_848 = arith.constant 0 : i32
      %scatter3A_849 = arith.constant 0 : i32
      %scatter3A_850 = tpu.memref_slice %arg17[%scatter3A_847, %scatter3A_848, %scatter3A_849] : memref<4x64x128xf32, #tpu.memory_space<vmem>> -> memref<1x64x128xf32, #tpu.memory_space<vmem>>
      %scatter3A_851 = tpu.memref_squeeze %scatter3A_850 : memref<1x64x128xf32, #tpu.memory_space<vmem>> -> memref<64x128xf32, #tpu.memory_space<vmem>>
      tpu.vector_store_idx %scatter3A_851[%add3A_821, %broadcast_in_dim3A_843], %get3A_846 {add = true} : memref<64x128xf32, #tpu.memory_space<vmem>>[vector<16xi32>, vector<16xi32>], vector<16xf32>,
      %dma_wait3A_852 = arith.constant 1 : i32
      %dma_wait3A_853 = arith.constant 1 : i32
      %dma_wait3A_854 = arith.constant 0 : i32
      %dma_wait3A_855 = arith.constant 0 : i32
      %dma_wait3A_856 = tpu.memref_slice %arg19[%arg1, %dma_wait3A_852, %dma_wait3A_854, %dma_wait3A_855] : memref<16x4x40x128xf32, #tpu.memory_space<vmem_shared>> -> memref<1x1x40x128xf32, #tpu.memory_space<vmem_shared>>
      %dma_wait3A_857 = tpu.memref_squeeze %dma_wait3A_856 : memref<1x1x40x128xf32, #tpu.memory_space<vmem_shared>> -> memref<40x128xf32, #tpu.memory_space<vmem_shared>>
      %dma_wait3A_858 = tpu.memref_slice %arg22[%dma_wait3A_853] : memref<4x!tpu.dma_semaphore, #tpu.memory_space<semaphore_mem>> -> memref<1x!tpu.dma_semaphore, #tpu.memory_space<semaphore_mem>>
      %dma_wait3A_859 = tpu.memref_squeeze %dma_wait3A_858 : memref<1x!tpu.dma_semaphore, #tpu.memory_space<semaphore_mem>> -> memref<!tpu.dma_semaphore, #tpu.memory_space<semaphore_mem>>
      %dma_wait3A_860 = arith.constant 0 : i32
      %dma_wait3A_861 = arith.constant 0 : i32
      %dma_wait3A_862 = tpu.memref_slice %arg19[%arg1, %dma_wait3A_852, %dma_wait3A_860, %dma_wait3A_861] : memref<16x4x40x128xf32, #tpu.memory_space<vmem_shared>> -> memref<1x1x40x128xf32, #tpu.memory_space<vmem_shared>>
      %dma_wait3A_863 = tpu.memref_squeeze %dma_wait3A_862 : memref<1x1x40x128xf32, #tpu.memory_space<vmem_shared>> -> memref<40x128xf32, #tpu.memory_space<vmem_shared>>
      tpu.wait_dma2 semaphore(%dma_wait3A_859 : memref<!tpu.dma_semaphore, #tpu.memory_space<semaphore_mem>>) src(%arg18 : memref<40x128xf32, #tpu.memory_space<vmem>>) dst(%dma_wait3A_863 : memref<40x128xf32, #tpu.memory_space<vmem_shared>>)
      %run_scoped3A_864 = arith.constant 1 : i32
      %run_scoped3A_865 = arith.constant 1 : i32
      "tpu.region"() ({
        %run_scoped3A_1326 = tpu.sem_alloc : memref<!tpu.dma_semaphore, #tpu.memory_space<semaphore_mem>>
        %dma_start3A_1327 = arith.constant 0 : i32
        %dma_start3A_1328 = arith.constant 0 : i32
        %dma_start3A_1329 = tpu.memref_slice %arg17[%run_scoped3A_864, %dma_start3A_1327, %dma_start3A_1328] : memref<4x64x128xf32, #tpu.memory_space<vmem>> -> memref<1x64x128xf32, #tpu.memory_space<vmem>>
        %dma_start3A_1330 = tpu.memref_squeeze %dma_start3A_1329 : memref<1x64x128xf32, #tpu.memory_space<vmem>> -> memref<64x128xf32, #tpu.memory_space<vmem>>
        %dma_start3A_1331 = arith.constant 0 : i32
        %dma_start3A_1332 = tpu.memref_slice %arg13[%add3A_698, %dma_start3A_1331] : memref<128x64xi32, #tpu.memory_space<vmem>> -> memref<1x64xi32, #tpu.memory_space<vmem>>
        %dma_start3A_1333 = tpu.memref_squeeze %dma_start3A_1332 : memref<1x64xi32, #tpu.memory_space<vmem>> -> memref<64xi32, #tpu.memory_space<vmem>>
        %dma_start3A_1334 = arith.constant 0 : i32
        %dma_start3A_1335 = arith.constant 0 : i32
        %dma_start3A_1336 = tpu.memref_slice %arg19[%arg1, %run_scoped3A_865, %dma_start3A_1334, %dma_start3A_1335] : memref<16x4x40x128xf32, #tpu.memory_space<vmem_shared>> -> memref<1x1x40x128xf32, #tpu.memory_space<vmem_shared>>
        %dma_start3A_1337 = tpu.memref_squeeze %dma_start3A_1336 : memref<1x1x40x128xf32, #tpu.memory_space<vmem_shared>> -> memref<40x128xf32, #tpu.memory_space<vmem_shared>>
        %dma_start3A_1338 = arith.constant 0 : i32
        %dma_start3A_1339 = arith.constant 0 : i32
        %dma_start3A_1340 = tpu.memref_slice %dma_start3A_1337[%dma_start3A_1338, %dma_start3A_1339] : memref<40x128xf32, #tpu.memory_space<vmem_shared>> -> memref<40x128xf32, #tpu.memory_space<vmem_shared>>
        tpu.enqueue_indirect_dma source(%dma_start3A_1330 : memref<64x128xf32, #tpu.memory_space<vmem>>) target(%dma_start3A_1340 : memref<40x128xf32, #tpu.memory_space<vmem_shared>>) offsets(%dma_start3A_1333 : memref<64xi32, #tpu.memory_space<vmem>>) semaphore(%run_scoped3A_1326 : memref<!tpu.dma_semaphore, #tpu.memory_space<semaphore_mem>>) {add = true}
        %dma_wait3A_1341 = arith.constant 0 : i32
        %dma_wait3A_1342 = arith.constant 0 : i32
        %dma_wait3A_1343 = tpu.memref_slice %arg17[%run_scoped3A_864, %dma_wait3A_1341, %dma_wait3A_1342] : memref<4x64x128xf32, #tpu.memory_space<vmem>> -> memref<1x64x128xf32, #tpu.memory_space<vmem>>
        %dma_wait3A_1344 = tpu.memref_squeeze %dma_wait3A_1343 : memref<1x64x128xf32, #tpu.memory_space<vmem>> -> memref<64x128xf32, #tpu.memory_space<vmem>>
        %dma_wait3A_1345 = arith.constant 0 : i32
        %dma_wait3A_1346 = tpu.memref_slice %arg13[%add3A_698, %dma_wait3A_1345] : memref<128x64xi32, #tpu.memory_space<vmem>> -> memref<1x64xi32, #tpu.memory_space<vmem>>
        %dma_wait3A_1347 = tpu.memref_squeeze %dma_wait3A_1346 : memref<1x64xi32, #tpu.memory_space<vmem>> -> memref<64xi32, #tpu.memory_space<vmem>>
        %dma_wait3A_1348 = arith.constant 0 : i32
        %dma_wait3A_1349 = arith.constant 0 : i32
        %dma_wait3A_1350 = tpu.memref_slice %arg19[%arg1, %run_scoped3A_865, %dma_wait3A_1348, %dma_wait3A_1349] : memref<16x4x40x128xf32, #tpu.memory_space<vmem_shared>> -> memref<1x1x40x128xf32, #tpu.memory_space<vmem_shared>>
        %dma_wait3A_1351 = tpu.memref_squeeze %dma_wait3A_1350 : memref<1x1x40x128xf32, #tpu.memory_space<vmem_shared>> -> memref<40x128xf32, #tpu.memory_space<vmem_shared>>
        %dma_wait3A_1352 = arith.constant 0 : i32
        %dma_wait3A_1353 = arith.constant 0 : i32
        %dma_wait3A_1354 = tpu.memref_slice %dma_wait3A_1351[%dma_wait3A_1352, %dma_wait3A_1353] : memref<40x128xf32, #tpu.memory_space<vmem_shared>> -> memref<40x128xf32, #tpu.memory_space<vmem_shared>>
        tpu.wait_indirect_dma semaphore(%run_scoped3A_1326 : memref<!tpu.dma_semaphore, #tpu.memory_space<semaphore_mem>>) src(%dma_wait3A_1344 : memref<64x128xf32, #tpu.memory_space<vmem>>) dst(%dma_wait3A_1354 : memref<40x128xf32, #tpu.memory_space<vmem_shared>>)
        tpu.yield
      }) : () -> ()
      %mul3A_866 = arith.constant 32 : i32
      %mul3A_867 = arith.muli %add3A, %mul3A_866 : i32
      %add3A_868 = arith.addi %mul3A_867, %scan3A_488 : i32
      %dma_start3A_869 = arith.constant 1 : i32
      %dma_start3A_870 = arith.constant 2 : i32
      %dma_start3A_871 = arith.constant 1 : i32
      %dma_start3A_872 = tpu.memref_slice %arg23[%dma_start3A_871] : memref<4x!tpu.dma_semaphore, #tpu.memory_space<semaphore_mem>> -> memref<1x!tpu.dma_semaphore, #tpu.memory_space<semaphore_mem>>
      %dma_start3A_873 = tpu.memref_squeeze %dma_start3A_872 : memref<1x!tpu.dma_semaphore, #tpu.memory_space<semaphore_mem>> -> memref<!tpu.dma_semaphore, #tpu.memory_space<semaphore_mem>>
      %dma_start3A_874 = arith.constant 0 : i32
      %dma_start3A_875 = arith.constant 0 : i32
      %dma_start3A_876 = tpu.memref_slice %arg9[%add3A_868, %dma_start3A_874, %dma_start3A_870, %dma_start3A_875] : memref<1024x20x8x128xf32, #tpu.memory_space<hbm>> -> memref<1x20x1x128xf32, #tpu.memory_space<hbm>>
      %dma_start3A_877 = tpu.memref_squeeze %dma_start3A_876 : memref<1x20x1x128xf32, #tpu.memory_space<hbm>> -> memref<20x128xf32, #tpu.memory_space<hbm>>
      %dma_start3A_878 = arith.constant 0 : i32
      %dma_start3A_879 = arith.constant 0 : i32
      %dma_start3A_880 = tpu.memref_slice %arg19[%arg1, %dma_start3A_869, %dma_start3A_878, %dma_start3A_879] : memref<16x4x40x128xf32, #tpu.memory_space<vmem_shared>> -> memref<1x1x20x128xf32, #tpu.memory_space<vmem_shared>>
      %dma_start3A_881 = tpu.memref_squeeze %dma_start3A_880 : memref<1x1x20x128xf32, #tpu.memory_space<vmem_shared>> -> memref<20x128xf32, #tpu.memory_space<vmem_shared>>
      tpu.enqueue_dma source(%dma_start3A_881 : memref<20x128xf32, #tpu.memory_space<vmem_shared>>) target(%dma_start3A_877 : memref<20x128xf32, #tpu.memory_space<hbm>>) target_semaphore(%dma_start3A_873 : memref<!tpu.dma_semaphore, #tpu.memory_space<semaphore_mem>>)
      %dma_start3A_882 = arith.constant 1 : i32
      %dma_start3A_883 = arith.constant 3 : i32
      %dma_start3A_884 = arith.constant 1 : i32
      %dma_start3A_885 = tpu.memref_slice %arg23[%dma_start3A_884] : memref<4x!tpu.dma_semaphore, #tpu.memory_space<semaphore_mem>> -> memref<1x!tpu.dma_semaphore, #tpu.memory_space<semaphore_mem>>
      %dma_start3A_886 = tpu.memref_squeeze %dma_start3A_885 : memref<1x!tpu.dma_semaphore, #tpu.memory_space<semaphore_mem>> -> memref<!tpu.dma_semaphore, #tpu.memory_space<semaphore_mem>>
      %dma_start3A_887 = arith.constant 0 : i32
      %dma_start3A_888 = arith.constant 0 : i32
      %dma_start3A_889 = tpu.memref_slice %arg9[%add3A_868, %dma_start3A_887, %dma_start3A_883, %dma_start3A_888] : memref<1024x20x8x128xf32, #tpu.memory_space<hbm>> -> memref<1x20x1x128xf32, #tpu.memory_space<hbm>>
      %dma_start3A_890 = tpu.memref_squeeze %dma_start3A_889 : memref<1x20x1x128xf32, #tpu.memory_space<hbm>> -> memref<20x128xf32, #tpu.memory_space<hbm>>
      %dma_start3A_891 = arith.constant 20 : i32
      %dma_start3A_892 = arith.constant 0 : i32
      %dma_start3A_893 = tpu.memref_slice %arg19[%arg1, %dma_start3A_882, %dma_start3A_891, %dma_start3A_892] : memref<16x4x40x128xf32, #tpu.memory_space<vmem_shared>> -> memref<1x1x20x128xf32, #tpu.memory_space<vmem_shared>>
      %dma_start3A_894 = tpu.memref_squeeze %dma_start3A_893 : memref<1x1x20x128xf32, #tpu.memory_space<vmem_shared>> -> memref<20x128xf32, #tpu.memory_space<vmem_shared>>
      tpu.enqueue_dma source(%dma_start3A_894 : memref<20x128xf32, #tpu.memory_space<vmem_shared>>) target(%dma_start3A_890 : memref<20x128xf32, #tpu.memory_space<hbm>>) target_semaphore(%dma_start3A_886 : memref<!tpu.dma_semaphore, #tpu.memory_space<semaphore_mem>>)
      %ge3A_895 = arith.constant 2 : i32
      %ge3A_896 = arith.cmpi sge, %add3A_698, %ge3A_895 : i32
      %add3A_897 = arith.constant 2 : i32
      %add3A_898 = arith.addi %add3A_698, %add3A_897 : i32
      %lt3A_899 = arith.constant 128 : i32
      %lt3A_900 = arith.cmpi slt, %add3A_898, %lt3A_899 : i32
      %and3A_901 = arith.andi %ge3A_896, %lt3A_900 : i1
      %convert_element_type3A_902 = arith.extui %and3A_901 : i1 to i32
      %cond3A_903 = arith.constant 0 : i32
      %cond3A_904 = arith.cmpi ne, %convert_element_type3A_902, %cond3A_903 : i32
      scf.if %cond3A_904 {
        %mul3A_1326 = arith.constant 32 : i32
        %mul3A_1327 = arith.muli %add3A, %mul3A_1326 : i32
        %sub3A_1328 = arith.constant 2 : i32
        %sub3A_1329 = arith.subi %add3A_698, %sub3A_1328 : i32
        %jit3A_1330 = arith.constant 4 : i32
        %div3A_1331 = arith.divsi %sub3A_1329, %jit3A_1330 : i32
        %sign3A_1332 = arith.constant 0 : i32
        %sign3A_1333 = arith.cmpi sgt, %sub3A_1329, %sign3A_1332 : i32
        %sign3A_1334 = arith.extui %sign3A_1333 : i1 to i32
        %sign3A_1335 = arith.constant 0 : i32
        %sign3A_1336 = arith.cmpi slt, %sub3A_1329, %sign3A_1335 : i32
        %sign3A_1337 = arith.extui %sign3A_1336 : i1 to i32
        %sign3A_1338 = arith.subi %sign3A_1334, %sign3A_1337 : i32
        %sign3A_1339 = arith.constant 0 : i32
        %sign3A_1340 = arith.cmpi sgt, %jit3A_1330, %sign3A_1339 : i32
        %sign3A_1341 = arith.extui %sign3A_1340 : i1 to i32
        %sign3A_1342 = arith.constant 0 : i32
        %sign3A_1343 = arith.cmpi slt, %jit3A_1330, %sign3A_1342 : i32
        %sign3A_1344 = arith.extui %sign3A_1343 : i1 to i32
        %sign3A_1345 = arith.subi %sign3A_1341, %sign3A_1344 : i32
        %ne3A_1346 = arith.cmpi ne, %sign3A_1338, %sign3A_1345 : i32
        %rem3A_1347 = arith.remsi %sub3A_1329, %jit3A_1330 : i32
        %ne3A_1348 = arith.constant 0 : i32
        %ne3A_1349 = arith.cmpi ne, %rem3A_1347, %ne3A_1348 : i32
        %and3A_1350 = arith.andi %ne3A_1346, %ne3A_1349 : i1
        %sub3A_1351 = arith.constant 1 : i32
        %sub3A_1352 = arith.subi %div3A_1331, %sub3A_1351 : i32
        %select_n3A_1353 = arith.select %and3A_1350, %sub3A_1352, %div3A_1331 : i32
        %add3A_1354 = arith.addi %mul3A_1327, %select_n3A_1353 : i32
        %dma_wait3A_1355 = arith.constant 3 : i32
        %dma_wait3A_1356 = arith.constant 6 : i32
        %dma_wait3A_1357 = arith.constant 3 : i32
        %dma_wait3A_1358 = tpu.memref_slice %arg23[%dma_wait3A_1357] : memref<4x!tpu.dma_semaphore, #tpu.memory_space<semaphore_mem>> -> memref<1x!tpu.dma_semaphore, #tpu.memory_space<semaphore_mem>>
        %dma_wait3A_1359 = tpu.memref_squeeze %dma_wait3A_1358 : memref<1x!tpu.dma_semaphore, #tpu.memory_space<semaphore_mem>> -> memref<!tpu.dma_semaphore, #tpu.memory_space<semaphore_mem>>
        %dma_wait3A_1360 = arith.constant 0 : i32
        %dma_wait3A_1361 = arith.constant 0 : i32
        %dma_wait3A_1362 = tpu.memref_slice %arg9[%add3A_1354, %dma_wait3A_1360, %dma_wait3A_1356, %dma_wait3A_1361] : memref<1024x20x8x128xf32, #tpu.memory_space<hbm>> -> memref<1x20x1x128xf32, #tpu.memory_space<hbm>>
        %dma_wait3A_1363 = tpu.memref_squeeze %dma_wait3A_1362 : memref<1x20x1x128xf32, #tpu.memory_space<hbm>> -> memref<20x128xf32, #tpu.memory_space<hbm>>
        %dma_wait3A_1364 = arith.constant 0 : i32
        %dma_wait3A_1365 = arith.constant 0 : i32
        %dma_wait3A_1366 = tpu.memref_slice %arg19[%arg1, %dma_wait3A_1355, %dma_wait3A_1364, %dma_wait3A_1365] : memref<16x4x40x128xf32, #tpu.memory_space<vmem_shared>> -> memref<1x1x20x128xf32, #tpu.memory_space<vmem_shared>>
        %dma_wait3A_1367 = tpu.memref_squeeze %dma_wait3A_1366 : memref<1x1x20x128xf32, #tpu.memory_space<vmem_shared>> -> memref<20x128xf32, #tpu.memory_space<vmem_shared>>
        tpu.wait_dma2 semaphore(%dma_wait3A_1359 : memref<!tpu.dma_semaphore, #tpu.memory_space<semaphore_mem>>) src(%dma_wait3A_1367 : memref<20x128xf32, #tpu.memory_space<vmem_shared>>) dst(%dma_wait3A_1363 : memref<20x128xf32, #tpu.memory_space<hbm>>)
        %dma_wait3A_1368 = arith.constant 3 : i32
        %dma_wait3A_1369 = arith.constant 7 : i32
        %dma_wait3A_1370 = arith.constant 3 : i32
        %dma_wait3A_1371 = tpu.memref_slice %arg23[%dma_wait3A_1370] : memref<4x!tpu.dma_semaphore, #tpu.memory_space<semaphore_mem>> -> memref<1x!tpu.dma_semaphore, #tpu.memory_space<semaphore_mem>>
        %dma_wait3A_1372 = tpu.memref_squeeze %dma_wait3A_1371 : memref<1x!tpu.dma_semaphore, #tpu.memory_space<semaphore_mem>> -> memref<!tpu.dma_semaphore, #tpu.memory_space<semaphore_mem>>
        %dma_wait3A_1373 = arith.constant 0 : i32
        %dma_wait3A_1374 = arith.constant 0 : i32
        %dma_wait3A_1375 = tpu.memref_slice %arg9[%add3A_1354, %dma_wait3A_1373, %dma_wait3A_1369, %dma_wait3A_1374] : memref<1024x20x8x128xf32, #tpu.memory_space<hbm>> -> memref<1x20x1x128xf32, #tpu.memory_space<hbm>>
        %dma_wait3A_1376 = tpu.memref_squeeze %dma_wait3A_1375 : memref<1x20x1x128xf32, #tpu.memory_space<hbm>> -> memref<20x128xf32, #tpu.memory_space<hbm>>
        %dma_wait3A_1377 = arith.constant 20 : i32
        %dma_wait3A_1378 = arith.constant 0 : i32
        %dma_wait3A_1379 = tpu.memref_slice %arg19[%arg1, %dma_wait3A_1368, %dma_wait3A_1377, %dma_wait3A_1378] : memref<16x4x40x128xf32, #tpu.memory_space<vmem_shared>> -> memref<1x1x20x128xf32, #tpu.memory_space<vmem_shared>>
        %dma_wait3A_1380 = tpu.memref_squeeze %dma_wait3A_1379 : memref<1x1x20x128xf32, #tpu.memory_space<vmem_shared>> -> memref<20x128xf32, #tpu.memory_space<vmem_shared>>
        tpu.wait_dma2 semaphore(%dma_wait3A_1372 : memref<!tpu.dma_semaphore, #tpu.memory_space<semaphore_mem>>) src(%dma_wait3A_1380 : memref<20x128xf32, #tpu.memory_space<vmem_shared>>) dst(%dma_wait3A_1376 : memref<20x128xf32, #tpu.memory_space<hbm>>)
        %dma_start3A_1381 = arith.constant 3 : i32
        %dma_start3A_1382 = arith.constant 3 : i32
        %dma_start3A_1383 = arith.constant 0 : i32
        %dma_start3A_1384 = arith.constant 0 : i32
        %dma_start3A_1385 = tpu.memref_slice %arg19[%arg1, %dma_start3A_1381, %dma_start3A_1383, %dma_start3A_1384] : memref<16x4x40x128xf32, #tpu.memory_space<vmem_shared>> -> memref<1x1x40x128xf32, #tpu.memory_space<vmem_shared>>
        %dma_start3A_1386 = tpu.memref_squeeze %dma_start3A_1385 : memref<1x1x40x128xf32, #tpu.memory_space<vmem_shared>> -> memref<40x128xf32, #tpu.memory_space<vmem_shared>>
        %dma_start3A_1387 = tpu.memref_slice %arg22[%dma_start3A_1382] : memref<4x!tpu.dma_semaphore, #tpu.memory_space<semaphore_mem>> -> memref<1x!tpu.dma_semaphore, #tpu.memory_space<semaphore_mem>>
        %dma_start3A_1388 = tpu.memref_squeeze %dma_start3A_1387 : memref<1x!tpu.dma_semaphore, #tpu.memory_space<semaphore_mem>> -> memref<!tpu.dma_semaphore, #tpu.memory_space<semaphore_mem>>
        %dma_start3A_1389 = arith.constant 0 : i32
        %dma_start3A_1390 = arith.constant 0 : i32
        %dma_start3A_1391 = tpu.memref_slice %arg19[%arg1, %dma_start3A_1381, %dma_start3A_1389, %dma_start3A_1390] : memref<16x4x40x128xf32, #tpu.memory_space<vmem_shared>> -> memref<1x1x40x128xf32, #tpu.memory_space<vmem_shared>>
        %dma_start3A_1392 = tpu.memref_squeeze %dma_start3A_1391 : memref<1x1x40x128xf32, #tpu.memory_space<vmem_shared>> -> memref<40x128xf32, #tpu.memory_space<vmem_shared>>
        tpu.enqueue_dma source(%arg18 : memref<40x128xf32, #tpu.memory_space<vmem>>) target(%dma_start3A_1392 : memref<40x128xf32, #tpu.memory_space<vmem_shared>>) target_semaphore(%dma_start3A_1388 : memref<!tpu.dma_semaphore, #tpu.memory_space<semaphore_mem>>)
      } else {
      }
      %mul3A_905 = arith.constant 4 : i32
      %mul3A_906 = arith.muli %scan3A_488, %mul3A_905 : i32
      %add3A_907 = arith.constant 2 : i32
      %add3A_908 = arith.addi %mul3A_906, %add3A_907 : i32
      %dma_wait3A_909 = arith.constant 2 : i32
      %dma_wait3A_910 = arith.constant 2 : i32
      %dma_wait3A_911 = arith.constant 0 : i32
      %dma_wait3A_912 = arith.constant 0 : i32
      %dma_wait3A_913 = tpu.memref_slice %arg17[%dma_wait3A_909, %dma_wait3A_911, %dma_wait3A_912] : memref<4x64x128xf32, #tpu.memory_space<vmem>> -> memref<1x64x128xf32, #tpu.memory_space<vmem>>
      %dma_wait3A_914 = tpu.memref_squeeze %dma_wait3A_913 : memref<1x64x128xf32, #tpu.memory_space<vmem>> -> memref<64x128xf32, #tpu.memory_space<vmem>>
      %dma_wait3A_915 = arith.constant 0 : i32
      %dma_wait3A_916 = tpu.memref_slice %arg12[%add3A_908, %dma_wait3A_915] : memref<128x64xi32, #tpu.memory_space<vmem>> -> memref<1x64xi32, #tpu.memory_space<vmem>>
      %dma_wait3A_917 = tpu.memref_squeeze %dma_wait3A_916 : memref<1x64xi32, #tpu.memory_space<vmem>> -> memref<64xi32, #tpu.memory_space<vmem>>
      %dma_wait3A_918 = arith.constant 0 : i32
      %dma_wait3A_919 = arith.constant 0 : i32
      %dma_wait3A_920 = tpu.memref_slice %arg2[%dma_wait3A_918, %dma_wait3A_919] : memref<32768x128xf32, #tpu.memory_space<hbm>> -> memref<32768x128xf32, #tpu.memory_space<hbm>>
      %dma_wait3A_921 = tpu.memref_slice %arg21[%dma_wait3A_910] : memref<4x!tpu.dma_semaphore, #tpu.memory_space<semaphore_mem>> -> memref<1x!tpu.dma_semaphore, #tpu.memory_space<semaphore_mem>>
      %dma_wait3A_922 = tpu.memref_squeeze %dma_wait3A_921 : memref<1x!tpu.dma_semaphore, #tpu.memory_space<semaphore_mem>> -> memref<!tpu.dma_semaphore, #tpu.memory_space<semaphore_mem>>
      tpu.wait_indirect_dma semaphore(%dma_wait3A_922 : memref<!tpu.dma_semaphore, #tpu.memory_space<semaphore_mem>>) src(%dma_wait3A_920 : memref<32768x128xf32, #tpu.memory_space<hbm>>) dst(%dma_wait3A_914 : memref<64x128xf32, #tpu.memory_space<vmem>>)
      %add3A_923 = arith.constant 1 : i32
      %add3A_924 = arith.addi %add3A_908, %add3A_923 : i32
      %lt3A_925 = arith.constant 128 : i32
      %lt3A_926 = arith.cmpi slt, %add3A_924, %lt3A_925 : i32
      %convert_element_type3A_927 = arith.extui %lt3A_926 : i1 to i32
      %cond3A_928 = arith.constant 0 : i32
      %cond3A_929 = arith.cmpi ne, %convert_element_type3A_927, %cond3A_928 : i32
      scf.if %cond3A_929 {
        %add3A_1326 = arith.constant 1 : i32
        %add3A_1327 = arith.addi %add3A_908, %add3A_1326 : i32
        %dma_start3A_1328 = arith.constant 3 : i32
        %dma_start3A_1329 = arith.constant 3 : i32
        %dma_start3A_1330 = arith.constant 0 : i32
        %dma_start3A_1331 = arith.constant 0 : i32
        %dma_start3A_1332 = tpu.memref_slice %arg17[%dma_start3A_1328, %dma_start3A_1330, %dma_start3A_1331] : memref<4x64x128xf32, #tpu.memory_space<vmem>> -> memref<1x64x128xf32, #tpu.memory_space<vmem>>
        %dma_start3A_1333 = tpu.memref_squeeze %dma_start3A_1332 : memref<1x64x128xf32, #tpu.memory_space<vmem>> -> memref<64x128xf32, #tpu.memory_space<vmem>>
        %dma_start3A_1334 = arith.constant 0 : i32
        %dma_start3A_1335 = tpu.memref_slice %arg12[%add3A_1327, %dma_start3A_1334] : memref<128x64xi32, #tpu.memory_space<vmem>> -> memref<1x64xi32, #tpu.memory_space<vmem>>
        %dma_start3A_1336 = tpu.memref_squeeze %dma_start3A_1335 : memref<1x64xi32, #tpu.memory_space<vmem>> -> memref<64xi32, #tpu.memory_space<vmem>>
        %dma_start3A_1337 = arith.constant 0 : i32
        %dma_start3A_1338 = arith.constant 0 : i32
        %dma_start3A_1339 = tpu.memref_slice %arg2[%dma_start3A_1337, %dma_start3A_1338] : memref<32768x128xf32, #tpu.memory_space<hbm>> -> memref<32768x128xf32, #tpu.memory_space<hbm>>
        %dma_start3A_1340 = tpu.memref_slice %arg21[%dma_start3A_1329] : memref<4x!tpu.dma_semaphore, #tpu.memory_space<semaphore_mem>> -> memref<1x!tpu.dma_semaphore, #tpu.memory_space<semaphore_mem>>
        %dma_start3A_1341 = tpu.memref_squeeze %dma_start3A_1340 : memref<1x!tpu.dma_semaphore, #tpu.memory_space<semaphore_mem>> -> memref<!tpu.dma_semaphore, #tpu.memory_space<semaphore_mem>>
        tpu.enqueue_indirect_dma source(%dma_start3A_1339 : memref<32768x128xf32, #tpu.memory_space<hbm>>) target(%dma_start3A_1333 : memref<64x128xf32, #tpu.memory_space<vmem>>) offsets(%dma_start3A_1336 : memref<64xi32, #tpu.memory_space<vmem>>) semaphore(%dma_start3A_1341 : memref<!tpu.dma_semaphore, #tpu.memory_space<semaphore_mem>>)
      } else {
      }
      %broadcast_in_dim3A_930 = arith.constant 0 : i32
      %broadcast_in_dim3A_931 = vector.broadcast %broadcast_in_dim3A_930 : i32 to vector<16xi32>
      %add3A_932 = arith.addi %broadcast_in_dim3A_931, %iota3A : vector<16xi32>
      %broadcast_in_dim3A_933 = arith.constant 0 : i32
      %broadcast_in_dim3A_934 = vector.broadcast %broadcast_in_dim3A_933 : i32 to vector<16xi32>
      %get3A_935 = arith.index_cast %add3A_908 : i32 to index
      %get3A_936 = arith.constant 0 : index
      %get3A_937 = tpu.vector_load %arg14[%get3A_935, %get3A_936] {strides = array<i32>} : memref<128x64xf32, #tpu.memory_space<vmem>>, vector<16xf32>,
      %scatter3A_938 = arith.constant 2 : i32
      %scatter3A_939 = arith.constant 0 : i32
      %scatter3A_940 = arith.constant 0 : i32
      %scatter3A_941 = tpu.memref_slice %arg17[%scatter3A_938, %scatter3A_939, %scatter3A_940] : memref<4x64x128xf32, #tpu.memory_space<vmem>> -> memref<1x64x128xf32, #tpu.memory_space<vmem>>
      %scatter3A_942 = tpu.memref_squeeze %scatter3A_941 : memref<1x64x128xf32, #tpu.memory_space<vmem>> -> memref<64x128xf32, #tpu.memory_space<vmem>>
      tpu.vector_store_idx %scatter3A_942[%add3A_932, %broadcast_in_dim3A_934], %get3A_937 {add = true} : memref<64x128xf32, #tpu.memory_space<vmem>>[vector<16xi32>, vector<16xi32>], vector<16xf32>,
      %broadcast_in_dim3A_943 = arith.constant 1 : i32
      %broadcast_in_dim3A_944 = vector.broadcast %broadcast_in_dim3A_943 : i32 to vector<16xi32>
      %get3A_945 = arith.index_cast %add3A_908 : i32 to index
      %get3A_946 = arith.constant 0 : index
      %get3A_947 = tpu.vector_load %arg15[%get3A_945, %get3A_946] {strides = array<i32>} : memref<128x64xf32, #tpu.memory_space<vmem>>, vector<16xf32>,
      %scatter3A_948 = arith.constant 2 : i32
      %scatter3A_949 = arith.constant 0 : i32
      %scatter3A_950 = arith.constant 0 : i32
      %scatter3A_951 = tpu.memref_slice %arg17[%scatter3A_948, %scatter3A_949, %scatter3A_950] : memref<4x64x128xf32, #tpu.memory_space<vmem>> -> memref<1x64x128xf32, #tpu.memory_space<vmem>>
      %scatter3A_952 = tpu.memref_squeeze %scatter3A_951 : memref<1x64x128xf32, #tpu.memory_space<vmem>> -> memref<64x128xf32, #tpu.memory_space<vmem>>
      tpu.vector_store_idx %scatter3A_952[%add3A_932, %broadcast_in_dim3A_944], %get3A_947 {add = true} : memref<64x128xf32, #tpu.memory_space<vmem>>[vector<16xi32>, vector<16xi32>], vector<16xf32>,
      %broadcast_in_dim3A_953 = arith.constant 2 : i32
      %broadcast_in_dim3A_954 = vector.broadcast %broadcast_in_dim3A_953 : i32 to vector<16xi32>
      %get3A_955 = arith.index_cast %add3A_908 : i32 to index
      %get3A_956 = arith.constant 0 : index
      %get3A_957 = tpu.vector_load %arg16[%get3A_955, %get3A_956] {strides = array<i32>} : memref<128x64xf32, #tpu.memory_space<vmem>>, vector<16xf32>,
      %scatter3A_958 = arith.constant 2 : i32
      %scatter3A_959 = arith.constant 0 : i32
      %scatter3A_960 = arith.constant 0 : i32
      %scatter3A_961 = tpu.memref_slice %arg17[%scatter3A_958, %scatter3A_959, %scatter3A_960] : memref<4x64x128xf32, #tpu.memory_space<vmem>> -> memref<1x64x128xf32, #tpu.memory_space<vmem>>
      %scatter3A_962 = tpu.memref_squeeze %scatter3A_961 : memref<1x64x128xf32, #tpu.memory_space<vmem>> -> memref<64x128xf32, #tpu.memory_space<vmem>>
      tpu.vector_store_idx %scatter3A_962[%add3A_932, %broadcast_in_dim3A_954], %get3A_957 {add = true} : memref<64x128xf32, #tpu.memory_space<vmem>>[vector<16xi32>, vector<16xi32>], vector<16xf32>,
      %broadcast_in_dim3A_963 = arith.constant 16 : i32
      %broadcast_in_dim3A_964 = vector.broadcast %broadcast_in_dim3A_963 : i32 to vector<16xi32>
      %add3A_965 = arith.addi %broadcast_in_dim3A_964, %iota3A : vector<16xi32>
      %broadcast_in_dim3A_966 = arith.constant 0 : i32
      %broadcast_in_dim3A_967 = vector.broadcast %broadcast_in_dim3A_966 : i32 to vector<16xi32>
      %get3A_968 = arith.index_cast %add3A_908 : i32 to index
      %get3A_969 = arith.constant 16 : index
      %get3A_970 = tpu.vector_load %arg14[%get3A_968, %get3A_969] {strides = array<i32>} : memref<128x64xf32, #tpu.memory_space<vmem>>, vector<16xf32>,
      %scatter3A_971 = arith.constant 2 : i32
      %scatter3A_972 = arith.constant 0 : i32
      %scatter3A_973 = arith.constant 0 : i32
      %scatter3A_974 = tpu.memref_slice %arg17[%scatter3A_971, %scatter3A_972, %scatter3A_973] : memref<4x64x128xf32, #tpu.memory_space<vmem>> -> memref<1x64x128xf32, #tpu.memory_space<vmem>>
      %scatter3A_975 = tpu.memref_squeeze %scatter3A_974 : memref<1x64x128xf32, #tpu.memory_space<vmem>> -> memref<64x128xf32, #tpu.memory_space<vmem>>
      tpu.vector_store_idx %scatter3A_975[%add3A_965, %broadcast_in_dim3A_967], %get3A_970 {add = true} : memref<64x128xf32, #tpu.memory_space<vmem>>[vector<16xi32>, vector<16xi32>], vector<16xf32>,
      %broadcast_in_dim3A_976 = arith.constant 1 : i32
      %broadcast_in_dim3A_977 = vector.broadcast %broadcast_in_dim3A_976 : i32 to vector<16xi32>
      %get3A_978 = arith.index_cast %add3A_908 : i32 to index
      %get3A_979 = arith.constant 16 : index
      %get3A_980 = tpu.vector_load %arg15[%get3A_978, %get3A_979] {strides = array<i32>} : memref<128x64xf32, #tpu.memory_space<vmem>>, vector<16xf32>,
      %scatter3A_981 = arith.constant 2 : i32
      %scatter3A_982 = arith.constant 0 : i32
      %scatter3A_983 = arith.constant 0 : i32
      %scatter3A_984 = tpu.memref_slice %arg17[%scatter3A_981, %scatter3A_982, %scatter3A_983] : memref<4x64x128xf32, #tpu.memory_space<vmem>> -> memref<1x64x128xf32, #tpu.memory_space<vmem>>
      %scatter3A_985 = tpu.memref_squeeze %scatter3A_984 : memref<1x64x128xf32, #tpu.memory_space<vmem>> -> memref<64x128xf32, #tpu.memory_space<vmem>>
      tpu.vector_store_idx %scatter3A_985[%add3A_965, %broadcast_in_dim3A_977], %get3A_980 {add = true} : memref<64x128xf32, #tpu.memory_space<vmem>>[vector<16xi32>, vector<16xi32>], vector<16xf32>,
      %broadcast_in_dim3A_986 = arith.constant 2 : i32
      %broadcast_in_dim3A_987 = vector.broadcast %broadcast_in_dim3A_986 : i32 to vector<16xi32>
      %get3A_988 = arith.index_cast %add3A_908 : i32 to index
      %get3A_989 = arith.constant 16 : index
      %get3A_990 = tpu.vector_load %arg16[%get3A_988, %get3A_989] {strides = array<i32>} : memref<128x64xf32, #tpu.memory_space<vmem>>, vector<16xf32>,
      %scatter3A_991 = arith.constant 2 : i32
      %scatter3A_992 = arith.constant 0 : i32
      %scatter3A_993 = arith.constant 0 : i32
      %scatter3A_994 = tpu.memref_slice %arg17[%scatter3A_991, %scatter3A_992, %scatter3A_993] : memref<4x64x128xf32, #tpu.memory_space<vmem>> -> memref<1x64x128xf32, #tpu.memory_space<vmem>>
      %scatter3A_995 = tpu.memref_squeeze %scatter3A_994 : memref<1x64x128xf32, #tpu.memory_space<vmem>> -> memref<64x128xf32, #tpu.memory_space<vmem>>
      tpu.vector_store_idx %scatter3A_995[%add3A_965, %broadcast_in_dim3A_987], %get3A_990 {add = true} : memref<64x128xf32, #tpu.memory_space<vmem>>[vector<16xi32>, vector<16xi32>], vector<16xf32>,
      %broadcast_in_dim3A_996 = arith.constant 32 : i32
      %broadcast_in_dim3A_997 = vector.broadcast %broadcast_in_dim3A_996 : i32 to vector<16xi32>
      %add3A_998 = arith.addi %broadcast_in_dim3A_997, %iota3A : vector<16xi32>
      %broadcast_in_dim3A_999 = arith.constant 0 : i32
      %broadcast_in_dim3A_1000 = vector.broadcast %broadcast_in_dim3A_999 : i32 to vector<16xi32>
      %get3A_1001 = arith.index_cast %add3A_908 : i32 to index
      %get3A_1002 = arith.constant 32 : index
      %get3A_1003 = tpu.vector_load %arg14[%get3A_1001, %get3A_1002] {strides = array<i32>} : memref<128x64xf32, #tpu.memory_space<vmem>>, vector<16xf32>,
      %scatter3A_1004 = arith.constant 2 : i32
      %scatter3A_1005 = arith.constant 0 : i32
      %scatter3A_1006 = arith.constant 0 : i32
      %scatter3A_1007 = tpu.memref_slice %arg17[%scatter3A_1004, %scatter3A_1005, %scatter3A_1006] : memref<4x64x128xf32, #tpu.memory_space<vmem>> -> memref<1x64x128xf32, #tpu.memory_space<vmem>>
      %scatter3A_1008 = tpu.memref_squeeze %scatter3A_1007 : memref<1x64x128xf32, #tpu.memory_space<vmem>> -> memref<64x128xf32, #tpu.memory_space<vmem>>
      tpu.vector_store_idx %scatter3A_1008[%add3A_998, %broadcast_in_dim3A_1000], %get3A_1003 {add = true} : memref<64x128xf32, #tpu.memory_space<vmem>>[vector<16xi32>, vector<16xi32>], vector<16xf32>,
      %broadcast_in_dim3A_1009 = arith.constant 1 : i32
      %broadcast_in_dim3A_1010 = vector.broadcast %broadcast_in_dim3A_1009 : i32 to vector<16xi32>
      %get3A_1011 = arith.index_cast %add3A_908 : i32 to index
      %get3A_1012 = arith.constant 32 : index
      %get3A_1013 = tpu.vector_load %arg15[%get3A_1011, %get3A_1012] {strides = array<i32>} : memref<128x64xf32, #tpu.memory_space<vmem>>, vector<16xf32>,
      %scatter3A_1014 = arith.constant 2 : i32
      %scatter3A_1015 = arith.constant 0 : i32
      %scatter3A_1016 = arith.constant 0 : i32
      %scatter3A_1017 = tpu.memref_slice %arg17[%scatter3A_1014, %scatter3A_1015, %scatter3A_1016] : memref<4x64x128xf32, #tpu.memory_space<vmem>> -> memref<1x64x128xf32, #tpu.memory_space<vmem>>
      %scatter3A_1018 = tpu.memref_squeeze %scatter3A_1017 : memref<1x64x128xf32, #tpu.memory_space<vmem>> -> memref<64x128xf32, #tpu.memory_space<vmem>>
      tpu.vector_store_idx %scatter3A_1018[%add3A_998, %broadcast_in_dim3A_1010], %get3A_1013 {add = true} : memref<64x128xf32, #tpu.memory_space<vmem>>[vector<16xi32>, vector<16xi32>], vector<16xf32>,
      %broadcast_in_dim3A_1019 = arith.constant 2 : i32
      %broadcast_in_dim3A_1020 = vector.broadcast %broadcast_in_dim3A_1019 : i32 to vector<16xi32>
      %get3A_1021 = arith.index_cast %add3A_908 : i32 to index
      %get3A_1022 = arith.constant 32 : index
      %get3A_1023 = tpu.vector_load %arg16[%get3A_1021, %get3A_1022] {strides = array<i32>} : memref<128x64xf32, #tpu.memory_space<vmem>>, vector<16xf32>,
      %scatter3A_1024 = arith.constant 2 : i32
      %scatter3A_1025 = arith.constant 0 : i32
      %scatter3A_1026 = arith.constant 0 : i32
      %scatter3A_1027 = tpu.memref_slice %arg17[%scatter3A_1024, %scatter3A_1025, %scatter3A_1026] : memref<4x64x128xf32, #tpu.memory_space<vmem>> -> memref<1x64x128xf32, #tpu.memory_space<vmem>>
      %scatter3A_1028 = tpu.memref_squeeze %scatter3A_1027 : memref<1x64x128xf32, #tpu.memory_space<vmem>> -> memref<64x128xf32, #tpu.memory_space<vmem>>
      tpu.vector_store_idx %scatter3A_1028[%add3A_998, %broadcast_in_dim3A_1020], %get3A_1023 {add = true} : memref<64x128xf32, #tpu.memory_space<vmem>>[vector<16xi32>, vector<16xi32>], vector<16xf32>,
      %broadcast_in_dim3A_1029 = arith.constant 48 : i32
      %broadcast_in_dim3A_1030 = vector.broadcast %broadcast_in_dim3A_1029 : i32 to vector<16xi32>
      %add3A_1031 = arith.addi %broadcast_in_dim3A_1030, %iota3A : vector<16xi32>
      %broadcast_in_dim3A_1032 = arith.constant 0 : i32
      %broadcast_in_dim3A_1033 = vector.broadcast %broadcast_in_dim3A_1032 : i32 to vector<16xi32>
      %get3A_1034 = arith.index_cast %add3A_908 : i32 to index
      %get3A_1035 = arith.constant 48 : index
      %get3A_1036 = tpu.vector_load %arg14[%get3A_1034, %get3A_1035] {strides = array<i32>} : memref<128x64xf32, #tpu.memory_space<vmem>>, vector<16xf32>,
      %scatter3A_1037 = arith.constant 2 : i32
      %scatter3A_1038 = arith.constant 0 : i32
      %scatter3A_1039 = arith.constant 0 : i32
      %scatter3A_1040 = tpu.memref_slice %arg17[%scatter3A_1037, %scatter3A_1038, %scatter3A_1039] : memref<4x64x128xf32, #tpu.memory_space<vmem>> -> memref<1x64x128xf32, #tpu.memory_space<vmem>>
      %scatter3A_1041 = tpu.memref_squeeze %scatter3A_1040 : memref<1x64x128xf32, #tpu.memory_space<vmem>> -> memref<64x128xf32, #tpu.memory_space<vmem>>
      tpu.vector_store_idx %scatter3A_1041[%add3A_1031, %broadcast_in_dim3A_1033], %get3A_1036 {add = true} : memref<64x128xf32, #tpu.memory_space<vmem>>[vector<16xi32>, vector<16xi32>], vector<16xf32>,
      %broadcast_in_dim3A_1042 = arith.constant 1 : i32
      %broadcast_in_dim3A_1043 = vector.broadcast %broadcast_in_dim3A_1042 : i32 to vector<16xi32>
      %get3A_1044 = arith.index_cast %add3A_908 : i32 to index
      %get3A_1045 = arith.constant 48 : index
      %get3A_1046 = tpu.vector_load %arg15[%get3A_1044, %get3A_1045] {strides = array<i32>} : memref<128x64xf32, #tpu.memory_space<vmem>>, vector<16xf32>,
      %scatter3A_1047 = arith.constant 2 : i32
      %scatter3A_1048 = arith.constant 0 : i32
      %scatter3A_1049 = arith.constant 0 : i32
      %scatter3A_1050 = tpu.memref_slice %arg17[%scatter3A_1047, %scatter3A_1048, %scatter3A_1049] : memref<4x64x128xf32, #tpu.memory_space<vmem>> -> memref<1x64x128xf32, #tpu.memory_space<vmem>>
      %scatter3A_1051 = tpu.memref_squeeze %scatter3A_1050 : memref<1x64x128xf32, #tpu.memory_space<vmem>> -> memref<64x128xf32, #tpu.memory_space<vmem>>
      tpu.vector_store_idx %scatter3A_1051[%add3A_1031, %broadcast_in_dim3A_1043], %get3A_1046 {add = true} : memref<64x128xf32, #tpu.memory_space<vmem>>[vector<16xi32>, vector<16xi32>], vector<16xf32>,
      %broadcast_in_dim3A_1052 = arith.constant 2 : i32
      %broadcast_in_dim3A_1053 = vector.broadcast %broadcast_in_dim3A_1052 : i32 to vector<16xi32>
      %get3A_1054 = arith.index_cast %add3A_908 : i32 to index
      %get3A_1055 = arith.constant 48 : index
      %get3A_1056 = tpu.vector_load %arg16[%get3A_1054, %get3A_1055] {strides = array<i32>} : memref<128x64xf32, #tpu.memory_space<vmem>>, vector<16xf32>,
      %scatter3A_1057 = arith.constant 2 : i32
      %scatter3A_1058 = arith.constant 0 : i32
      %scatter3A_1059 = arith.constant 0 : i32
      %scatter3A_1060 = tpu.memref_slice %arg17[%scatter3A_1057, %scatter3A_1058, %scatter3A_1059] : memref<4x64x128xf32, #tpu.memory_space<vmem>> -> memref<1x64x128xf32, #tpu.memory_space<vmem>>
      %scatter3A_1061 = tpu.memref_squeeze %scatter3A_1060 : memref<1x64x128xf32, #tpu.memory_space<vmem>> -> memref<64x128xf32, #tpu.memory_space<vmem>>
      tpu.vector_store_idx %scatter3A_1061[%add3A_1031, %broadcast_in_dim3A_1053], %get3A_1056 {add = true} : memref<64x128xf32, #tpu.memory_space<vmem>>[vector<16xi32>, vector<16xi32>], vector<16xf32>,
      %dma_wait3A_1062 = arith.constant 2 : i32
      %dma_wait3A_1063 = arith.constant 2 : i32
      %dma_wait3A_1064 = arith.constant 0 : i32
      %dma_wait3A_1065 = arith.constant 0 : i32
      %dma_wait3A_1066 = tpu.memref_slice %arg19[%arg1, %dma_wait3A_1062, %dma_wait3A_1064, %dma_wait3A_1065] : memref<16x4x40x128xf32, #tpu.memory_space<vmem_shared>> -> memref<1x1x40x128xf32, #tpu.memory_space<vmem_shared>>
      %dma_wait3A_1067 = tpu.memref_squeeze %dma_wait3A_1066 : memref<1x1x40x128xf32, #tpu.memory_space<vmem_shared>> -> memref<40x128xf32, #tpu.memory_space<vmem_shared>>
      %dma_wait3A_1068 = tpu.memref_slice %arg22[%dma_wait3A_1063] : memref<4x!tpu.dma_semaphore, #tpu.memory_space<semaphore_mem>> -> memref<1x!tpu.dma_semaphore, #tpu.memory_space<semaphore_mem>>
      %dma_wait3A_1069 = tpu.memref_squeeze %dma_wait3A_1068 : memref<1x!tpu.dma_semaphore, #tpu.memory_space<semaphore_mem>> -> memref<!tpu.dma_semaphore, #tpu.memory_space<semaphore_mem>>
      %dma_wait3A_1070 = arith.constant 0 : i32
      %dma_wait3A_1071 = arith.constant 0 : i32
      %dma_wait3A_1072 = tpu.memref_slice %arg19[%arg1, %dma_wait3A_1062, %dma_wait3A_1070, %dma_wait3A_1071] : memref<16x4x40x128xf32, #tpu.memory_space<vmem_shared>> -> memref<1x1x40x128xf32, #tpu.memory_space<vmem_shared>>
      %dma_wait3A_1073 = tpu.memref_squeeze %dma_wait3A_1072 : memref<1x1x40x128xf32, #tpu.memory_space<vmem_shared>> -> memref<40x128xf32, #tpu.memory_space<vmem_shared>>
      tpu.wait_dma2 semaphore(%dma_wait3A_1069 : memref<!tpu.dma_semaphore, #tpu.memory_space<semaphore_mem>>) src(%arg18 : memref<40x128xf32, #tpu.memory_space<vmem>>) dst(%dma_wait3A_1073 : memref<40x128xf32, #tpu.memory_space<vmem_shared>>)
      %run_scoped3A_1074 = arith.constant 2 : i32
      %run_scoped3A_1075 = arith.constant 2 : i32
      "tpu.region"() ({
        %run_scoped3A_1326 = tpu.sem_alloc : memref<!tpu.dma_semaphore, #tpu.memory_space<semaphore_mem>>
        %dma_start3A_1327 = arith.constant 0 : i32
        %dma_start3A_1328 = arith.constant 0 : i32
        %dma_start3A_1329 = tpu.memref_slice %arg17[%run_scoped3A_1074, %dma_start3A_1327, %dma_start3A_1328] : memref<4x64x128xf32, #tpu.memory_space<vmem>> -> memref<1x64x128xf32, #tpu.memory_space<vmem>>
        %dma_start3A_1330 = tpu.memref_squeeze %dma_start3A_1329 : memref<1x64x128xf32, #tpu.memory_space<vmem>> -> memref<64x128xf32, #tpu.memory_space<vmem>>
        %dma_start3A_1331 = arith.constant 0 : i32
        %dma_start3A_1332 = tpu.memref_slice %arg13[%add3A_908, %dma_start3A_1331] : memref<128x64xi32, #tpu.memory_space<vmem>> -> memref<1x64xi32, #tpu.memory_space<vmem>>
        %dma_start3A_1333 = tpu.memref_squeeze %dma_start3A_1332 : memref<1x64xi32, #tpu.memory_space<vmem>> -> memref<64xi32, #tpu.memory_space<vmem>>
        %dma_start3A_1334 = arith.constant 0 : i32
        %dma_start3A_1335 = arith.constant 0 : i32
        %dma_start3A_1336 = tpu.memref_slice %arg19[%arg1, %run_scoped3A_1075, %dma_start3A_1334, %dma_start3A_1335] : memref<16x4x40x128xf32, #tpu.memory_space<vmem_shared>> -> memref<1x1x40x128xf32, #tpu.memory_space<vmem_shared>>
        %dma_start3A_1337 = tpu.memref_squeeze %dma_start3A_1336 : memref<1x1x40x128xf32, #tpu.memory_space<vmem_shared>> -> memref<40x128xf32, #tpu.memory_space<vmem_shared>>
        %dma_start3A_1338 = arith.constant 0 : i32
        %dma_start3A_1339 = arith.constant 0 : i32
        %dma_start3A_1340 = tpu.memref_slice %dma_start3A_1337[%dma_start3A_1338, %dma_start3A_1339] : memref<40x128xf32, #tpu.memory_space<vmem_shared>> -> memref<40x128xf32, #tpu.memory_space<vmem_shared>>
        tpu.enqueue_indirect_dma source(%dma_start3A_1330 : memref<64x128xf32, #tpu.memory_space<vmem>>) target(%dma_start3A_1340 : memref<40x128xf32, #tpu.memory_space<vmem_shared>>) offsets(%dma_start3A_1333 : memref<64xi32, #tpu.memory_space<vmem>>) semaphore(%run_scoped3A_1326 : memref<!tpu.dma_semaphore, #tpu.memory_space<semaphore_mem>>) {add = true}
        %dma_wait3A_1341 = arith.constant 0 : i32
        %dma_wait3A_1342 = arith.constant 0 : i32
        %dma_wait3A_1343 = tpu.memref_slice %arg17[%run_scoped3A_1074, %dma_wait3A_1341, %dma_wait3A_1342] : memref<4x64x128xf32, #tpu.memory_space<vmem>> -> memref<1x64x128xf32, #tpu.memory_space<vmem>>
        %dma_wait3A_1344 = tpu.memref_squeeze %dma_wait3A_1343 : memref<1x64x128xf32, #tpu.memory_space<vmem>> -> memref<64x128xf32, #tpu.memory_space<vmem>>
        %dma_wait3A_1345 = arith.constant 0 : i32
        %dma_wait3A_1346 = tpu.memref_slice %arg13[%add3A_908, %dma_wait3A_1345] : memref<128x64xi32, #tpu.memory_space<vmem>> -> memref<1x64xi32, #tpu.memory_space<vmem>>
        %dma_wait3A_1347 = tpu.memref_squeeze %dma_wait3A_1346 : memref<1x64xi32, #tpu.memory_space<vmem>> -> memref<64xi32, #tpu.memory_space<vmem>>
        %dma_wait3A_1348 = arith.constant 0 : i32
        %dma_wait3A_1349 = arith.constant 0 : i32
        %dma_wait3A_1350 = tpu.memref_slice %arg19[%arg1, %run_scoped3A_1075, %dma_wait3A_1348, %dma_wait3A_1349] : memref<16x4x40x128xf32, #tpu.memory_space<vmem_shared>> -> memref<1x1x40x128xf32, #tpu.memory_space<vmem_shared>>
        %dma_wait3A_1351 = tpu.memref_squeeze %dma_wait3A_1350 : memref<1x1x40x128xf32, #tpu.memory_space<vmem_shared>> -> memref<40x128xf32, #tpu.memory_space<vmem_shared>>
        %dma_wait3A_1352 = arith.constant 0 : i32
        %dma_wait3A_1353 = arith.constant 0 : i32
        %dma_wait3A_1354 = tpu.memref_slice %dma_wait3A_1351[%dma_wait3A_1352, %dma_wait3A_1353] : memref<40x128xf32, #tpu.memory_space<vmem_shared>> -> memref<40x128xf32, #tpu.memory_space<vmem_shared>>
        tpu.wait_indirect_dma semaphore(%run_scoped3A_1326 : memref<!tpu.dma_semaphore, #tpu.memory_space<semaphore_mem>>) src(%dma_wait3A_1344 : memref<64x128xf32, #tpu.memory_space<vmem>>) dst(%dma_wait3A_1354 : memref<40x128xf32, #tpu.memory_space<vmem_shared>>)
        tpu.yield
      }) : () -> ()
      %mul3A_1076 = arith.constant 32 : i32
      %mul3A_1077 = arith.muli %add3A, %mul3A_1076 : i32
      %add3A_1078 = arith.addi %mul3A_1077, %scan3A_488 : i32
      %dma_start3A_1079 = arith.constant 2 : i32
      %dma_start3A_1080 = arith.constant 4 : i32
      %dma_start3A_1081 = arith.constant 2 : i32
      %dma_start3A_1082 = tpu.memref_slice %arg23[%dma_start3A_1081] : memref<4x!tpu.dma_semaphore, #tpu.memory_space<semaphore_mem>> -> memref<1x!tpu.dma_semaphore, #tpu.memory_space<semaphore_mem>>
      %dma_start3A_1083 = tpu.memref_squeeze %dma_start3A_1082 : memref<1x!tpu.dma_semaphore, #tpu.memory_space<semaphore_mem>> -> memref<!tpu.dma_semaphore, #tpu.memory_space<semaphore_mem>>
      %dma_start3A_1084 = arith.constant 0 : i32
      %dma_start3A_1085 = arith.constant 0 : i32
      %dma_start3A_1086 = tpu.memref_slice %arg9[%add3A_1078, %dma_start3A_1084, %dma_start3A_1080, %dma_start3A_1085] : memref<1024x20x8x128xf32, #tpu.memory_space<hbm>> -> memref<1x20x1x128xf32, #tpu.memory_space<hbm>>
      %dma_start3A_1087 = tpu.memref_squeeze %dma_start3A_1086 : memref<1x20x1x128xf32, #tpu.memory_space<hbm>> -> memref<20x128xf32, #tpu.memory_space<hbm>>
      %dma_start3A_1088 = arith.constant 0 : i32
      %dma_start3A_1089 = arith.constant 0 : i32
      %dma_start3A_1090 = tpu.memref_slice %arg19[%arg1, %dma_start3A_1079, %dma_start3A_1088, %dma_start3A_1089] : memref<16x4x40x128xf32, #tpu.memory_space<vmem_shared>> -> memref<1x1x20x128xf32, #tpu.memory_space<vmem_shared>>
      %dma_start3A_1091 = tpu.memref_squeeze %dma_start3A_1090 : memref<1x1x20x128xf32, #tpu.memory_space<vmem_shared>> -> memref<20x128xf32, #tpu.memory_space<vmem_shared>>
      tpu.enqueue_dma source(%dma_start3A_1091 : memref<20x128xf32, #tpu.memory_space<vmem_shared>>) target(%dma_start3A_1087 : memref<20x128xf32, #tpu.memory_space<hbm>>) target_semaphore(%dma_start3A_1083 : memref<!tpu.dma_semaphore, #tpu.memory_space<semaphore_mem>>)
      %dma_start3A_1092 = arith.constant 2 : i32
      %dma_start3A_1093 = arith.constant 5 : i32
      %dma_start3A_1094 = arith.constant 2 : i32
      %dma_start3A_1095 = tpu.memref_slice %arg23[%dma_start3A_1094] : memref<4x!tpu.dma_semaphore, #tpu.memory_space<semaphore_mem>> -> memref<1x!tpu.dma_semaphore, #tpu.memory_space<semaphore_mem>>
      %dma_start3A_1096 = tpu.memref_squeeze %dma_start3A_1095 : memref<1x!tpu.dma_semaphore, #tpu.memory_space<semaphore_mem>> -> memref<!tpu.dma_semaphore, #tpu.memory_space<semaphore_mem>>
      %dma_start3A_1097 = arith.constant 0 : i32
      %dma_start3A_1098 = arith.constant 0 : i32
      %dma_start3A_1099 = tpu.memref_slice %arg9[%add3A_1078, %dma_start3A_1097, %dma_start3A_1093, %dma_start3A_1098] : memref<1024x20x8x128xf32, #tpu.memory_space<hbm>> -> memref<1x20x1x128xf32, #tpu.memory_space<hbm>>
      %dma_start3A_1100 = tpu.memref_squeeze %dma_start3A_1099 : memref<1x20x1x128xf32, #tpu.memory_space<hbm>> -> memref<20x128xf32, #tpu.memory_space<hbm>>
      %dma_start3A_1101 = arith.constant 20 : i32
      %dma_start3A_1102 = arith.constant 0 : i32
      %dma_start3A_1103 = tpu.memref_slice %arg19[%arg1, %dma_start3A_1092, %dma_start3A_1101, %dma_start3A_1102] : memref<16x4x40x128xf32, #tpu.memory_space<vmem_shared>> -> memref<1x1x20x128xf32, #tpu.memory_space<vmem_shared>>
      %dma_start3A_1104 = tpu.memref_squeeze %dma_start3A_1103 : memref<1x1x20x128xf32, #tpu.memory_space<vmem_shared>> -> memref<20x128xf32, #tpu.memory_space<vmem_shared>>
      tpu.enqueue_dma source(%dma_start3A_1104 : memref<20x128xf32, #tpu.memory_space<vmem_shared>>) target(%dma_start3A_1100 : memref<20x128xf32, #tpu.memory_space<hbm>>) target_semaphore(%dma_start3A_1096 : memref<!tpu.dma_semaphore, #tpu.memory_space<semaphore_mem>>)
      %ge3A_1105 = arith.constant 2 : i32
      %ge3A_1106 = arith.cmpi sge, %add3A_908, %ge3A_1105 : i32
      %add3A_1107 = arith.constant 2 : i32
      %add3A_1108 = arith.addi %add3A_908, %add3A_1107 : i32
      %lt3A_1109 = arith.constant 128 : i32
      %lt3A_1110 = arith.cmpi slt, %add3A_1108, %lt3A_1109 : i32
      %and3A_1111 = arith.andi %ge3A_1106, %lt3A_1110 : i1
      %convert_element_type3A_1112 = arith.extui %and3A_1111 : i1 to i32
      %cond3A_1113 = arith.constant 0 : i32
      %cond3A_1114 = arith.cmpi ne, %convert_element_type3A_1112, %cond3A_1113 : i32
      scf.if %cond3A_1114 {
        %mul3A_1326 = arith.constant 32 : i32
        %mul3A_1327 = arith.muli %add3A, %mul3A_1326 : i32
        %sub3A_1328 = arith.constant 2 : i32
        %sub3A_1329 = arith.subi %add3A_908, %sub3A_1328 : i32
        %jit3A_1330 = arith.constant 4 : i32
        %div3A_1331 = arith.divsi %sub3A_1329, %jit3A_1330 : i32
        %sign3A_1332 = arith.constant 0 : i32
        %sign3A_1333 = arith.cmpi sgt, %sub3A_1329, %sign3A_1332 : i32
        %sign3A_1334 = arith.extui %sign3A_1333 : i1 to i32
        %sign3A_1335 = arith.constant 0 : i32
        %sign3A_1336 = arith.cmpi slt, %sub3A_1329, %sign3A_1335 : i32
        %sign3A_1337 = arith.extui %sign3A_1336 : i1 to i32
        %sign3A_1338 = arith.subi %sign3A_1334, %sign3A_1337 : i32
        %sign3A_1339 = arith.constant 0 : i32
        %sign3A_1340 = arith.cmpi sgt, %jit3A_1330, %sign3A_1339 : i32
        %sign3A_1341 = arith.extui %sign3A_1340 : i1 to i32
        %sign3A_1342 = arith.constant 0 : i32
        %sign3A_1343 = arith.cmpi slt, %jit3A_1330, %sign3A_1342 : i32
        %sign3A_1344 = arith.extui %sign3A_1343 : i1 to i32
        %sign3A_1345 = arith.subi %sign3A_1341, %sign3A_1344 : i32
        %ne3A_1346 = arith.cmpi ne, %sign3A_1338, %sign3A_1345 : i32
        %rem3A_1347 = arith.remsi %sub3A_1329, %jit3A_1330 : i32
        %ne3A_1348 = arith.constant 0 : i32
        %ne3A_1349 = arith.cmpi ne, %rem3A_1347, %ne3A_1348 : i32
        %and3A_1350 = arith.andi %ne3A_1346, %ne3A_1349 : i1
        %sub3A_1351 = arith.constant 1 : i32
        %sub3A_1352 = arith.subi %div3A_1331, %sub3A_1351 : i32
        %select_n3A_1353 = arith.select %and3A_1350, %sub3A_1352, %div3A_1331 : i32
        %add3A_1354 = arith.addi %mul3A_1327, %select_n3A_1353 : i32
        %dma_wait3A_1355 = arith.constant 0 : i32
        %dma_wait3A_1356 = arith.constant 0 : i32
        %dma_wait3A_1357 = arith.constant 0 : i32
        %dma_wait3A_1358 = tpu.memref_slice %arg23[%dma_wait3A_1357] : memref<4x!tpu.dma_semaphore, #tpu.memory_space<semaphore_mem>> -> memref<1x!tpu.dma_semaphore, #tpu.memory_space<semaphore_mem>>
        %dma_wait3A_1359 = tpu.memref_squeeze %dma_wait3A_1358 : memref<1x!tpu.dma_semaphore, #tpu.memory_space<semaphore_mem>> -> memref<!tpu.dma_semaphore, #tpu.memory_space<semaphore_mem>>
        %dma_wait3A_1360 = arith.constant 0 : i32
        %dma_wait3A_1361 = arith.constant 0 : i32
        %dma_wait3A_1362 = tpu.memref_slice %arg9[%add3A_1354, %dma_wait3A_1360, %dma_wait3A_1356, %dma_wait3A_1361] : memref<1024x20x8x128xf32, #tpu.memory_space<hbm>> -> memref<1x20x1x128xf32, #tpu.memory_space<hbm>>
        %dma_wait3A_1363 = tpu.memref_squeeze %dma_wait3A_1362 : memref<1x20x1x128xf32, #tpu.memory_space<hbm>> -> memref<20x128xf32, #tpu.memory_space<hbm>>
        %dma_wait3A_1364 = arith.constant 0 : i32
        %dma_wait3A_1365 = arith.constant 0 : i32
        %dma_wait3A_1366 = tpu.memref_slice %arg19[%arg1, %dma_wait3A_1355, %dma_wait3A_1364, %dma_wait3A_1365] : memref<16x4x40x128xf32, #tpu.memory_space<vmem_shared>> -> memref<1x1x20x128xf32, #tpu.memory_space<vmem_shared>>
        %dma_wait3A_1367 = tpu.memref_squeeze %dma_wait3A_1366 : memref<1x1x20x128xf32, #tpu.memory_space<vmem_shared>> -> memref<20x128xf32, #tpu.memory_space<vmem_shared>>
        tpu.wait_dma2 semaphore(%dma_wait3A_1359 : memref<!tpu.dma_semaphore, #tpu.memory_space<semaphore_mem>>) src(%dma_wait3A_1367 : memref<20x128xf32, #tpu.memory_space<vmem_shared>>) dst(%dma_wait3A_1363 : memref<20x128xf32, #tpu.memory_space<hbm>>)
        %dma_wait3A_1368 = arith.constant 0 : i32
        %dma_wait3A_1369 = arith.constant 1 : i32
        %dma_wait3A_1370 = arith.constant 0 : i32
        %dma_wait3A_1371 = tpu.memref_slice %arg23[%dma_wait3A_1370] : memref<4x!tpu.dma_semaphore, #tpu.memory_space<semaphore_mem>> -> memref<1x!tpu.dma_semaphore, #tpu.memory_space<semaphore_mem>>
        %dma_wait3A_1372 = tpu.memref_squeeze %dma_wait3A_1371 : memref<1x!tpu.dma_semaphore, #tpu.memory_space<semaphore_mem>> -> memref<!tpu.dma_semaphore, #tpu.memory_space<semaphore_mem>>
        %dma_wait3A_1373 = arith.constant 0 : i32
        %dma_wait3A_1374 = arith.constant 0 : i32
        %dma_wait3A_1375 = tpu.memref_slice %arg9[%add3A_1354, %dma_wait3A_1373, %dma_wait3A_1369, %dma_wait3A_1374] : memref<1024x20x8x128xf32, #tpu.memory_space<hbm>> -> memref<1x20x1x128xf32, #tpu.memory_space<hbm>>
        %dma_wait3A_1376 = tpu.memref_squeeze %dma_wait3A_1375 : memref<1x20x1x128xf32, #tpu.memory_space<hbm>> -> memref<20x128xf32, #tpu.memory_space<hbm>>
        %dma_wait3A_1377 = arith.constant 20 : i32
        %dma_wait3A_1378 = arith.constant 0 : i32
        %dma_wait3A_1379 = tpu.memref_slice %arg19[%arg1, %dma_wait3A_1368, %dma_wait3A_1377, %dma_wait3A_1378] : memref<16x4x40x128xf32, #tpu.memory_space<vmem_shared>> -> memref<1x1x20x128xf32, #tpu.memory_space<vmem_shared>>
        %dma_wait3A_1380 = tpu.memref_squeeze %dma_wait3A_1379 : memref<1x1x20x128xf32, #tpu.memory_space<vmem_shared>> -> memref<20x128xf32, #tpu.memory_space<vmem_shared>>
        tpu.wait_dma2 semaphore(%dma_wait3A_1372 : memref<!tpu.dma_semaphore, #tpu.memory_space<semaphore_mem>>) src(%dma_wait3A_1380 : memref<20x128xf32, #tpu.memory_space<vmem_shared>>) dst(%dma_wait3A_1376 : memref<20x128xf32, #tpu.memory_space<hbm>>)
        %dma_start3A_1381 = arith.constant 0 : i32
        %dma_start3A_1382 = arith.constant 0 : i32
        %dma_start3A_1383 = arith.constant 0 : i32
        %dma_start3A_1384 = arith.constant 0 : i32
        %dma_start3A_1385 = tpu.memref_slice %arg19[%arg1, %dma_start3A_1381, %dma_start3A_1383, %dma_start3A_1384] : memref<16x4x40x128xf32, #tpu.memory_space<vmem_shared>> -> memref<1x1x40x128xf32, #tpu.memory_space<vmem_shared>>
        %dma_start3A_1386 = tpu.memref_squeeze %dma_start3A_1385 : memref<1x1x40x128xf32, #tpu.memory_space<vmem_shared>> -> memref<40x128xf32, #tpu.memory_space<vmem_shared>>
        %dma_start3A_1387 = tpu.memref_slice %arg22[%dma_start3A_1382] : memref<4x!tpu.dma_semaphore, #tpu.memory_space<semaphore_mem>> -> memref<1x!tpu.dma_semaphore, #tpu.memory_space<semaphore_mem>>
        %dma_start3A_1388 = tpu.memref_squeeze %dma_start3A_1387 : memref<1x!tpu.dma_semaphore, #tpu.memory_space<semaphore_mem>> -> memref<!tpu.dma_semaphore, #tpu.memory_space<semaphore_mem>>
        %dma_start3A_1389 = arith.constant 0 : i32
        %dma_start3A_1390 = arith.constant 0 : i32
        %dma_start3A_1391 = tpu.memref_slice %arg19[%arg1, %dma_start3A_1381, %dma_start3A_1389, %dma_start3A_1390] : memref<16x4x40x128xf32, #tpu.memory_space<vmem_shared>> -> memref<1x1x40x128xf32, #tpu.memory_space<vmem_shared>>
        %dma_start3A_1392 = tpu.memref_squeeze %dma_start3A_1391 : memref<1x1x40x128xf32, #tpu.memory_space<vmem_shared>> -> memref<40x128xf32, #tpu.memory_space<vmem_shared>>
        tpu.enqueue_dma source(%arg18 : memref<40x128xf32, #tpu.memory_space<vmem>>) target(%dma_start3A_1392 : memref<40x128xf32, #tpu.memory_space<vmem_shared>>) target_semaphore(%dma_start3A_1388 : memref<!tpu.dma_semaphore, #tpu.memory_space<semaphore_mem>>)
      } else {
      }
      %mul3A_1115 = arith.constant 4 : i32
      %mul3A_1116 = arith.muli %scan3A_488, %mul3A_1115 : i32
      %add3A_1117 = arith.constant 3 : i32
      %add3A_1118 = arith.addi %mul3A_1116, %add3A_1117 : i32
      %dma_wait3A_1119 = arith.constant 3 : i32
      %dma_wait3A_1120 = arith.constant 3 : i32
      %dma_wait3A_1121 = arith.constant 0 : i32
      %dma_wait3A_1122 = arith.constant 0 : i32
      %dma_wait3A_1123 = tpu.memref_slice %arg17[%dma_wait3A_1119, %dma_wait3A_1121, %dma_wait3A_1122] : memref<4x64x128xf32, #tpu.memory_space<vmem>> -> memref<1x64x128xf32, #tpu.memory_space<vmem>>
      %dma_wait3A_1124 = tpu.memref_squeeze %dma_wait3A_1123 : memref<1x64x128xf32, #tpu.memory_space<vmem>> -> memref<64x128xf32, #tpu.memory_space<vmem>>
      %dma_wait3A_1125 = arith.constant 0 : i32
      %dma_wait3A_1126 = tpu.memref_slice %arg12[%add3A_1118, %dma_wait3A_1125] : memref<128x64xi32, #tpu.memory_space<vmem>> -> memref<1x64xi32, #tpu.memory_space<vmem>>
      %dma_wait3A_1127 = tpu.memref_squeeze %dma_wait3A_1126 : memref<1x64xi32, #tpu.memory_space<vmem>> -> memref<64xi32, #tpu.memory_space<vmem>>
      %dma_wait3A_1128 = arith.constant 0 : i32
      %dma_wait3A_1129 = arith.constant 0 : i32
      %dma_wait3A_1130 = tpu.memref_slice %arg2[%dma_wait3A_1128, %dma_wait3A_1129] : memref<32768x128xf32, #tpu.memory_space<hbm>> -> memref<32768x128xf32, #tpu.memory_space<hbm>>
      %dma_wait3A_1131 = tpu.memref_slice %arg21[%dma_wait3A_1120] : memref<4x!tpu.dma_semaphore, #tpu.memory_space<semaphore_mem>> -> memref<1x!tpu.dma_semaphore, #tpu.memory_space<semaphore_mem>>
      %dma_wait3A_1132 = tpu.memref_squeeze %dma_wait3A_1131 : memref<1x!tpu.dma_semaphore, #tpu.memory_space<semaphore_mem>> -> memref<!tpu.dma_semaphore, #tpu.memory_space<semaphore_mem>>
      tpu.wait_indirect_dma semaphore(%dma_wait3A_1132 : memref<!tpu.dma_semaphore, #tpu.memory_space<semaphore_mem>>) src(%dma_wait3A_1130 : memref<32768x128xf32, #tpu.memory_space<hbm>>) dst(%dma_wait3A_1124 : memref<64x128xf32, #tpu.memory_space<vmem>>)
      %add3A_1133 = arith.constant 1 : i32
      %add3A_1134 = arith.addi %add3A_1118, %add3A_1133 : i32
      %lt3A_1135 = arith.constant 128 : i32
      %lt3A_1136 = arith.cmpi slt, %add3A_1134, %lt3A_1135 : i32
      %convert_element_type3A_1137 = arith.extui %lt3A_1136 : i1 to i32
      %cond3A_1138 = arith.constant 0 : i32
      %cond3A_1139 = arith.cmpi ne, %convert_element_type3A_1137, %cond3A_1138 : i32
      scf.if %cond3A_1139 {
        %add3A_1326 = arith.constant 1 : i32
        %add3A_1327 = arith.addi %add3A_1118, %add3A_1326 : i32
        %dma_start3A_1328 = arith.constant 0 : i32
        %dma_start3A_1329 = arith.constant 0 : i32
        %dma_start3A_1330 = arith.constant 0 : i32
        %dma_start3A_1331 = arith.constant 0 : i32
        %dma_start3A_1332 = tpu.memref_slice %arg17[%dma_start3A_1328, %dma_start3A_1330, %dma_start3A_1331] : memref<4x64x128xf32, #tpu.memory_space<vmem>> -> memref<1x64x128xf32, #tpu.memory_space<vmem>>
        %dma_start3A_1333 = tpu.memref_squeeze %dma_start3A_1332 : memref<1x64x128xf32, #tpu.memory_space<vmem>> -> memref<64x128xf32, #tpu.memory_space<vmem>>
        %dma_start3A_1334 = arith.constant 0 : i32
        %dma_start3A_1335 = tpu.memref_slice %arg12[%add3A_1327, %dma_start3A_1334] : memref<128x64xi32, #tpu.memory_space<vmem>> -> memref<1x64xi32, #tpu.memory_space<vmem>>
        %dma_start3A_1336 = tpu.memref_squeeze %dma_start3A_1335 : memref<1x64xi32, #tpu.memory_space<vmem>> -> memref<64xi32, #tpu.memory_space<vmem>>
        %dma_start3A_1337 = arith.constant 0 : i32
        %dma_start3A_1338 = arith.constant 0 : i32
        %dma_start3A_1339 = tpu.memref_slice %arg2[%dma_start3A_1337, %dma_start3A_1338] : memref<32768x128xf32, #tpu.memory_space<hbm>> -> memref<32768x128xf32, #tpu.memory_space<hbm>>
        %dma_start3A_1340 = tpu.memref_slice %arg21[%dma_start3A_1329] : memref<4x!tpu.dma_semaphore, #tpu.memory_space<semaphore_mem>> -> memref<1x!tpu.dma_semaphore, #tpu.memory_space<semaphore_mem>>
        %dma_start3A_1341 = tpu.memref_squeeze %dma_start3A_1340 : memref<1x!tpu.dma_semaphore, #tpu.memory_space<semaphore_mem>> -> memref<!tpu.dma_semaphore, #tpu.memory_space<semaphore_mem>>
        tpu.enqueue_indirect_dma source(%dma_start3A_1339 : memref<32768x128xf32, #tpu.memory_space<hbm>>) target(%dma_start3A_1333 : memref<64x128xf32, #tpu.memory_space<vmem>>) offsets(%dma_start3A_1336 : memref<64xi32, #tpu.memory_space<vmem>>) semaphore(%dma_start3A_1341 : memref<!tpu.dma_semaphore, #tpu.memory_space<semaphore_mem>>)
      } else {
      }
      %broadcast_in_dim3A_1140 = arith.constant 0 : i32
      %broadcast_in_dim3A_1141 = vector.broadcast %broadcast_in_dim3A_1140 : i32 to vector<16xi32>
      %add3A_1142 = arith.addi %broadcast_in_dim3A_1141, %iota3A : vector<16xi32>
      %broadcast_in_dim3A_1143 = arith.constant 0 : i32
      %broadcast_in_dim3A_1144 = vector.broadcast %broadcast_in_dim3A_1143 : i32 to vector<16xi32>
      %get3A_1145 = arith.index_cast %add3A_1118 : i32 to index
      %get3A_1146 = arith.constant 0 : index
      %get3A_1147 = tpu.vector_load %arg14[%get3A_1145, %get3A_1146] {strides = array<i32>} : memref<128x64xf32, #tpu.memory_space<vmem>>, vector<16xf32>,
      %scatter3A_1148 = arith.constant 3 : i32
      %scatter3A_1149 = arith.constant 0 : i32
      %scatter3A_1150 = arith.constant 0 : i32
      %scatter3A_1151 = tpu.memref_slice %arg17[%scatter3A_1148, %scatter3A_1149, %scatter3A_1150] : memref<4x64x128xf32, #tpu.memory_space<vmem>> -> memref<1x64x128xf32, #tpu.memory_space<vmem>>
      %scatter3A_1152 = tpu.memref_squeeze %scatter3A_1151 : memref<1x64x128xf32, #tpu.memory_space<vmem>> -> memref<64x128xf32, #tpu.memory_space<vmem>>
      tpu.vector_store_idx %scatter3A_1152[%add3A_1142, %broadcast_in_dim3A_1144], %get3A_1147 {add = true} : memref<64x128xf32, #tpu.memory_space<vmem>>[vector<16xi32>, vector<16xi32>], vector<16xf32>,
      %broadcast_in_dim3A_1153 = arith.constant 1 : i32
      %broadcast_in_dim3A_1154 = vector.broadcast %broadcast_in_dim3A_1153 : i32 to vector<16xi32>
      %get3A_1155 = arith.index_cast %add3A_1118 : i32 to index
      %get3A_1156 = arith.constant 0 : index
      %get3A_1157 = tpu.vector_load %arg15[%get3A_1155, %get3A_1156] {strides = array<i32>} : memref<128x64xf32, #tpu.memory_space<vmem>>, vector<16xf32>,
      %scatter3A_1158 = arith.constant 3 : i32
      %scatter3A_1159 = arith.constant 0 : i32
      %scatter3A_1160 = arith.constant 0 : i32
      %scatter3A_1161 = tpu.memref_slice %arg17[%scatter3A_1158, %scatter3A_1159, %scatter3A_1160] : memref<4x64x128xf32, #tpu.memory_space<vmem>> -> memref<1x64x128xf32, #tpu.memory_space<vmem>>
      %scatter3A_1162 = tpu.memref_squeeze %scatter3A_1161 : memref<1x64x128xf32, #tpu.memory_space<vmem>> -> memref<64x128xf32, #tpu.memory_space<vmem>>
      tpu.vector_store_idx %scatter3A_1162[%add3A_1142, %broadcast_in_dim3A_1154], %get3A_1157 {add = true} : memref<64x128xf32, #tpu.memory_space<vmem>>[vector<16xi32>, vector<16xi32>], vector<16xf32>,
      %broadcast_in_dim3A_1163 = arith.constant 2 : i32
      %broadcast_in_dim3A_1164 = vector.broadcast %broadcast_in_dim3A_1163 : i32 to vector<16xi32>
      %get3A_1165 = arith.index_cast %add3A_1118 : i32 to index
      %get3A_1166 = arith.constant 0 : index
      %get3A_1167 = tpu.vector_load %arg16[%get3A_1165, %get3A_1166] {strides = array<i32>} : memref<128x64xf32, #tpu.memory_space<vmem>>, vector<16xf32>,
      %scatter3A_1168 = arith.constant 3 : i32
      %scatter3A_1169 = arith.constant 0 : i32
      %scatter3A_1170 = arith.constant 0 : i32
      %scatter3A_1171 = tpu.memref_slice %arg17[%scatter3A_1168, %scatter3A_1169, %scatter3A_1170] : memref<4x64x128xf32, #tpu.memory_space<vmem>> -> memref<1x64x128xf32, #tpu.memory_space<vmem>>
      %scatter3A_1172 = tpu.memref_squeeze %scatter3A_1171 : memref<1x64x128xf32, #tpu.memory_space<vmem>> -> memref<64x128xf32, #tpu.memory_space<vmem>>
      tpu.vector_store_idx %scatter3A_1172[%add3A_1142, %broadcast_in_dim3A_1164], %get3A_1167 {add = true} : memref<64x128xf32, #tpu.memory_space<vmem>>[vector<16xi32>, vector<16xi32>], vector<16xf32>,
      %broadcast_in_dim3A_1173 = arith.constant 16 : i32
      %broadcast_in_dim3A_1174 = vector.broadcast %broadcast_in_dim3A_1173 : i32 to vector<16xi32>
      %add3A_1175 = arith.addi %broadcast_in_dim3A_1174, %iota3A : vector<16xi32>
      %broadcast_in_dim3A_1176 = arith.constant 0 : i32
      %broadcast_in_dim3A_1177 = vector.broadcast %broadcast_in_dim3A_1176 : i32 to vector<16xi32>
      %get3A_1178 = arith.index_cast %add3A_1118 : i32 to index
      %get3A_1179 = arith.constant 16 : index
      %get3A_1180 = tpu.vector_load %arg14[%get3A_1178, %get3A_1179] {strides = array<i32>} : memref<128x64xf32, #tpu.memory_space<vmem>>, vector<16xf32>,
      %scatter3A_1181 = arith.constant 3 : i32
      %scatter3A_1182 = arith.constant 0 : i32
      %scatter3A_1183 = arith.constant 0 : i32
      %scatter3A_1184 = tpu.memref_slice %arg17[%scatter3A_1181, %scatter3A_1182, %scatter3A_1183] : memref<4x64x128xf32, #tpu.memory_space<vmem>> -> memref<1x64x128xf32, #tpu.memory_space<vmem>>
      %scatter3A_1185 = tpu.memref_squeeze %scatter3A_1184 : memref<1x64x128xf32, #tpu.memory_space<vmem>> -> memref<64x128xf32, #tpu.memory_space<vmem>>
      tpu.vector_store_idx %scatter3A_1185[%add3A_1175, %broadcast_in_dim3A_1177], %get3A_1180 {add = true} : memref<64x128xf32, #tpu.memory_space<vmem>>[vector<16xi32>, vector<16xi32>], vector<16xf32>,
      %broadcast_in_dim3A_1186 = arith.constant 1 : i32
      %broadcast_in_dim3A_1187 = vector.broadcast %broadcast_in_dim3A_1186 : i32 to vector<16xi32>
      %get3A_1188 = arith.index_cast %add3A_1118 : i32 to index
      %get3A_1189 = arith.constant 16 : index
      %get3A_1190 = tpu.vector_load %arg15[%get3A_1188, %get3A_1189] {strides = array<i32>} : memref<128x64xf32, #tpu.memory_space<vmem>>, vector<16xf32>,
      %scatter3A_1191 = arith.constant 3 : i32
      %scatter3A_1192 = arith.constant 0 : i32
      %scatter3A_1193 = arith.constant 0 : i32
      %scatter3A_1194 = tpu.memref_slice %arg17[%scatter3A_1191, %scatter3A_1192, %scatter3A_1193] : memref<4x64x128xf32, #tpu.memory_space<vmem>> -> memref<1x64x128xf32, #tpu.memory_space<vmem>>
      %scatter3A_1195 = tpu.memref_squeeze %scatter3A_1194 : memref<1x64x128xf32, #tpu.memory_space<vmem>> -> memref<64x128xf32, #tpu.memory_space<vmem>>
      tpu.vector_store_idx %scatter3A_1195[%add3A_1175, %broadcast_in_dim3A_1187], %get3A_1190 {add = true} : memref<64x128xf32, #tpu.memory_space<vmem>>[vector<16xi32>, vector<16xi32>], vector<16xf32>,
      %broadcast_in_dim3A_1196 = arith.constant 2 : i32
      %broadcast_in_dim3A_1197 = vector.broadcast %broadcast_in_dim3A_1196 : i32 to vector<16xi32>
      %get3A_1198 = arith.index_cast %add3A_1118 : i32 to index
      %get3A_1199 = arith.constant 16 : index
      %get3A_1200 = tpu.vector_load %arg16[%get3A_1198, %get3A_1199] {strides = array<i32>} : memref<128x64xf32, #tpu.memory_space<vmem>>, vector<16xf32>,
      %scatter3A_1201 = arith.constant 3 : i32
      %scatter3A_1202 = arith.constant 0 : i32
      %scatter3A_1203 = arith.constant 0 : i32
      %scatter3A_1204 = tpu.memref_slice %arg17[%scatter3A_1201, %scatter3A_1202, %scatter3A_1203] : memref<4x64x128xf32, #tpu.memory_space<vmem>> -> memref<1x64x128xf32, #tpu.memory_space<vmem>>
      %scatter3A_1205 = tpu.memref_squeeze %scatter3A_1204 : memref<1x64x128xf32, #tpu.memory_space<vmem>> -> memref<64x128xf32, #tpu.memory_space<vmem>>
      tpu.vector_store_idx %scatter3A_1205[%add3A_1175, %broadcast_in_dim3A_1197], %get3A_1200 {add = true} : memref<64x128xf32, #tpu.memory_space<vmem>>[vector<16xi32>, vector<16xi32>], vector<16xf32>,
      %broadcast_in_dim3A_1206 = arith.constant 32 : i32
      %broadcast_in_dim3A_1207 = vector.broadcast %broadcast_in_dim3A_1206 : i32 to vector<16xi32>
      %add3A_1208 = arith.addi %broadcast_in_dim3A_1207, %iota3A : vector<16xi32>
      %broadcast_in_dim3A_1209 = arith.constant 0 : i32
      %broadcast_in_dim3A_1210 = vector.broadcast %broadcast_in_dim3A_1209 : i32 to vector<16xi32>
      %get3A_1211 = arith.index_cast %add3A_1118 : i32 to index
      %get3A_1212 = arith.constant 32 : index
      %get3A_1213 = tpu.vector_load %arg14[%get3A_1211, %get3A_1212] {strides = array<i32>} : memref<128x64xf32, #tpu.memory_space<vmem>>, vector<16xf32>,
      %scatter3A_1214 = arith.constant 3 : i32
      %scatter3A_1215 = arith.constant 0 : i32
      %scatter3A_1216 = arith.constant 0 : i32
      %scatter3A_1217 = tpu.memref_slice %arg17[%scatter3A_1214, %scatter3A_1215, %scatter3A_1216] : memref<4x64x128xf32, #tpu.memory_space<vmem>> -> memref<1x64x128xf32, #tpu.memory_space<vmem>>
      %scatter3A_1218 = tpu.memref_squeeze %scatter3A_1217 : memref<1x64x128xf32, #tpu.memory_space<vmem>> -> memref<64x128xf32, #tpu.memory_space<vmem>>
      tpu.vector_store_idx %scatter3A_1218[%add3A_1208, %broadcast_in_dim3A_1210], %get3A_1213 {add = true} : memref<64x128xf32, #tpu.memory_space<vmem>>[vector<16xi32>, vector<16xi32>], vector<16xf32>,
      %broadcast_in_dim3A_1219 = arith.constant 1 : i32
      %broadcast_in_dim3A_1220 = vector.broadcast %broadcast_in_dim3A_1219 : i32 to vector<16xi32>
      %get3A_1221 = arith.index_cast %add3A_1118 : i32 to index
      %get3A_1222 = arith.constant 32 : index
      %get3A_1223 = tpu.vector_load %arg15[%get3A_1221, %get3A_1222] {strides = array<i32>} : memref<128x64xf32, #tpu.memory_space<vmem>>, vector<16xf32>,
      %scatter3A_1224 = arith.constant 3 : i32
      %scatter3A_1225 = arith.constant 0 : i32
      %scatter3A_1226 = arith.constant 0 : i32
      %scatter3A_1227 = tpu.memref_slice %arg17[%scatter3A_1224, %scatter3A_1225, %scatter3A_1226] : memref<4x64x128xf32, #tpu.memory_space<vmem>> -> memref<1x64x128xf32, #tpu.memory_space<vmem>>
      %scatter3A_1228 = tpu.memref_squeeze %scatter3A_1227 : memref<1x64x128xf32, #tpu.memory_space<vmem>> -> memref<64x128xf32, #tpu.memory_space<vmem>>
      tpu.vector_store_idx %scatter3A_1228[%add3A_1208, %broadcast_in_dim3A_1220], %get3A_1223 {add = true} : memref<64x128xf32, #tpu.memory_space<vmem>>[vector<16xi32>, vector<16xi32>], vector<16xf32>,
      %broadcast_in_dim3A_1229 = arith.constant 2 : i32
      %broadcast_in_dim3A_1230 = vector.broadcast %broadcast_in_dim3A_1229 : i32 to vector<16xi32>
      %get3A_1231 = arith.index_cast %add3A_1118 : i32 to index
      %get3A_1232 = arith.constant 32 : index
      %get3A_1233 = tpu.vector_load %arg16[%get3A_1231, %get3A_1232] {strides = array<i32>} : memref<128x64xf32, #tpu.memory_space<vmem>>, vector<16xf32>,
      %scatter3A_1234 = arith.constant 3 : i32
      %scatter3A_1235 = arith.constant 0 : i32
      %scatter3A_1236 = arith.constant 0 : i32
      %scatter3A_1237 = tpu.memref_slice %arg17[%scatter3A_1234, %scatter3A_1235, %scatter3A_1236] : memref<4x64x128xf32, #tpu.memory_space<vmem>> -> memref<1x64x128xf32, #tpu.memory_space<vmem>>
      %scatter3A_1238 = tpu.memref_squeeze %scatter3A_1237 : memref<1x64x128xf32, #tpu.memory_space<vmem>> -> memref<64x128xf32, #tpu.memory_space<vmem>>
      tpu.vector_store_idx %scatter3A_1238[%add3A_1208, %broadcast_in_dim3A_1230], %get3A_1233 {add = true} : memref<64x128xf32, #tpu.memory_space<vmem>>[vector<16xi32>, vector<16xi32>], vector<16xf32>,
      %broadcast_in_dim3A_1239 = arith.constant 48 : i32
      %broadcast_in_dim3A_1240 = vector.broadcast %broadcast_in_dim3A_1239 : i32 to vector<16xi32>
      %add3A_1241 = arith.addi %broadcast_in_dim3A_1240, %iota3A : vector<16xi32>
      %broadcast_in_dim3A_1242 = arith.constant 0 : i32
      %broadcast_in_dim3A_1243 = vector.broadcast %broadcast_in_dim3A_1242 : i32 to vector<16xi32>
      %get3A_1244 = arith.index_cast %add3A_1118 : i32 to index
      %get3A_1245 = arith.constant 48 : index
      %get3A_1246 = tpu.vector_load %arg14[%get3A_1244, %get3A_1245] {strides = array<i32>} : memref<128x64xf32, #tpu.memory_space<vmem>>, vector<16xf32>,
      %scatter3A_1247 = arith.constant 3 : i32
      %scatter3A_1248 = arith.constant 0 : i32
      %scatter3A_1249 = arith.constant 0 : i32
      %scatter3A_1250 = tpu.memref_slice %arg17[%scatter3A_1247, %scatter3A_1248, %scatter3A_1249] : memref<4x64x128xf32, #tpu.memory_space<vmem>> -> memref<1x64x128xf32, #tpu.memory_space<vmem>>
      %scatter3A_1251 = tpu.memref_squeeze %scatter3A_1250 : memref<1x64x128xf32, #tpu.memory_space<vmem>> -> memref<64x128xf32, #tpu.memory_space<vmem>>
      tpu.vector_store_idx %scatter3A_1251[%add3A_1241, %broadcast_in_dim3A_1243], %get3A_1246 {add = true} : memref<64x128xf32, #tpu.memory_space<vmem>>[vector<16xi32>, vector<16xi32>], vector<16xf32>,
      %broadcast_in_dim3A_1252 = arith.constant 1 : i32
      %broadcast_in_dim3A_1253 = vector.broadcast %broadcast_in_dim3A_1252 : i32 to vector<16xi32>
      %get3A_1254 = arith.index_cast %add3A_1118 : i32 to index
      %get3A_1255 = arith.constant 48 : index
      %get3A_1256 = tpu.vector_load %arg15[%get3A_1254, %get3A_1255] {strides = array<i32>} : memref<128x64xf32, #tpu.memory_space<vmem>>, vector<16xf32>,
      %scatter3A_1257 = arith.constant 3 : i32
      %scatter3A_1258 = arith.constant 0 : i32
      %scatter3A_1259 = arith.constant 0 : i32
      %scatter3A_1260 = tpu.memref_slice %arg17[%scatter3A_1257, %scatter3A_1258, %scatter3A_1259] : memref<4x64x128xf32, #tpu.memory_space<vmem>> -> memref<1x64x128xf32, #tpu.memory_space<vmem>>
      %scatter3A_1261 = tpu.memref_squeeze %scatter3A_1260 : memref<1x64x128xf32, #tpu.memory_space<vmem>> -> memref<64x128xf32, #tpu.memory_space<vmem>>
      tpu.vector_store_idx %scatter3A_1261[%add3A_1241, %broadcast_in_dim3A_1253], %get3A_1256 {add = true} : memref<64x128xf32, #tpu.memory_space<vmem>>[vector<16xi32>, vector<16xi32>], vector<16xf32>,
      %broadcast_in_dim3A_1262 = arith.constant 2 : i32
      %broadcast_in_dim3A_1263 = vector.broadcast %broadcast_in_dim3A_1262 : i32 to vector<16xi32>
      %get3A_1264 = arith.index_cast %add3A_1118 : i32 to index
      %get3A_1265 = arith.constant 48 : index
      %get3A_1266 = tpu.vector_load %arg16[%get3A_1264, %get3A_1265] {strides = array<i32>} : memref<128x64xf32, #tpu.memory_space<vmem>>, vector<16xf32>,
      %scatter3A_1267 = arith.constant 3 : i32
      %scatter3A_1268 = arith.constant 0 : i32
      %scatter3A_1269 = arith.constant 0 : i32
      %scatter3A_1270 = tpu.memref_slice %arg17[%scatter3A_1267, %scatter3A_1268, %scatter3A_1269] : memref<4x64x128xf32, #tpu.memory_space<vmem>> -> memref<1x64x128xf32, #tpu.memory_space<vmem>>
      %scatter3A_1271 = tpu.memref_squeeze %scatter3A_1270 : memref<1x64x128xf32, #tpu.memory_space<vmem>> -> memref<64x128xf32, #tpu.memory_space<vmem>>
      tpu.vector_store_idx %scatter3A_1271[%add3A_1241, %broadcast_in_dim3A_1263], %get3A_1266 {add = true} : memref<64x128xf32, #tpu.memory_space<vmem>>[vector<16xi32>, vector<16xi32>], vector<16xf32>,
      %dma_wait3A_1272 = arith.constant 3 : i32
      %dma_wait3A_1273 = arith.constant 3 : i32
      %dma_wait3A_1274 = arith.constant 0 : i32
      %dma_wait3A_1275 = arith.constant 0 : i32
      %dma_wait3A_1276 = tpu.memref_slice %arg19[%arg1, %dma_wait3A_1272, %dma_wait3A_1274, %dma_wait3A_1275] : memref<16x4x40x128xf32, #tpu.memory_space<vmem_shared>> -> memref<1x1x40x128xf32, #tpu.memory_space<vmem_shared>>
      %dma_wait3A_1277 = tpu.memref_squeeze %dma_wait3A_1276 : memref<1x1x40x128xf32, #tpu.memory_space<vmem_shared>> -> memref<40x128xf32, #tpu.memory_space<vmem_shared>>
      %dma_wait3A_1278 = tpu.memref_slice %arg22[%dma_wait3A_1273] : memref<4x!tpu.dma_semaphore, #tpu.memory_space<semaphore_mem>> -> memref<1x!tpu.dma_semaphore, #tpu.memory_space<semaphore_mem>>
      %dma_wait3A_1279 = tpu.memref_squeeze %dma_wait3A_1278 : memref<1x!tpu.dma_semaphore, #tpu.memory_space<semaphore_mem>> -> memref<!tpu.dma_semaphore, #tpu.memory_space<semaphore_mem>>
      %dma_wait3A_1280 = arith.constant 0 : i32
      %dma_wait3A_1281 = arith.constant 0 : i32
      %dma_wait3A_1282 = tpu.memref_slice %arg19[%arg1, %dma_wait3A_1272, %dma_wait3A_1280, %dma_wait3A_1281] : memref<16x4x40x128xf32, #tpu.memory_space<vmem_shared>> -> memref<1x1x40x128xf32, #tpu.memory_space<vmem_shared>>
      %dma_wait3A_1283 = tpu.memref_squeeze %dma_wait3A_1282 : memref<1x1x40x128xf32, #tpu.memory_space<vmem_shared>> -> memref<40x128xf32, #tpu.memory_space<vmem_shared>>
      tpu.wait_dma2 semaphore(%dma_wait3A_1279 : memref<!tpu.dma_semaphore, #tpu.memory_space<semaphore_mem>>) src(%arg18 : memref<40x128xf32, #tpu.memory_space<vmem>>) dst(%dma_wait3A_1283 : memref<40x128xf32, #tpu.memory_space<vmem_shared>>)
      %run_scoped3A_1284 = arith.constant 3 : i32
      %run_scoped3A_1285 = arith.constant 3 : i32
      "tpu.region"() ({
        %run_scoped3A_1326 = tpu.sem_alloc : memref<!tpu.dma_semaphore, #tpu.memory_space<semaphore_mem>>
        %dma_start3A_1327 = arith.constant 0 : i32
        %dma_start3A_1328 = arith.constant 0 : i32
        %dma_start3A_1329 = tpu.memref_slice %arg17[%run_scoped3A_1284, %dma_start3A_1327, %dma_start3A_1328] : memref<4x64x128xf32, #tpu.memory_space<vmem>> -> memref<1x64x128xf32, #tpu.memory_space<vmem>>
        %dma_start3A_1330 = tpu.memref_squeeze %dma_start3A_1329 : memref<1x64x128xf32, #tpu.memory_space<vmem>> -> memref<64x128xf32, #tpu.memory_space<vmem>>
        %dma_start3A_1331 = arith.constant 0 : i32
        %dma_start3A_1332 = tpu.memref_slice %arg13[%add3A_1118, %dma_start3A_1331] : memref<128x64xi32, #tpu.memory_space<vmem>> -> memref<1x64xi32, #tpu.memory_space<vmem>>
        %dma_start3A_1333 = tpu.memref_squeeze %dma_start3A_1332 : memref<1x64xi32, #tpu.memory_space<vmem>> -> memref<64xi32, #tpu.memory_space<vmem>>
        %dma_start3A_1334 = arith.constant 0 : i32
        %dma_start3A_1335 = arith.constant 0 : i32
        %dma_start3A_1336 = tpu.memref_slice %arg19[%arg1, %run_scoped3A_1285, %dma_start3A_1334, %dma_start3A_1335] : memref<16x4x40x128xf32, #tpu.memory_space<vmem_shared>> -> memref<1x1x40x128xf32, #tpu.memory_space<vmem_shared>>
        %dma_start3A_1337 = tpu.memref_squeeze %dma_start3A_1336 : memref<1x1x40x128xf32, #tpu.memory_space<vmem_shared>> -> memref<40x128xf32, #tpu.memory_space<vmem_shared>>
        %dma_start3A_1338 = arith.constant 0 : i32
        %dma_start3A_1339 = arith.constant 0 : i32
        %dma_start3A_1340 = tpu.memref_slice %dma_start3A_1337[%dma_start3A_1338, %dma_start3A_1339] : memref<40x128xf32, #tpu.memory_space<vmem_shared>> -> memref<40x128xf32, #tpu.memory_space<vmem_shared>>
        tpu.enqueue_indirect_dma source(%dma_start3A_1330 : memref<64x128xf32, #tpu.memory_space<vmem>>) target(%dma_start3A_1340 : memref<40x128xf32, #tpu.memory_space<vmem_shared>>) offsets(%dma_start3A_1333 : memref<64xi32, #tpu.memory_space<vmem>>) semaphore(%run_scoped3A_1326 : memref<!tpu.dma_semaphore, #tpu.memory_space<semaphore_mem>>) {add = true}
        %dma_wait3A_1341 = arith.constant 0 : i32
        %dma_wait3A_1342 = arith.constant 0 : i32
        %dma_wait3A_1343 = tpu.memref_slice %arg17[%run_scoped3A_1284, %dma_wait3A_1341, %dma_wait3A_1342] : memref<4x64x128xf32, #tpu.memory_space<vmem>> -> memref<1x64x128xf32, #tpu.memory_space<vmem>>
        %dma_wait3A_1344 = tpu.memref_squeeze %dma_wait3A_1343 : memref<1x64x128xf32, #tpu.memory_space<vmem>> -> memref<64x128xf32, #tpu.memory_space<vmem>>
        %dma_wait3A_1345 = arith.constant 0 : i32
        %dma_wait3A_1346 = tpu.memref_slice %arg13[%add3A_1118, %dma_wait3A_1345] : memref<128x64xi32, #tpu.memory_space<vmem>> -> memref<1x64xi32, #tpu.memory_space<vmem>>
        %dma_wait3A_1347 = tpu.memref_squeeze %dma_wait3A_1346 : memref<1x64xi32, #tpu.memory_space<vmem>> -> memref<64xi32, #tpu.memory_space<vmem>>
        %dma_wait3A_1348 = arith.constant 0 : i32
        %dma_wait3A_1349 = arith.constant 0 : i32
        %dma_wait3A_1350 = tpu.memref_slice %arg19[%arg1, %run_scoped3A_1285, %dma_wait3A_1348, %dma_wait3A_1349] : memref<16x4x40x128xf32, #tpu.memory_space<vmem_shared>> -> memref<1x1x40x128xf32, #tpu.memory_space<vmem_shared>>
        %dma_wait3A_1351 = tpu.memref_squeeze %dma_wait3A_1350 : memref<1x1x40x128xf32, #tpu.memory_space<vmem_shared>> -> memref<40x128xf32, #tpu.memory_space<vmem_shared>>
        %dma_wait3A_1352 = arith.constant 0 : i32
        %dma_wait3A_1353 = arith.constant 0 : i32
        %dma_wait3A_1354 = tpu.memref_slice %dma_wait3A_1351[%dma_wait3A_1352, %dma_wait3A_1353] : memref<40x128xf32, #tpu.memory_space<vmem_shared>> -> memref<40x128xf32, #tpu.memory_space<vmem_shared>>
        tpu.wait_indirect_dma semaphore(%run_scoped3A_1326 : memref<!tpu.dma_semaphore, #tpu.memory_space<semaphore_mem>>) src(%dma_wait3A_1344 : memref<64x128xf32, #tpu.memory_space<vmem>>) dst(%dma_wait3A_1354 : memref<40x128xf32, #tpu.memory_space<vmem_shared>>)
        tpu.yield
      }) : () -> ()
      %mul3A_1286 = arith.constant 32 : i32
      %mul3A_1287 = arith.muli %add3A, %mul3A_1286 : i32
      %add3A_1288 = arith.addi %mul3A_1287, %scan3A_488 : i32
      %dma_start3A_1289 = arith.constant 3 : i32
      %dma_start3A_1290 = arith.constant 6 : i32
      %dma_start3A_1291 = arith.constant 3 : i32
      %dma_start3A_1292 = tpu.memref_slice %arg23[%dma_start3A_1291] : memref<4x!tpu.dma_semaphore, #tpu.memory_space<semaphore_mem>> -> memref<1x!tpu.dma_semaphore, #tpu.memory_space<semaphore_mem>>
      %dma_start3A_1293 = tpu.memref_squeeze %dma_start3A_1292 : memref<1x!tpu.dma_semaphore, #tpu.memory_space<semaphore_mem>> -> memref<!tpu.dma_semaphore, #tpu.memory_space<semaphore_mem>>
      %dma_start3A_1294 = arith.constant 0 : i32
      %dma_start3A_1295 = arith.constant 0 : i32
      %dma_start3A_1296 = tpu.memref_slice %arg9[%add3A_1288, %dma_start3A_1294, %dma_start3A_1290, %dma_start3A_1295] : memref<1024x20x8x128xf32, #tpu.memory_space<hbm>> -> memref<1x20x1x128xf32, #tpu.memory_space<hbm>>
      %dma_start3A_1297 = tpu.memref_squeeze %dma_start3A_1296 : memref<1x20x1x128xf32, #tpu.memory_space<hbm>> -> memref<20x128xf32, #tpu.memory_space<hbm>>
      %dma_start3A_1298 = arith.constant 0 : i32
      %dma_start3A_1299 = arith.constant 0 : i32
      %dma_start3A_1300 = tpu.memref_slice %arg19[%arg1, %dma_start3A_1289, %dma_start3A_1298, %dma_start3A_1299] : memref<16x4x40x128xf32, #tpu.memory_space<vmem_shared>> -> memref<1x1x20x128xf32, #tpu.memory_space<vmem_shared>>
      %dma_start3A_1301 = tpu.memref_squeeze %dma_start3A_1300 : memref<1x1x20x128xf32, #tpu.memory_space<vmem_shared>> -> memref<20x128xf32, #tpu.memory_space<vmem_shared>>
      tpu.enqueue_dma source(%dma_start3A_1301 : memref<20x128xf32, #tpu.memory_space<vmem_shared>>) target(%dma_start3A_1297 : memref<20x128xf32, #tpu.memory_space<hbm>>) target_semaphore(%dma_start3A_1293 : memref<!tpu.dma_semaphore, #tpu.memory_space<semaphore_mem>>)
      %dma_start3A_1302 = arith.constant 3 : i32
      %dma_start3A_1303 = arith.constant 7 : i32
      %dma_start3A_1304 = arith.constant 3 : i32
      %dma_start3A_1305 = tpu.memref_slice %arg23[%dma_start3A_1304] : memref<4x!tpu.dma_semaphore, #tpu.memory_space<semaphore_mem>> -> memref<1x!tpu.dma_semaphore, #tpu.memory_space<semaphore_mem>>
      %dma_start3A_1306 = tpu.memref_squeeze %dma_start3A_1305 : memref<1x!tpu.dma_semaphore, #tpu.memory_space<semaphore_mem>> -> memref<!tpu.dma_semaphore, #tpu.memory_space<semaphore_mem>>
      %dma_start3A_1307 = arith.constant 0 : i32
      %dma_start3A_1308 = arith.constant 0 : i32
      %dma_start3A_1309 = tpu.memref_slice %arg9[%add3A_1288, %dma_start3A_1307, %dma_start3A_1303, %dma_start3A_1308] : memref<1024x20x8x128xf32, #tpu.memory_space<hbm>> -> memref<1x20x1x128xf32, #tpu.memory_space<hbm>>
      %dma_start3A_1310 = tpu.memref_squeeze %dma_start3A_1309 : memref<1x20x1x128xf32, #tpu.memory_space<hbm>> -> memref<20x128xf32, #tpu.memory_space<hbm>>
      %dma_start3A_1311 = arith.constant 20 : i32
      %dma_start3A_1312 = arith.constant 0 : i32
      %dma_start3A_1313 = tpu.memref_slice %arg19[%arg1, %dma_start3A_1302, %dma_start3A_1311, %dma_start3A_1312] : memref<16x4x40x128xf32, #tpu.memory_space<vmem_shared>> -> memref<1x1x20x128xf32, #tpu.memory_space<vmem_shared>>
      %dma_start3A_1314 = tpu.memref_squeeze %dma_start3A_1313 : memref<1x1x20x128xf32, #tpu.memory_space<vmem_shared>> -> memref<20x128xf32, #tpu.memory_space<vmem_shared>>
      tpu.enqueue_dma source(%dma_start3A_1314 : memref<20x128xf32, #tpu.memory_space<vmem_shared>>) target(%dma_start3A_1310 : memref<20x128xf32, #tpu.memory_space<hbm>>) target_semaphore(%dma_start3A_1306 : memref<!tpu.dma_semaphore, #tpu.memory_space<semaphore_mem>>)
      %ge3A_1315 = arith.constant 2 : i32
      %ge3A_1316 = arith.cmpi sge, %add3A_1118, %ge3A_1315 : i32
      %add3A_1317 = arith.constant 2 : i32
      %add3A_1318 = arith.addi %add3A_1118, %add3A_1317 : i32
      %lt3A_1319 = arith.constant 128 : i32
      %lt3A_1320 = arith.cmpi slt, %add3A_1318, %lt3A_1319 : i32
      %and3A_1321 = arith.andi %ge3A_1316, %lt3A_1320 : i1
      %convert_element_type3A_1322 = arith.extui %and3A_1321 : i1 to i32
      %cond3A_1323 = arith.constant 0 : i32
      %cond3A_1324 = arith.cmpi ne, %convert_element_type3A_1322, %cond3A_1323 : i32
      scf.if %cond3A_1324 {
        %mul3A_1326 = arith.constant 32 : i32
        %mul3A_1327 = arith.muli %add3A, %mul3A_1326 : i32
        %sub3A_1328 = arith.constant 2 : i32
        %sub3A_1329 = arith.subi %add3A_1118, %sub3A_1328 : i32
        %jit3A_1330 = arith.constant 4 : i32
        %div3A_1331 = arith.divsi %sub3A_1329, %jit3A_1330 : i32
        %sign3A_1332 = arith.constant 0 : i32
        %sign3A_1333 = arith.cmpi sgt, %sub3A_1329, %sign3A_1332 : i32
        %sign3A_1334 = arith.extui %sign3A_1333 : i1 to i32
        %sign3A_1335 = arith.constant 0 : i32
        %sign3A_1336 = arith.cmpi slt, %sub3A_1329, %sign3A_1335 : i32
        %sign3A_1337 = arith.extui %sign3A_1336 : i1 to i32
        %sign3A_1338 = arith.subi %sign3A_1334, %sign3A_1337 : i32
        %sign3A_1339 = arith.constant 0 : i32
        %sign3A_1340 = arith.cmpi sgt, %jit3A_1330, %sign3A_1339 : i32
        %sign3A_1341 = arith.extui %sign3A_1340 : i1 to i32
        %sign3A_1342 = arith.constant 0 : i32
        %sign3A_1343 = arith.cmpi slt, %jit3A_1330, %sign3A_1342 : i32
        %sign3A_1344 = arith.extui %sign3A_1343 : i1 to i32
        %sign3A_1345 = arith.subi %sign3A_1341, %sign3A_1344 : i32
        %ne3A_1346 = arith.cmpi ne, %sign3A_1338, %sign3A_1345 : i32
        %rem3A_1347 = arith.remsi %sub3A_1329, %jit3A_1330 : i32
        %ne3A_1348 = arith.constant 0 : i32
        %ne3A_1349 = arith.cmpi ne, %rem3A_1347, %ne3A_1348 : i32
        %and3A_1350 = arith.andi %ne3A_1346, %ne3A_1349 : i1
        %sub3A_1351 = arith.constant 1 : i32
        %sub3A_1352 = arith.subi %div3A_1331, %sub3A_1351 : i32
        %select_n3A_1353 = arith.select %and3A_1350, %sub3A_1352, %div3A_1331 : i32
        %add3A_1354 = arith.addi %mul3A_1327, %select_n3A_1353 : i32
        %dma_wait3A_1355 = arith.constant 1 : i32
        %dma_wait3A_1356 = arith.constant 2 : i32
        %dma_wait3A_1357 = arith.constant 1 : i32
        %dma_wait3A_1358 = tpu.memref_slice %arg23[%dma_wait3A_1357] : memref<4x!tpu.dma_semaphore, #tpu.memory_space<semaphore_mem>> -> memref<1x!tpu.dma_semaphore, #tpu.memory_space<semaphore_mem>>
        %dma_wait3A_1359 = tpu.memref_squeeze %dma_wait3A_1358 : memref<1x!tpu.dma_semaphore, #tpu.memory_space<semaphore_mem>> -> memref<!tpu.dma_semaphore, #tpu.memory_space<semaphore_mem>>
        %dma_wait3A_1360 = arith.constant 0 : i32
        %dma_wait3A_1361 = arith.constant 0 : i32
        %dma_wait3A_1362 = tpu.memref_slice %arg9[%add3A_1354, %dma_wait3A_1360, %dma_wait3A_1356, %dma_wait3A_1361] : memref<1024x20x8x128xf32, #tpu.memory_space<hbm>> -> memref<1x20x1x128xf32, #tpu.memory_space<hbm>>
        %dma_wait3A_1363 = tpu.memref_squeeze %dma_wait3A_1362 : memref<1x20x1x128xf32, #tpu.memory_space<hbm>> -> memref<20x128xf32, #tpu.memory_space<hbm>>
        %dma_wait3A_1364 = arith.constant 0 : i32
        %dma_wait3A_1365 = arith.constant 0 : i32
        %dma_wait3A_1366 = tpu.memref_slice %arg19[%arg1, %dma_wait3A_1355, %dma_wait3A_1364, %dma_wait3A_1365] : memref<16x4x40x128xf32, #tpu.memory_space<vmem_shared>> -> memref<1x1x20x128xf32, #tpu.memory_space<vmem_shared>>
        %dma_wait3A_1367 = tpu.memref_squeeze %dma_wait3A_1366 : memref<1x1x20x128xf32, #tpu.memory_space<vmem_shared>> -> memref<20x128xf32, #tpu.memory_space<vmem_shared>>
        tpu.wait_dma2 semaphore(%dma_wait3A_1359 : memref<!tpu.dma_semaphore, #tpu.memory_space<semaphore_mem>>) src(%dma_wait3A_1367 : memref<20x128xf32, #tpu.memory_space<vmem_shared>>) dst(%dma_wait3A_1363 : memref<20x128xf32, #tpu.memory_space<hbm>>)
        %dma_wait3A_1368 = arith.constant 1 : i32
        %dma_wait3A_1369 = arith.constant 3 : i32
        %dma_wait3A_1370 = arith.constant 1 : i32
        %dma_wait3A_1371 = tpu.memref_slice %arg23[%dma_wait3A_1370] : memref<4x!tpu.dma_semaphore, #tpu.memory_space<semaphore_mem>> -> memref<1x!tpu.dma_semaphore, #tpu.memory_space<semaphore_mem>>
        %dma_wait3A_1372 = tpu.memref_squeeze %dma_wait3A_1371 : memref<1x!tpu.dma_semaphore, #tpu.memory_space<semaphore_mem>> -> memref<!tpu.dma_semaphore, #tpu.memory_space<semaphore_mem>>
        %dma_wait3A_1373 = arith.constant 0 : i32
        %dma_wait3A_1374 = arith.constant 0 : i32
        %dma_wait3A_1375 = tpu.memref_slice %arg9[%add3A_1354, %dma_wait3A_1373, %dma_wait3A_1369, %dma_wait3A_1374] : memref<1024x20x8x128xf32, #tpu.memory_space<hbm>> -> memref<1x20x1x128xf32, #tpu.memory_space<hbm>>
        %dma_wait3A_1376 = tpu.memref_squeeze %dma_wait3A_1375 : memref<1x20x1x128xf32, #tpu.memory_space<hbm>> -> memref<20x128xf32, #tpu.memory_space<hbm>>
        %dma_wait3A_1377 = arith.constant 20 : i32
        %dma_wait3A_1378 = arith.constant 0 : i32
        %dma_wait3A_1379 = tpu.memref_slice %arg19[%arg1, %dma_wait3A_1368, %dma_wait3A_1377, %dma_wait3A_1378] : memref<16x4x40x128xf32, #tpu.memory_space<vmem_shared>> -> memref<1x1x20x128xf32, #tpu.memory_space<vmem_shared>>
        %dma_wait3A_1380 = tpu.memref_squeeze %dma_wait3A_1379 : memref<1x1x20x128xf32, #tpu.memory_space<vmem_shared>> -> memref<20x128xf32, #tpu.memory_space<vmem_shared>>
        tpu.wait_dma2 semaphore(%dma_wait3A_1372 : memref<!tpu.dma_semaphore, #tpu.memory_space<semaphore_mem>>) src(%dma_wait3A_1380 : memref<20x128xf32, #tpu.memory_space<vmem_shared>>) dst(%dma_wait3A_1376 : memref<20x128xf32, #tpu.memory_space<hbm>>)
        %dma_start3A_1381 = arith.constant 1 : i32
        %dma_start3A_1382 = arith.constant 1 : i32
        %dma_start3A_1383 = arith.constant 0 : i32
        %dma_start3A_1384 = arith.constant 0 : i32
        %dma_start3A_1385 = tpu.memref_slice %arg19[%arg1, %dma_start3A_1381, %dma_start3A_1383, %dma_start3A_1384] : memref<16x4x40x128xf32, #tpu.memory_space<vmem_shared>> -> memref<1x1x40x128xf32, #tpu.memory_space<vmem_shared>>
        %dma_start3A_1386 = tpu.memref_squeeze %dma_start3A_1385 : memref<1x1x40x128xf32, #tpu.memory_space<vmem_shared>> -> memref<40x128xf32, #tpu.memory_space<vmem_shared>>
        %dma_start3A_1387 = tpu.memref_slice %arg22[%dma_start3A_1382] : memref<4x!tpu.dma_semaphore, #tpu.memory_space<semaphore_mem>> -> memref<1x!tpu.dma_semaphore, #tpu.memory_space<semaphore_mem>>
        %dma_start3A_1388 = tpu.memref_squeeze %dma_start3A_1387 : memref<1x!tpu.dma_semaphore, #tpu.memory_space<semaphore_mem>> -> memref<!tpu.dma_semaphore, #tpu.memory_space<semaphore_mem>>
        %dma_start3A_1389 = arith.constant 0 : i32
        %dma_start3A_1390 = arith.constant 0 : i32
        %dma_start3A_1391 = tpu.memref_slice %arg19[%arg1, %dma_start3A_1381, %dma_start3A_1389, %dma_start3A_1390] : memref<16x4x40x128xf32, #tpu.memory_space<vmem_shared>> -> memref<1x1x40x128xf32, #tpu.memory_space<vmem_shared>>
        %dma_start3A_1392 = tpu.memref_squeeze %dma_start3A_1391 : memref<1x1x40x128xf32, #tpu.memory_space<vmem_shared>> -> memref<40x128xf32, #tpu.memory_space<vmem_shared>>
        tpu.enqueue_dma source(%arg18 : memref<40x128xf32, #tpu.memory_space<vmem>>) target(%dma_start3A_1392 : memref<40x128xf32, #tpu.memory_space<vmem_shared>>) target_semaphore(%dma_start3A_1388 : memref<!tpu.dma_semaphore, #tpu.memory_space<semaphore_mem>>)
      } else {
      }
      %scan3A_1325 = arith.constant 0 : i32
      scf.yield %scan3A_1325 : i32
    }
    %scan3A_377 = arith.constant 32 : i32
    %mul3A_378 = arith.constant 32 : i32
    %mul3A_379 = arith.muli %add3A, %mul3A_378 : i32
    %add3A_380 = arith.constant 32 : i32
    %add3A_381 = arith.addi %mul3A_379, %add3A_380 : i32
    %sub3A_382 = arith.constant 1 : i32
    %sub3A_383 = arith.subi %add3A_381, %sub3A_382 : i32
    %dma_wait3A_384 = arith.constant 0 : i32
    %dma_wait3A_385 = arith.constant 0 : i32
    %dma_wait3A_386 = arith.constant 0 : i32
    %dma_wait3A_387 = tpu.memref_slice %arg23[%dma_wait3A_386] : memref<4x!tpu.dma_semaphore, #tpu.memory_space<semaphore_mem>> -> memref<1x!tpu.dma_semaphore, #tpu.memory_space<semaphore_mem>>
    %dma_wait3A_388 = tpu.memref_squeeze %dma_wait3A_387 : memref<1x!tpu.dma_semaphore, #tpu.memory_space<semaphore_mem>> -> memref<!tpu.dma_semaphore, #tpu.memory_space<semaphore_mem>>
    %dma_wait3A_389 = arith.constant 0 : i32
    %dma_wait3A_390 = arith.constant 0 : i32
    %dma_wait3A_391 = tpu.memref_slice %arg9[%sub3A_383, %dma_wait3A_389, %dma_wait3A_385, %dma_wait3A_390] : memref<1024x20x8x128xf32, #tpu.memory_space<hbm>> -> memref<1x20x1x128xf32, #tpu.memory_space<hbm>>
    %dma_wait3A_392 = tpu.memref_squeeze %dma_wait3A_391 : memref<1x20x1x128xf32, #tpu.memory_space<hbm>> -> memref<20x128xf32, #tpu.memory_space<hbm>>
    %dma_wait3A_393 = arith.constant 0 : i32
    %dma_wait3A_394 = arith.constant 0 : i32
    %dma_wait3A_395 = tpu.memref_slice %arg19[%arg1, %dma_wait3A_384, %dma_wait3A_393, %dma_wait3A_394] : memref<16x4x40x128xf32, #tpu.memory_space<vmem_shared>> -> memref<1x1x20x128xf32, #tpu.memory_space<vmem_shared>>
    %dma_wait3A_396 = tpu.memref_squeeze %dma_wait3A_395 : memref<1x1x20x128xf32, #tpu.memory_space<vmem_shared>> -> memref<20x128xf32, #tpu.memory_space<vmem_shared>>
    tpu.wait_dma2 semaphore(%dma_wait3A_388 : memref<!tpu.dma_semaphore, #tpu.memory_space<semaphore_mem>>) src(%dma_wait3A_396 : memref<20x128xf32, #tpu.memory_space<vmem_shared>>) dst(%dma_wait3A_392 : memref<20x128xf32, #tpu.memory_space<hbm>>)
    %dma_wait3A_397 = arith.constant 0 : i32
    %dma_wait3A_398 = arith.constant 1 : i32
    %dma_wait3A_399 = arith.constant 0 : i32
    %dma_wait3A_400 = tpu.memref_slice %arg23[%dma_wait3A_399] : memref<4x!tpu.dma_semaphore, #tpu.memory_space<semaphore_mem>> -> memref<1x!tpu.dma_semaphore, #tpu.memory_space<semaphore_mem>>
    %dma_wait3A_401 = tpu.memref_squeeze %dma_wait3A_400 : memref<1x!tpu.dma_semaphore, #tpu.memory_space<semaphore_mem>> -> memref<!tpu.dma_semaphore, #tpu.memory_space<semaphore_mem>>
    %dma_wait3A_402 = arith.constant 0 : i32
    %dma_wait3A_403 = arith.constant 0 : i32
    %dma_wait3A_404 = tpu.memref_slice %arg9[%sub3A_383, %dma_wait3A_402, %dma_wait3A_398, %dma_wait3A_403] : memref<1024x20x8x128xf32, #tpu.memory_space<hbm>> -> memref<1x20x1x128xf32, #tpu.memory_space<hbm>>
    %dma_wait3A_405 = tpu.memref_squeeze %dma_wait3A_404 : memref<1x20x1x128xf32, #tpu.memory_space<hbm>> -> memref<20x128xf32, #tpu.memory_space<hbm>>
    %dma_wait3A_406 = arith.constant 20 : i32
    %dma_wait3A_407 = arith.constant 0 : i32
    %dma_wait3A_408 = tpu.memref_slice %arg19[%arg1, %dma_wait3A_397, %dma_wait3A_406, %dma_wait3A_407] : memref<16x4x40x128xf32, #tpu.memory_space<vmem_shared>> -> memref<1x1x20x128xf32, #tpu.memory_space<vmem_shared>>
    %dma_wait3A_409 = tpu.memref_squeeze %dma_wait3A_408 : memref<1x1x20x128xf32, #tpu.memory_space<vmem_shared>> -> memref<20x128xf32, #tpu.memory_space<vmem_shared>>
    tpu.wait_dma2 semaphore(%dma_wait3A_401 : memref<!tpu.dma_semaphore, #tpu.memory_space<semaphore_mem>>) src(%dma_wait3A_409 : memref<20x128xf32, #tpu.memory_space<vmem_shared>>) dst(%dma_wait3A_405 : memref<20x128xf32, #tpu.memory_space<hbm>>)
    %dma_wait3A_410 = arith.constant 1 : i32
    %dma_wait3A_411 = arith.constant 2 : i32
    %dma_wait3A_412 = arith.constant 1 : i32
    %dma_wait3A_413 = tpu.memref_slice %arg23[%dma_wait3A_412] : memref<4x!tpu.dma_semaphore, #tpu.memory_space<semaphore_mem>> -> memref<1x!tpu.dma_semaphore, #tpu.memory_space<semaphore_mem>>
    %dma_wait3A_414 = tpu.memref_squeeze %dma_wait3A_413 : memref<1x!tpu.dma_semaphore, #tpu.memory_space<semaphore_mem>> -> memref<!tpu.dma_semaphore, #tpu.memory_space<semaphore_mem>>
    %dma_wait3A_415 = arith.constant 0 : i32
    %dma_wait3A_416 = arith.constant 0 : i32
    %dma_wait3A_417 = tpu.memref_slice %arg9[%sub3A_383, %dma_wait3A_415, %dma_wait3A_411, %dma_wait3A_416] : memref<1024x20x8x128xf32, #tpu.memory_space<hbm>> -> memref<1x20x1x128xf32, #tpu.memory_space<hbm>>
    %dma_wait3A_418 = tpu.memref_squeeze %dma_wait3A_417 : memref<1x20x1x128xf32, #tpu.memory_space<hbm>> -> memref<20x128xf32, #tpu.memory_space<hbm>>
    %dma_wait3A_419 = arith.constant 0 : i32
    %dma_wait3A_420 = arith.constant 0 : i32
    %dma_wait3A_421 = tpu.memref_slice %arg19[%arg1, %dma_wait3A_410, %dma_wait3A_419, %dma_wait3A_420] : memref<16x4x40x128xf32, #tpu.memory_space<vmem_shared>> -> memref<1x1x20x128xf32, #tpu.memory_space<vmem_shared>>
    %dma_wait3A_422 = tpu.memref_squeeze %dma_wait3A_421 : memref<1x1x20x128xf32, #tpu.memory_space<vmem_shared>> -> memref<20x128xf32, #tpu.memory_space<vmem_shared>>
    tpu.wait_dma2 semaphore(%dma_wait3A_414 : memref<!tpu.dma_semaphore, #tpu.memory_space<semaphore_mem>>) src(%dma_wait3A_422 : memref<20x128xf32, #tpu.memory_space<vmem_shared>>) dst(%dma_wait3A_418 : memref<20x128xf32, #tpu.memory_space<hbm>>)
    %dma_wait3A_423 = arith.constant 1 : i32
    %dma_wait3A_424 = arith.constant 3 : i32
    %dma_wait3A_425 = arith.constant 1 : i32
    %dma_wait3A_426 = tpu.memref_slice %arg23[%dma_wait3A_425] : memref<4x!tpu.dma_semaphore, #tpu.memory_space<semaphore_mem>> -> memref<1x!tpu.dma_semaphore, #tpu.memory_space<semaphore_mem>>
    %dma_wait3A_427 = tpu.memref_squeeze %dma_wait3A_426 : memref<1x!tpu.dma_semaphore, #tpu.memory_space<semaphore_mem>> -> memref<!tpu.dma_semaphore, #tpu.memory_space<semaphore_mem>>
    %dma_wait3A_428 = arith.constant 0 : i32
    %dma_wait3A_429 = arith.constant 0 : i32
    %dma_wait3A_430 = tpu.memref_slice %arg9[%sub3A_383, %dma_wait3A_428, %dma_wait3A_424, %dma_wait3A_429] : memref<1024x20x8x128xf32, #tpu.memory_space<hbm>> -> memref<1x20x1x128xf32, #tpu.memory_space<hbm>>
    %dma_wait3A_431 = tpu.memref_squeeze %dma_wait3A_430 : memref<1x20x1x128xf32, #tpu.memory_space<hbm>> -> memref<20x128xf32, #tpu.memory_space<hbm>>
    %dma_wait3A_432 = arith.constant 20 : i32
    %dma_wait3A_433 = arith.constant 0 : i32
    %dma_wait3A_434 = tpu.memref_slice %arg19[%arg1, %dma_wait3A_423, %dma_wait3A_432, %dma_wait3A_433] : memref<16x4x40x128xf32, #tpu.memory_space<vmem_shared>> -> memref<1x1x20x128xf32, #tpu.memory_space<vmem_shared>>
    %dma_wait3A_435 = tpu.memref_squeeze %dma_wait3A_434 : memref<1x1x20x128xf32, #tpu.memory_space<vmem_shared>> -> memref<20x128xf32, #tpu.memory_space<vmem_shared>>
    tpu.wait_dma2 semaphore(%dma_wait3A_427 : memref<!tpu.dma_semaphore, #tpu.memory_space<semaphore_mem>>) src(%dma_wait3A_435 : memref<20x128xf32, #tpu.memory_space<vmem_shared>>) dst(%dma_wait3A_431 : memref<20x128xf32, #tpu.memory_space<hbm>>)
    %dma_wait3A_436 = arith.constant 2 : i32
    %dma_wait3A_437 = arith.constant 4 : i32
    %dma_wait3A_438 = arith.constant 2 : i32
    %dma_wait3A_439 = tpu.memref_slice %arg23[%dma_wait3A_438] : memref<4x!tpu.dma_semaphore, #tpu.memory_space<semaphore_mem>> -> memref<1x!tpu.dma_semaphore, #tpu.memory_space<semaphore_mem>>
    %dma_wait3A_440 = tpu.memref_squeeze %dma_wait3A_439 : memref<1x!tpu.dma_semaphore, #tpu.memory_space<semaphore_mem>> -> memref<!tpu.dma_semaphore, #tpu.memory_space<semaphore_mem>>
    %dma_wait3A_441 = arith.constant 0 : i32
    %dma_wait3A_442 = arith.constant 0 : i32
    %dma_wait3A_443 = tpu.memref_slice %arg9[%sub3A_383, %dma_wait3A_441, %dma_wait3A_437, %dma_wait3A_442] : memref<1024x20x8x128xf32, #tpu.memory_space<hbm>> -> memref<1x20x1x128xf32, #tpu.memory_space<hbm>>
    %dma_wait3A_444 = tpu.memref_squeeze %dma_wait3A_443 : memref<1x20x1x128xf32, #tpu.memory_space<hbm>> -> memref<20x128xf32, #tpu.memory_space<hbm>>
    %dma_wait3A_445 = arith.constant 0 : i32
    %dma_wait3A_446 = arith.constant 0 : i32
    %dma_wait3A_447 = tpu.memref_slice %arg19[%arg1, %dma_wait3A_436, %dma_wait3A_445, %dma_wait3A_446] : memref<16x4x40x128xf32, #tpu.memory_space<vmem_shared>> -> memref<1x1x20x128xf32, #tpu.memory_space<vmem_shared>>
    %dma_wait3A_448 = tpu.memref_squeeze %dma_wait3A_447 : memref<1x1x20x128xf32, #tpu.memory_space<vmem_shared>> -> memref<20x128xf32, #tpu.memory_space<vmem_shared>>
    tpu.wait_dma2 semaphore(%dma_wait3A_440 : memref<!tpu.dma_semaphore, #tpu.memory_space<semaphore_mem>>) src(%dma_wait3A_448 : memref<20x128xf32, #tpu.memory_space<vmem_shared>>) dst(%dma_wait3A_444 : memref<20x128xf32, #tpu.memory_space<hbm>>)
    %dma_wait3A_449 = arith.constant 2 : i32
    %dma_wait3A_450 = arith.constant 5 : i32
    %dma_wait3A_451 = arith.constant 2 : i32
    %dma_wait3A_452 = tpu.memref_slice %arg23[%dma_wait3A_451] : memref<4x!tpu.dma_semaphore, #tpu.memory_space<semaphore_mem>> -> memref<1x!tpu.dma_semaphore, #tpu.memory_space<semaphore_mem>>
    %dma_wait3A_453 = tpu.memref_squeeze %dma_wait3A_452 : memref<1x!tpu.dma_semaphore, #tpu.memory_space<semaphore_mem>> -> memref<!tpu.dma_semaphore, #tpu.memory_space<semaphore_mem>>
    %dma_wait3A_454 = arith.constant 0 : i32
    %dma_wait3A_455 = arith.constant 0 : i32
    %dma_wait3A_456 = tpu.memref_slice %arg9[%sub3A_383, %dma_wait3A_454, %dma_wait3A_450, %dma_wait3A_455] : memref<1024x20x8x128xf32, #tpu.memory_space<hbm>> -> memref<1x20x1x128xf32, #tpu.memory_space<hbm>>
    %dma_wait3A_457 = tpu.memref_squeeze %dma_wait3A_456 : memref<1x20x1x128xf32, #tpu.memory_space<hbm>> -> memref<20x128xf32, #tpu.memory_space<hbm>>
    %dma_wait3A_458 = arith.constant 20 : i32
    %dma_wait3A_459 = arith.constant 0 : i32
    %dma_wait3A_460 = tpu.memref_slice %arg19[%arg1, %dma_wait3A_449, %dma_wait3A_458, %dma_wait3A_459] : memref<16x4x40x128xf32, #tpu.memory_space<vmem_shared>> -> memref<1x1x20x128xf32, #tpu.memory_space<vmem_shared>>
    %dma_wait3A_461 = tpu.memref_squeeze %dma_wait3A_460 : memref<1x1x20x128xf32, #tpu.memory_space<vmem_shared>> -> memref<20x128xf32, #tpu.memory_space<vmem_shared>>
    tpu.wait_dma2 semaphore(%dma_wait3A_453 : memref<!tpu.dma_semaphore, #tpu.memory_space<semaphore_mem>>) src(%dma_wait3A_461 : memref<20x128xf32, #tpu.memory_space<vmem_shared>>) dst(%dma_wait3A_457 : memref<20x128xf32, #tpu.memory_space<hbm>>)
    %dma_wait3A_462 = arith.constant 3 : i32
    %dma_wait3A_463 = arith.constant 6 : i32
    %dma_wait3A_464 = arith.constant 3 : i32
    %dma_wait3A_465 = tpu.memref_slice %arg23[%dma_wait3A_464] : memref<4x!tpu.dma_semaphore, #tpu.memory_space<semaphore_mem>> -> memref<1x!tpu.dma_semaphore, #tpu.memory_space<semaphore_mem>>
    %dma_wait3A_466 = tpu.memref_squeeze %dma_wait3A_465 : memref<1x!tpu.dma_semaphore, #tpu.memory_space<semaphore_mem>> -> memref<!tpu.dma_semaphore, #tpu.memory_space<semaphore_mem>>
    %dma_wait3A_467 = arith.constant 0 : i32
    %dma_wait3A_468 = arith.constant 0 : i32
    %dma_wait3A_469 = tpu.memref_slice %arg9[%sub3A_383, %dma_wait3A_467, %dma_wait3A_463, %dma_wait3A_468] : memref<1024x20x8x128xf32, #tpu.memory_space<hbm>> -> memref<1x20x1x128xf32, #tpu.memory_space<hbm>>
    %dma_wait3A_470 = tpu.memref_squeeze %dma_wait3A_469 : memref<1x20x1x128xf32, #tpu.memory_space<hbm>> -> memref<20x128xf32, #tpu.memory_space<hbm>>
    %dma_wait3A_471 = arith.constant 0 : i32
    %dma_wait3A_472 = arith.constant 0 : i32
    %dma_wait3A_473 = tpu.memref_slice %arg19[%arg1, %dma_wait3A_462, %dma_wait3A_471, %dma_wait3A_472] : memref<16x4x40x128xf32, #tpu.memory_space<vmem_shared>> -> memref<1x1x20x128xf32, #tpu.memory_space<vmem_shared>>
    %dma_wait3A_474 = tpu.memref_squeeze %dma_wait3A_473 : memref<1x1x20x128xf32, #tpu.memory_space<vmem_shared>> -> memref<20x128xf32, #tpu.memory_space<vmem_shared>>
    tpu.wait_dma2 semaphore(%dma_wait3A_466 : memref<!tpu.dma_semaphore, #tpu.memory_space<semaphore_mem>>) src(%dma_wait3A_474 : memref<20x128xf32, #tpu.memory_space<vmem_shared>>) dst(%dma_wait3A_470 : memref<20x128xf32, #tpu.memory_space<hbm>>)
    %dma_wait3A_475 = arith.constant 3 : i32
    %dma_wait3A_476 = arith.constant 7 : i32
    %dma_wait3A_477 = arith.constant 3 : i32
    %dma_wait3A_478 = tpu.memref_slice %arg23[%dma_wait3A_477] : memref<4x!tpu.dma_semaphore, #tpu.memory_space<semaphore_mem>> -> memref<1x!tpu.dma_semaphore, #tpu.memory_space<semaphore_mem>>
    %dma_wait3A_479 = tpu.memref_squeeze %dma_wait3A_478 : memref<1x!tpu.dma_semaphore, #tpu.memory_space<semaphore_mem>> -> memref<!tpu.dma_semaphore, #tpu.memory_space<semaphore_mem>>
    %dma_wait3A_480 = arith.constant 0 : i32
    %dma_wait3A_481 = arith.constant 0 : i32
    %dma_wait3A_482 = tpu.memref_slice %arg9[%sub3A_383, %dma_wait3A_480, %dma_wait3A_476, %dma_wait3A_481] : memref<1024x20x8x128xf32, #tpu.memory_space<hbm>> -> memref<1x20x1x128xf32, #tpu.memory_space<hbm>>
    %dma_wait3A_483 = tpu.memref_squeeze %dma_wait3A_482 : memref<1x20x1x128xf32, #tpu.memory_space<hbm>> -> memref<20x128xf32, #tpu.memory_space<hbm>>
    %dma_wait3A_484 = arith.constant 20 : i32
    %dma_wait3A_485 = arith.constant 0 : i32
    %dma_wait3A_486 = tpu.memref_slice %arg19[%arg1, %dma_wait3A_475, %dma_wait3A_484, %dma_wait3A_485] : memref<16x4x40x128xf32, #tpu.memory_space<vmem_shared>> -> memref<1x1x20x128xf32, #tpu.memory_space<vmem_shared>>
    %dma_wait3A_487 = tpu.memref_squeeze %dma_wait3A_486 : memref<1x1x20x128xf32, #tpu.memory_space<vmem_shared>> -> memref<20x128xf32, #tpu.memory_space<vmem_shared>>
    tpu.wait_dma2 semaphore(%dma_wait3A_479 : memref<!tpu.dma_semaphore, #tpu.memory_space<semaphore_mem>>) src(%dma_wait3A_487 : memref<20x128xf32, #tpu.memory_space<vmem_shared>>) dst(%dma_wait3A_483 : memref<20x128xf32, #tpu.memory_space<hbm>>)
    return
  }
}

module attributes {stable_mosaic.version = 14 : i64} {
  func.func @_tc_matmul_body(%arg0: i32, %arg1: memref<512x2560xf32, #tpu.memory_space<vmem>>, %arg2: memref<256x3328xf32, #tpu.memory_space<vmem>>, %arg3: memref<256x1xf32, #tpu.memory_space<vmem>>, %arg4: memref<1x256xf32, #tpu.memory_space<vmem>>, %arg5: memref<512x256xf32, #tpu.memory_space<vmem>>) attributes {dimension_semantics = [#tpu.dimension_semantics<arbitrary>], iteration_bounds = array<i64: 16>, scalar_prefetch = 0 : i64, scratch_operands = 0 : i64, tpu.core_type = #tpu.core_type<tc>, window_params = [{transform_indices = @transform_0, window_bounds = array<i64: 512, 2560>}, {pipeline_mode = #tpu.pipeline_mode<synchronous>, transform_indices = @transform_1, window_bounds = array<i64: 256, 3328>}, {pipeline_mode = #tpu.pipeline_mode<synchronous>, transform_indices = @transform_2, window_bounds = array<i64: 256, 1>}, {pipeline_mode = #tpu.pipeline_mode<synchronous>, transform_indices = @transform_3, window_bounds = array<i64: 1, 256>}, {transform_indices = @transform_4, window_bounds = array<i64: 512, 256>}]} {
    %get3A = arith.constant 0 : index
    %get3A_0 = arith.constant 0 : index
    %get3A_1 = vector.load %arg2[%get3A, %get3A_0] : memref<256x3328xf32, #tpu.memory_space<vmem>>, vector<256x3328xf32>
    %mul3A = arith.mulf %get3A_1, %get3A_1 : vector<256x3328xf32>
    %reduce_sum3A = arith.constant dense<0.000000e+00> : vector<256xf32>
    %reduce_sum3A_2 = vector.multi_reduction <add>, %mul3A, %reduce_sum3A [1] : vector<256x3328xf32> to vector<256xf32>
    %broadcast_in_dim3A = vector.shape_cast %reduce_sum3A_2 : vector<256xf32> to vector<256x1xf32>
    %get3A_3 = arith.constant 0 : index
    %get3A_4 = arith.constant 0 : index
    %get3A_5 = vector.load %arg3[%get3A_3, %get3A_4] : memref<256x1xf32, #tpu.memory_space<vmem>>, vector<256x1xf32>
    %rsqrt3A = math.rsqrt %broadcast_in_dim3A : vector<256x1xf32>
    %mul3A_6 = arith.mulf %get3A_5, %rsqrt3A : vector<256x1xf32>
    %slice3A = vector.extract_strided_slice %get3A_1 {offsets = [0, 0], sizes = [256, 2560], strides = [1, 1]} : vector<256x3328xf32> to vector<256x2560xf32>
    %mul3A_7 = vector.broadcast %mul3A_6 : vector<256x1xf32> to vector<256x2560xf32>
    %mul3A_8 = arith.mulf %slice3A, %mul3A_7 : vector<256x2560xf32>
    %get3A_9 = arith.constant 0 : index
    %get3A_10 = arith.constant 0 : index
    %get3A_11 = vector.load %arg1[%get3A_9, %get3A_10] : memref<512x2560xf32, #tpu.memory_space<vmem>>, vector<512x2560xf32>
    %convert_element_type3A = arith.truncf %get3A_11 : vector<512x2560xf32> to vector<512x2560xbf16>
    %convert_element_type3A_12 = arith.truncf %mul3A_8 : vector<256x2560xf32> to vector<256x2560xbf16>
    %dot_general3A = arith.constant dense<0.000000e+00> : vector<512x256xf32>
    %dot_general3A_13 = tpu.matmul %convert_element_type3A, %convert_element_type3A_12, %dot_general3A {dimension_numbers = #tpu.dot_dimension_numbers<[1], [1], [0], [0], [0, 0, 1, 0], [], []>, transpose_lhs_hint = false} : vector<512x2560xbf16>, vector<256x2560xbf16>, vector<512x256xf32> -> vector<512x256xf32>
    %get3A_14 = arith.constant 0 : index
    %get3A_15 = arith.constant 0 : index
    %get3A_16 = vector.load %arg4[%get3A_14, %get3A_15] : memref<1x256xf32, #tpu.memory_space<vmem>>, vector<1x256xf32>
    %add3A = vector.broadcast %get3A_16 : vector<1x256xf32> to vector<512x256xf32>
    %add3A_17 = arith.addf %dot_general3A_13, %add3A : vector<512x256xf32>
    %max3A = arith.constant 0.000000e+00 : f32
    %max3A_18 = vector.broadcast %max3A : f32 to vector<512x256xf32>
    %max3A_19 = arith.maximumf %add3A_17, %max3A_18 : vector<512x256xf32>
    %swap3A = arith.constant 0 : index
    %swap3A_20 = arith.constant 0 : index
    %swap3A_21 = vector.load %arg5[%swap3A, %swap3A_20] : memref<512x256xf32, #tpu.memory_space<vmem>>, vector<512x256xf32>
    tpu.vector_store %arg5[%swap3A, %swap3A_20], %max3A_19 {strides = array<i32>} : memref<512x256xf32, #tpu.memory_space<vmem>>, vector<512x256xf32>,
    return
  }
  func.func @transform_0(%arg0: i32) -> (i32, i32) {
    %c0_i32 = arith.constant 0 : i32
    %c0_i32_0 = arith.constant 0 : i32
    return %arg0, %c0_i32 : i32, i32
  }
  func.func @transform_1(%arg0: i32) -> (i32, i32) {
    %c0_i32 = arith.constant 0 : i32
    %c0_i32_0 = arith.constant 0 : i32
    %c0_i32_1 = arith.constant 0 : i32
    return %c0_i32, %c0_i32_0 : i32, i32
  }
  func.func @transform_2(%arg0: i32) -> (i32, i32) {
    %c0_i32 = arith.constant 0 : i32
    %c0_i32_0 = arith.constant 0 : i32
    %c0_i32_1 = arith.constant 0 : i32
    return %c0_i32, %c0_i32_0 : i32, i32
  }
  func.func @transform_3(%arg0: i32) -> (i32, i32) {
    %c0_i32 = arith.constant 0 : i32
    %c0_i32_0 = arith.constant 0 : i32
    %c0_i32_1 = arith.constant 0 : i32
    return %c0_i32, %c0_i32_0 : i32, i32
  }
  func.func @transform_4(%arg0: i32) -> (i32, i32) {
    %c0_i32 = arith.constant 0 : i32
    %c0_i32_0 = arith.constant 0 : i32
    return %arg0, %c0_i32 : i32, i32
  }
}

</mosaic_0001>

<sc_bundles>
// kernel: kernel.4.cloned.1.call-start
scs
__scs_entry_jumppad:
0x0: {  	(pc) =	sbr.rel $0x88, $3  }
0x1: {  	(tag) =	ssettag $0x0;
	lr =	simm.s32 $0x1  }
0x2: {  	[smem:$0x3F99] =	sst lr;
	_ =	strace $0xD0000000  }
0x3: {  	_ = 	snop  }
0x4: {  	_ = 	snop  }
0x5: {  	_ = 	snop  }
0x6: {  	_ = 	snop  }
0x7: {  	_ = 	snop  }
__scs_overlays_trampoline_lowered:
0x8: {  	[smem:$0x3FA8] =	sst s0  }
0x9: {  	[smem:$0x3FA9] =	sst s1  }
0xa: {  	[smem:$0x3FAA] =	sst s2  }
0xb: {  	[smem:$0x3FAB] =	sst s3  }
0xc: {  	[smem:$0x3FAC] =	sst s4  }
0xd: {  	[smem:$0x3FAD] =	sst s5  }
0xe: {  	[smem:$0x3FAE] =	sst s6  }
0xf: {  	[smem:$0x3FAF] =	sst s7  }
0x10: {  	[smem:$0x3FB0] =	sst s8  }
0x11: {  	[smem:$0x3FB1] =	sst s9;
	s0 =	simm.s32 @!p0 $0x0  }
0x12: {  	s1 =	sld [smem:$0x3F97];
	s0 =	simm.s32 @p0 $0x1  }
0x13: {  	[smem:$0x3FB2] =	sst s0;
	s0 =	simm.s32 @!p1 $0x0  }
0x14: {  	s2 =	sld [smem:$0x3F96];
	s0 =	simm.s32 @p1 $0x1  }
0x15: {  	[smem:$0x3FB3] =	sst s0;
	s0 =	simm.s32 @!p2 $0x0  }
0x16: {  	s3 =	sld [smem:$0x3FDB];
	s0 =	simm.s32 @p2 $0x1  }
0x17: {  	s4 =	simm.s32 $0x1BF5;
	[smem:$0x3FB5] =	sst s0  }
0x18: {  	s0 =	sld [smem:$0x3F98];
	_ =	swait.ge [sflag:s4], $0x0  }
0x19: {  	s7 =	sld [smem:$0x3F99]  }
0x1a: {  	s8 =	sadd.s32 $0xFFFFE003, lr  }
0x1b: {  	s9 =	sadd.s32 $0xFFFFFEF7, lr;
	s5 =	simm.s32 $0xFFFFFFFF;
	p2 =	slt.u32 s8, $0xFFFFF086  }
0x1c: {  	p1 =	slt.u32 s9, $0xF7A;
	s5 =	simm.s32 @!p2 $0x0  }
0x1d: {  	s5 =	simm.s32 @p1 $0x1;
	p0 =	seq.s32 s7, s2  }
0x1e: {  	s7 =	smul.u32 @!p0 $0xF7A, s2;
	p2 =	seq.s32 @!p0 s5, $0x0  }
0x1f: {  	s9 =	smul.u32 $0xF7A, s1;
	s8 =	simm.s32 @!p0 $0x1BF5;
	p2 =	por !p2, p0  }
0x20: {  	[sflag:s8] =	ssyncset.s32 @!p0 $0xFFFFF086;
	s6 =	sadd.s32 @!p0 s3, s7;
	s7 =	simm.s32 @!p0 $0x108  }
0x21: {  	s3 =	sadd.s32 s3, s9;
	s6 =	sadd.s32 @!p0 $0x88, s6;
	s7 =	simm.s32 @p2 $0x1082  }
0x22: {  	[simem:s7], [sflag:s8] =	dma.local @!p0 [hbm:s6], $0xF7A  }
0x23: {  	s9 =	sor.u32 $0xD0000000, s2;
	s6 =	simm.s32 $0x108;
	_ =	swait.ge @!p0 [sflag:s8], $0x0  }
0x24: {  	s3 =	sadd.s32 $0x88, s3;
	s6 =	simm.s32 @!p1 $0x1082;
	[sflag:s4] =	ssyncset.s32 $0xFFFFF086  }
0x25: {  	[simem:s6], [sflag:s4] =	dma.local [hbm:s3], $0xF7A  }
0x26: {  	[smem:$0x3F99] =	sst s1;
	(tag) =	ssettag s2;
	_ =	strace s9  }
0x27: {  	s1 =	sld [smem:$0x3FA9]  }
0x28: {  	s2 =	sld [smem:$0x3FAA]  }
0x29: {  	s4 =	sld [smem:$0x3FAC]  }
0x2a: {  	p0 =	seq.s32 s5, $0x0;
	s5 =	sld [smem:$0x3FAD]  }
0x2b: {  	s6 =	sld [smem:$0x3FAE]  }
0x2c: {  	s7 =	sld [smem:$0x3FAF]  }
0x2d: {  	s3 =	simm.s32 $0x108;
	s8 =	sld [smem:$0x3FB0]  }
0x2e: {  	s3 =	simm.s32 @!p0 $0x1082;
	s9 =	sld [smem:$0x3FB1]  }
0x2f: {  	lr =	sadd.s32 s0, s3;
	s0 =	sld [smem:$0x3FA8]  }
0x30: {  	s3 =	sld [smem:$0x3FAB]  }
0x31: {  	[smem:$0x3FB4] =	sst s10  }
0x32: {  	s10 =	sld [smem:$0x3FB2];
	_ =	sdelay $0x3  }
0x33: {  	p0 =	seq.s32 s10, $0x1;
	s10 =	sld [smem:$0x3FB4];
	_ =	sdelay $0x3  }
0x34: {  	[smem:$0x3FB4] =	sst s10  }
0x35: {  	s10 =	sld [smem:$0x3FB3];
	_ =	sdelay $0x3  }
0x36: {  	p1 =	seq.s32 s10, $0x1;
	s10 =	sld [smem:$0x3FB4];
	_ =	sdelay $0x3  }
0x37: {  	[smem:$0x3FB4] =	sst s10  }
0x38: {  	s10 =	sld [smem:$0x3FB5]  }
0x39: {  	_ = 	snop;
	(pc) =	sbr.ind lr, $3  }
0x3a: {  	_ = 	snop  }
0x3b: {  	_ = 	snop  }
0x3c: {  	p2 =	seq.s32 s10, $0x1;
	s10 =	sld [smem:$0x3FB4]  }
0x3d: {  	_ =	shalt  }
0x3e: {  	_ =	shalt  }
0x3f: {  	_ =	shalt  }
0x40: {  	_ =	shalt  }
0x41: {  	_ =	shalt  }
0x42: {  	_ =	shalt  }
0x43: {  	_ =	shalt  }
0x44: {  	_ =	shalt  }
0x45: {  	_ =	shalt  }
0x46: {  	_ =	shalt  }
0x47: {  	_ =	shalt  }
0x48: {  	_ =	shalt  }
0x49: {  	_ =	shalt  }
0x4a: {  	_ =	shalt  }
0x4b: {  	_ =	shalt  }
0x4c: {  	_ =	shalt  }
0x4d: {  	_ =	shalt  }
0x4e: {  	_ =	shalt  }
0x4f: {  	_ =	shalt  }
0x50: {  	_ =	shalt  }
0x51: {  	_ =	shalt  }
0x52: {  	_ =	shalt  }
0x53: {  	_ =	shalt  }
0x54: {  	_ =	shalt  }
0x55: {  	_ =	shalt  }
0x56: {  	_ =	shalt  }
0x57: {  	_ =	shalt  }
0x58: {  	_ =	shalt  }
0x59: {  	_ =	shalt  }
0x5a: {  	_ =	shalt  }
0x5b: {  	_ =	shalt  }
0x5c: {  	_ =	shalt  }
0x5d: {  	_ =	shalt  }
0x5e: {  	_ =	shalt  }
0x5f: {  	_ =	shalt  }
0x60: {  	_ =	shalt  }
0x61: {  	_ =	shalt  }
0x62: {  	_ =	shalt  }
0x63: {  	_ =	shalt  }
0x64: {  	_ =	shalt  }
0x65: {  	_ =	shalt  }
0x66: {  	_ =	shalt  }
0x67: {  	_ =	shalt  }
0x68: {  	_ =	shalt  }
0x69: {  	_ =	shalt  }
0x6a: {  	_ =	shalt  }
0x6b: {  	_ =	shalt  }
0x6c: {  	_ =	shalt  }
0x6d: {  	_ =	shalt  }
0x6e: {  	_ =	shalt  }
0x6f: {  	_ =	shalt  }
0x70: {  	_ =	shalt  }
0x71: {  	_ =	shalt  }
0x72: {  	_ =	shalt  }
0x73: {  	_ =	shalt  }
0x74: {  	_ =	shalt  }
0x75: {  	_ =	shalt  }
0x76: {  	_ =	shalt  }
0x77: {  	_ =	shalt  }
0x78: {  	_ =	shalt  }
0x79: {  	_ =	shalt  }
0x7a: {  	_ =	shalt  }
0x7b: {  	_ =	shalt  }
0x7c: {  	_ =	shalt  }
0x7d: {  	_ =	shalt  }
0x7e: {  	_ =	shalt  }
0x7f: {  	_ =	shalt  }
0x80: {  	_ =	shalt  }
0x81: {  	_ =	shalt  }
0x82: {  	_ =	shalt  }
0x83: {  	_ =	shalt  }
0x84: {  	_ =	shalt  }
0x85: {  	_ =	shalt  }
0x86: {  	_ =	shalt  }
0x87: {  	_ =	shalt  }
.Lfunc_end0:
.L_simem_size_0:
called_computation_lowered:
.L_overlay_start_0:
0x88: {  	s2 =	sld [smem:$0x3FD9]  }
0x89: {  	s3 =	sld [smem:$0x3FFE];
	_ =	sdelay $0x1  }
0x8a: {  	s1 =	srdreg.scid  }
0x8b: {  	s0 =	sand.u32 $0x1, s1  }
0x8c: {  	s14 =	sshll.u32 s0, $0xA;
	s2 =	sadd.s32 s3, s2  }
0x8d: {  	s2 =	sadd.s32 s2, s14  }
0x8e: {  	[smem:$0x3FC0] =	sst s2  }
0x8f: {  	_ = 	snop  }
0x90: {  	s2 =	sld [smem:$0x3FD0];
	_ =	sdelay $0x2  }
0x91: {  	s15 =	simm.s32 $0xA;
	s4 =	simm.s32 $0x10  }
0x92: {  	[smem:s4], [sflag:s15] =	dma.local [hbm:s2], $0x1  }
0x93: {  	_ =	swait.eq [sflag:s15], $0x1  }
0x94: {  	[sflag:s15] =	ssyncset.done $0x0  }
0x95: {  	s16 =	sld [smem:$0x10];
	[sflag:s15] =	ssyncadd.s32 $0xFFFFFFFF  }
0x96: {  	s17 =	sld [smem:$0x11];
	(tm) =	ssettm $0x1  }
0x97: {  	s18 =	sld [smem:$0x3FFB];
	_ =	sdelay $0x3  }
0x98: {  	_ =	strace s18  }
0x99: {  	s4 =	sld [smem:$0x3FFC];
	_ =	sdelay $0x3  }
0x9a: {  	_ =	strace s4  }
0x9b: {  	s4 =	sld [smem:$0x3FFD];
	_ =	sdelay $0x3  }
0x9c: {  	_ =	strace s4  }
0x9d: {  	_ =	strace $0x8FFFFFFF  }
0x9e: {  	s19 =	sld [smem:$0x3FDB];
	_ =	sdelay $0x1  }
0x9f: {  	s5 =	simm.s32 $_scs_section_size  }
0xa0: {  	s6 =	simm.s32 $_size__tile_overlayer_lowered;
	s7 =	simm.s32 $_tile_overlayer_lowered  }
0xa1: {  	s22 =	simm.s32 $0x1BFF;
	s21 =	sshll.u32 s7, $0x1;
	s4 =	sadd.s32 s5, s19  }
0xa2: {  	s8 =	simm.s32 $0x0;
	s20 =	sshll.u32 s6, $0x1;
	s6 =	sadd.s32 s21, s4  }
0xa3: {  	[timem:s8], [sflag:s22] =	dma.local [hbm:s6], s20  }
0xa4: {  	_ =	swait.ge [sflag:s22], s20  }
0xa5: {  	s5 =	ssub.s32 $0x0, s20;
	[sflag:s22] =	ssyncset.done $0x0  }
0xa6: {  	[sflag:s22] =	ssyncadd.s32 s5;
	_ =	sdelay $0x1  }
0xa7: {  	s23 =	simm.s32 $0x1B8B  }
0xa8: {  	_ =	swait.ge [sflag:s23], $0x1  }
0xa9: {  	[sflag:s23] =	ssyncset.done $0x0  }
0xaa: {  	s25 =	simm.s32 $0x1B8E;
	s24 =	sld [smem:$0x3FFE];
	[sflag:s23] =	ssyncadd.s32 $0xFFFFFFFF  }
0xab: {  	s26 =	simm.s32 $execute0_lowered;
	[smem:$0x3FD2] =	sst s25  }
0xac: {  	s6 =	sshll.u32 s26, $0x1;
	_ =	strace $0x80000046;
	[dreg:$0x1] =	wrdreg $0xFFFFFFFF  }
0xad: {  	s28 =	simm.s32 $_size_execute0_lowered;
	s4 =	sadd.s32 s4, s6;
	[dreg:$0x0] =	wrdreg $0x0  }
0xae: {  	s6 =	sshll.u32 s28, $0x1;
	[dreg:$0x2] =	wrdreg s4  }
0xaf: {  	[dreg:$0x3] =	wrdreg s6  }
0xb0: {  	[dreg:$0x4] =	wrdreg $0xC0  }
0xb1: {  	_ =	task [dreg:s8], $0x5FFFF  }
0xb2: {  	[dreg:$0x1] =	wrdreg $0xFFFFFFFF  }
0xb3: {  	[dreg:$0x0] =	wrdreg $0x60  }
0xb4: {  	[dreg:$0x2] =	wrdreg s24  }
0xb5: {  	[dreg:$0x3] =	wrdreg s16  }
0xb6: {  	[dreg:$0x4] =	wrdreg s17  }
0xb7: {  	[dreg:$0x5] =	wrdreg $0x135000  }
0xb8: {  	[dreg:$0x6] =	wrdreg $0x9  }
0xb9: {  	_ =	task.clear_ibuf [dreg:s8], $0x7FFFF;
	_ =	strace $0x90000046  }
0xba: {  	s29 =	simm.s32 $0x9;
	_ =	strace $0x80000048  }
0xbb: {  	_ =	swait.ge [sflag:s29], $0x1  }
0xbc: {  	[sflag:s29] =	ssyncadd.s32 $0xFFFFFFFF  }
0xbd: {  	_ =	strace $0x90000048  }
0xbe: {  	_ =	sfence  }
0xbf: {  	s30 =	sld [smem:$0x0];
	_ =	sdelay $0x2  }
0xc0: {  	s31 =	sshll.u32 s1, $0xD;
	s1 =	sshrl.u32 s1, $0x2  }
0xc1: {  	s3 =	sand.u32 $0x4000, s31;
	s1 =	sadd.s32 s1, s30  }
0xc2: {  	s0 =	sor.u32 s3, s0;
	s1 =	sshll.u32 s1, $0x11  }
0xc3: {  	s0 =	sor.u32 s1, s0  }
0xc4: {  	s0 =	sadd.s32 $0x8F2B, s0  }
0xc5: {  	[sflag:s0] =	ssyncadd.remote.s32 $0x1  }
0xc6: {  	_ =	sfence.sel $0xFFFF  }
0xc7: {  	[dreg:$0x0] =	wrdreg $0xFFFFFFFF;
	(pc) =	sbr.abs _section_cstart, $3  }
0xc8: {  	[dreg:$0x1] =	wrdreg $0xFFFFFFFF  }
0xc9: {  	_ =	task.clear_ibuf [dreg:s8], $0x2FFFF;
	_ =	strace $0x9FFFFFFF  }
0xca: {  	(tm) =	ssettm $0x7FFFFFFF  }
0xcb: {  	_ =	shalt  }
tec
execute0_lowered:
.L_overlay_start_1:
0x0: {  	(tag) =	ssettag $0x1  }
0x1: {  	s0 =	rddreg [dreg:$0x0]  }
0x2: {  	s1 =	rddreg [dreg:$0x1]  }
0x3: {  	s2 =	rddreg [dreg:$0x2]  }
0x4: {  	s4 =	rddreg [dreg:$0x3];
	s3 =	srdreg.scid;
	s6 =	simm.s32 $0x0  }
0x5: {  	s11 =	stileid.u32;
	s28 =	simm.s32 $0xA100;
	s29 =	simm.s32 $0x80  }
0x6: {  	s31 =	simm.s32 $0x8;
	s5 =	sand.u32 $0x1, s3;
	[smem:$0x7FF] =	sst s6  }
0x7: {  	s9 =	sand.u32 $0x7, s11;
	s10 =	sadd.s32 $0x9A600, s0;
	s3 =	sshll.u32 s5, $0x4  }
0x8: {  	_ =	strace $0x80000047;
	s8 =	smul.u32 $0x140000, s5;
	[dreg:$0x5] =	wrdreg s10  }
0x9: {  	p1 =	sne.s32 s9, $0x0;
	s5 =	ssub.s32 $0x2, s5;
	s9 =	simm.s32 $0x1  }
0xa: {  	s24 =	sor.u32 s11, s3;
	s3 =	sadd.s32 $0x1A600, s0;
	s25 =	sshrl.u32 s5, $0x1  }
0xb: {  	s11 =	smul.u32 $0x14000, s11;
	s7 =	sshll.u32 s24, $0xA;
	p0 =	seq.s32 s24, $0x0  }
0xc: {  	s26 =	sshrl.u32 s24, $0x3;
	s30 =	sshll.u32 s24, $0xC;
	s6 =	sshll.u32 s24, $0x5  }
0xd: {  	s7 =	sadd.s32 s7, s0;
	s0 =	sadd.s32 s8, s0;
	p0 =	por !p1, !p0  }
0xe: {  	s8 =	ssub.s32 s5, s25;
	s5 =	simm.s32 $0x1;
	s1 =	sadd.s32 s1, s6  }
0xf: {  	s10 =	sadd.s32 s2, s30;
	s15 =	sshrl.u32 s11, $0x2;
	[dreg:$0x7] =	wrdreg s1  }
0x10: {  	s6 =	simm.s32 $0xB;
	s12 =	sadd.s32 $0x400, s10;
	[dreg:$0x6] =	wrdreg s10  }
0x11: {  	p0 =	por !p0, !p0;
	s13 =	sadd.s32 $0x800, s10;
	[dreg:$0x8] =	wrdreg s12  }
0x12: {  	s14 =	sadd.s32 $0xC00, s10;
	s16 =	sadd.s32 $0x11A600, s7;
	[dreg:$0x9] =	wrdreg s13  }
0x13: {  	s17 =	sadd.s32 $0x12600, s7;
	s18 =	sadd.s32 $0xA600, s7;
	[dreg:$0xa] =	wrdreg s14  }
0x14: {  	s19 =	sadd.s32 $0x2600, s7;
	s0 =	sadd.s32 s11, s0;
	[dreg:$0xb] =	wrdreg s16  }
0x15: {  	s23 =	smax.u32 s8, $0x1;
	s7 =	simm.s32 $0xC100;
	[dreg:$0xc] =	wrdreg s17  }
0x16: {  	s8 =	simm.s32 $0x6;
	s10 =	simm.s32 $0x3;
	[dreg:$0xd] =	wrdreg s18  }
0x17: {  	s11 =	simm.s32 $0xE100;
	s9 =	simm.s32 @!p0 $0x0;
	[dreg:$0xe] =	wrdreg s19  }
0x18: {  	v0 =	vimm.f32 $4.000000000e+00;
	s13 =	sadd.s32 s15, s4;
	[dreg:$0xf] =	wrdreg s23;
	s0 =	sadd.s32 $0x122670, s0  }
0x19: {  	(erf) = vrcp.f32 v0;
	s12 =	simm.s32 $0x7;
	s14 =	simm.s32 $0x4;
	s15 =	simm.s32 $0x10100  }
0x1a: {  	s19 =	simm.s32 $0x9;
	s9 =	ssub.s32 s26, s9;
	s16 =	sadd.s32 $0x1400, s13  }
0x1b: {  	s17 =	sadd.s32 $0x2800, s13;
	s18 =	sadd.s32 $0x3C00, s13;
	s20 =	sadd.s32 $0xA00, s13  }
0x1c: {  	v0 =	vlaneseq.u32;
	s4 =	sadd.s32 $0x1E00, s13;
	s21 =	sadd.s32 $0x3200, s13;
	s22 =	sadd.s32 $0x4600, s13  }
0x1d: {  	v0 =	vmul.u32 $0x80, v0;
	[dreg:$0x10] =	wrdreg s0;
	s0 =	simm.s32 $0x2;
	s24 =	sshrl.u32 s20, $0x3  }
.Ltmp0:
0x1e: {  	v2 =	vimm.f32 $0.0e+00;
	s25 =	sshrl.u32 s4, $0x3;
	[dreg:$0x11] =	wrdreg s24;
	(pc) =	sbr.rel .LBB2_1-.Ltmp0, $4  }
0x1f: {  	v3 =	vor.u32 $0x1, v0;
	v4 =	vor.u32 $0x2, v0;
	v5 =	vor.u32 $0x800, v0;
	s9 =	sshll.u32 s9, $0xD;
	s26 =	sshrl.u32 s21, $0x3;
	[dreg:$0x12] =	wrdreg s25  }
0x20: {  	v6 =	vor.u32 $0x801, v0;
	v7 =	vor.u32 $0x802, v0;
	v8 =	vor.u32 $0x1000, v0;
	s30 =	sshrl.u32 s22, $0x3;
	s21 =	simm.s32 $0x100;
	[dreg:$0x13] =	wrdreg s26  }
0x21: {  	v9 =	vor.u32 $0x1001, v0;
	v10 =	vor.u32 $0x1002, v0;
	v12 =	vor.u32 $0x1800, v0;
	s4 =	simm.s32 $0x0;
	[dreg:$0x14] =	wrdreg s30;
	s25 =	simm.s32 $0xE  }
0x22: {  	v13 =	vor.u32 $0x1801, v0;
	v14 =	vor.u32 $0x1802, v0;
	s26 =	simm.s32 $0x40;
	v1 =	vmov s9;
	s9 =	simm.s32 $0x10;
	s24 =	simm.s32 $0x12100;
	v11 =	vpop (erf)  }
.LBB2_8:
0x23: {  	s1 =	simm.s32 $0xA  }
0x24: {  	_ =	swait.ge [sflag:s1], $0x140  }
0x25: {  	[sflag:s1] =	ssyncset.done $0x0  }
0x26: {  	[sflag:s1] =	ssyncadd.s32 $0xFFFFFEC0  }
0x27: {  	_ =	swait.ge [sflag:s1], $0x140  }
0x28: {  	[sflag:s1] =	ssyncset.done $0x0  }
0x29: {  	[sflag:s1] =	ssyncadd.s32 $0xFFFFFEC0  }
0x2a: {  	_ =	swait.ge [sflag:s6], $0x140  }
0x2b: {  	[sflag:s6] =	ssyncset.done $0x0  }
0x2c: {  	[sflag:s6] =	ssyncadd.s32 $0xFFFFFEC0  }
0x2d: {  	_ =	swait.ge [sflag:s6], $0x140  }
0x2e: {  	[sflag:s6] =	ssyncset.done $0x0  }
0x2f: {  	s23 =	simm.s32 $0xC;
	[sflag:s6] =	ssyncadd.s32 $0xFFFFFEC0  }
0x30: {  	_ =	swait.ge [sflag:s23], $0x140  }
0x31: {  	[sflag:s23] =	ssyncset.done $0x0  }
0x32: {  	[sflag:s23] =	ssyncadd.s32 $0xFFFFFEC0  }
0x33: {  	_ =	swait.ge [sflag:s23], $0x140  }
0x34: {  	[sflag:s23] =	ssyncset.done $0x0  }
0x35: {  	s2 =	simm.s32 $0xD;
	[sflag:s23] =	ssyncadd.s32 $0xFFFFFEC0  }
0x36: {  	_ =	swait.ge [sflag:s2], $0x140  }
0x37: {  	[sflag:s2] =	ssyncset.done $0x0  }
0x38: {  	[sflag:s2] =	ssyncadd.s32 $0xFFFFFEC0  }
0x39: {  	_ =	swait.ge [sflag:s2], $0x140  }
0x3a: {  	s4 =	rddreg [dreg:$0x15]  }
0x3b: {  	s30 =	rddreg [dreg:$0xf];
	s4 =	sadd.s32 $0x1, s4  }
0x3c: {  	p0 =	sne.s32 s4, s30  }
.Ltmp1:
0x3d: {  	_ = 	snop;
	(pc) =	sbr.rel @!p0 .LBB2_9-.Ltmp1, $3  }
0x3e: {  	_ =	sdelay $0x1  }
0x3f: {  	[sflag:s2] =	ssyncset.done $0x0  }
0x40: {  	s21 =	simm.s32 $0x100;
	[sflag:s2] =	ssyncadd.s32 $0xFFFFFEC0  }
.LBB2_1:
0x41: {  	[dreg:$0x15] =	wrdreg s4  }
0x42: {  	s1 =	simm.s32 $0x0;
	s2 =	rddreg [dreg:$0x7]  }
0x43: {  	[tilespmem:s1], [sflag:$0xE] =	stream.linear.gather [hbm4b:s2+s1], $0x100, $0x38;
	[tilespmem:$0x18500] =	vst v63  }
0x44: {  	_ =	swait.ge [sflag:s25], $0x100  }
0x45: {  	[sflag:s25] =	ssyncset.done $0x0  }
0x46: {  	[sflag:s25] =	ssyncadd.s32 $0xFFFFFF00  }
0x47: {  	v15 =	vld [tilespmem:$0x0]  }
0x48: {  	v16 =	vld [tilespmem:$0x10]  }
0x49: {  	v17 =	vld [tilespmem:$0x20]  }
0x4a: {  	v18 =	vld [tilespmem:$0x30];
	_ =	sdelay $0x1  }
0x4b: {  	v15 =	vadd.s32 v1, v15  }
0x4c: {  	[tilespmem:$0x0] =	vst v15;
	v15 =	vadd.s32 v1, v16  }
0x4d: {  	[tilespmem:$0x10] =	vst v15;
	v15 =	vadd.s32 v1, v17  }
0x4e: {  	[tilespmem:$0x20] =	vst v15;
	v15 =	vadd.s32 v1, v18  }
0x4f: {  	s2 =	rddreg [dreg:$0x5];
	[tilespmem:$0x30] =	vst v15  }
0x50: {  	[tilespmem:s28], [sflag:$0x1] =	stream.indirect.gather [hbm4b:s2+s26], $0x80, s1, s26, $0xb8;
	[tilespmem:$0x18500] =	vst v63  }
0x51: {  	_ =	swait.ge [sflag:s5], $0x2000  }
0x52: {  	[sflag:s5] =	ssyncset.done $0x0  }
0x53: {  	s20 =	rddreg [dreg:$0x6];
	[sflag:s5] =	ssyncadd.s32 $0xFFFFE000  }
0x54: {  	[hbm4b:s20+s1] =	stream.linear.scatter [tilespmem:s28], [sflag:$0xE], $0x2000, $0x38;
	[tilespmem:$0x18500] =	vst v63  }
0x55: {  	_ =	swait.ge [sflag:s25], $0x2000  }
0x56: {  	[sflag:s25] =	ssyncset.done $0x0  }
0x57: {  	[sflag:s25] =	ssyncadd.s32 $0xFFFFE000  }
0x58: {  	v15 =	vld [tilespmem:$0x40]  }
0x59: {  	v55 =	vld [tilespmem:$0x50]  }
0x5a: {  	v56 =	vld [tilespmem:$0x60]  }
0x5b: {  	v57 =	vld [tilespmem:$0x70];
	_ =	sdelay $0x1  }
0x5c: {  	v15 =	vadd.s32 v1, v15  }
0x5d: {  	[tilespmem:$0x40] =	vst v15;
	v15 =	vadd.s32 v1, v55  }
0x5e: {  	[tilespmem:$0x50] =	vst v15;
	v15 =	vadd.s32 v1, v56  }
0x5f: {  	[tilespmem:$0x60] =	vst v15;
	v15 =	vadd.s32 v1, v57  }
0x60: {  	[tilespmem:$0x70] =	vst v15  }
0x61: {  	[tilespmem:s28], [sflag:$0x1] =	stream.indirect.gather [hbm4b:s2+s26], $0x80, s26, s26, $0xb8;
	[tilespmem:$0x18500] =	vst v63  }
0x62: {  	_ =	swait.ge [sflag:s5], $0x2000  }
0x63: {  	[sflag:s5] =	ssyncset.done $0x0  }
0x64: {  	s22 =	rddreg [dreg:$0x8];
	[sflag:s5] =	ssyncadd.s32 $0xFFFFE000  }
0x65: {  	[hbm4b:s22+s1] =	stream.linear.scatter [tilespmem:s28], [sflag:$0xE], $0x2000, $0x38;
	[tilespmem:$0x18500] =	vst v63  }
0x66: {  	_ =	swait.ge [sflag:s25], $0x2000  }
0x67: {  	[sflag:s25] =	ssyncset.done $0x0  }
0x68: {  	[sflag:s25] =	ssyncadd.s32 $0xFFFFE000  }
0x69: {  	v15 =	vld [tilespmem:$0x80]  }
0x6a: {  	v58 =	vld [tilespmem:$0x90]  }
0x6b: {  	v59 =	vld [tilespmem:$0xA0]  }
0x6c: {  	v60 =	vld [tilespmem:$0xB0];
	_ =	sdelay $0x1  }
0x6d: {  	v15 =	vadd.s32 v1, v15  }
0x6e: {  	[tilespmem:$0x80] =	vst v15;
	v15 =	vadd.s32 v1, v58  }
0x6f: {  	[tilespmem:$0x90] =	vst v15;
	v15 =	vadd.s32 v1, v59  }
0x70: {  	[tilespmem:$0xA0] =	vst v15;
	v15 =	vadd.s32 v1, v60  }
0x71: {  	[tilespmem:$0xB0] =	vst v15  }
0x72: {  	[tilespmem:s28], [sflag:$0x1] =	stream.indirect.gather [hbm4b:s2+s26], $0x80, s29, s26, $0xb8;
	[tilespmem:$0x18500] =	vst v63  }
0x73: {  	_ =	swait.ge [sflag:s5], $0x2000  }
0x74: {  	[sflag:s5] =	ssyncset.done $0x0  }
0x75: {  	s23 =	rddreg [dreg:$0x9];
	[sflag:s5] =	ssyncadd.s32 $0xFFFFE000  }
0x76: {  	[hbm4b:s23+s1] =	stream.linear.scatter [tilespmem:s28], [sflag:$0xE], $0x2000, $0x38;
	[tilespmem:$0x18500] =	vst v63  }
0x77: {  	_ =	swait.ge [sflag:s25], $0x2000  }
0x78: {  	[sflag:s25] =	ssyncset.done $0x0  }
0x79: {  	[sflag:s25] =	ssyncadd.s32 $0xFFFFE000  }
0x7a: {  	v15 =	vld [tilespmem:$0xC0]  }
0x7b: {  	v61 =	vld [tilespmem:$0xD0]  }
0x7c: {  	v62 =	vld [tilespmem:$0xE0]  }
0x7d: {  	v63 =	vld [tilespmem:$0xF0];
	_ =	sdelay $0x1  }
0x7e: {  	v15 =	vadd.s32 v1, v15  }
0x7f: {  	[tilespmem:$0xC0] =	vst v15;
	v15 =	vadd.s32 v1, v61  }
0x80: {  	[tilespmem:$0xD0] =	vst v15;
	v15 =	vadd.s32 v1, v62  }
0x81: {  	[tilespmem:$0xE0] =	vst v15;
	v15 =	vadd.s32 v1, v63  }
0x82: {  	s30 =	simm.s32 $0xC0;
	[tilespmem:$0xF0] =	vst v15  }
0x83: {  	[tilespmem:s28], [sflag:$0x1] =	stream.indirect.gather [hbm4b:s2+s26], $0x80, s30, s26, $0xb8;
	[tilespmem:$0x18500] =	vst v63  }
0x84: {  	_ =	swait.ge [sflag:s5], $0x2000  }
0x85: {  	[sflag:s5] =	ssyncset.done $0x0  }
0x86: {  	s20 =	rddreg [dreg:$0xa];
	[sflag:s5] =	ssyncadd.s32 $0xFFFFE000  }
0x87: {  	[hbm4b:s20+s1] =	stream.linear.scatter [tilespmem:s28], [sflag:$0xE], $0x2000, $0x38;
	[tilespmem:$0x18500] =	vst v63  }
0x88: {  	_ =	swait.ge [sflag:s25], $0x2000  }
0x89: {  	[sflag:s25] =	ssyncset.done $0x0  }
0x8a: {  	s22 =	rddreg [dreg:$0xb];
	[sflag:s25] =	ssyncadd.s32 $0xFFFFE000  }
0x8b: {  	[tilespmem:s21], [sflag:$0xE] =	stream.linear.gather [hbm4b:s22+s1], $0x2000, $0x38;
	[tilespmem:$0x18500] =	vst v63  }
0x8c: {  	_ =	swait.ge [sflag:s25], $0x2000  }
0x8d: {  	[sflag:s25] =	ssyncset.done $0x0  }
0x8e: {  	s30 =	simm.s32 $0x4100;
	s23 =	rddreg [dreg:$0xc];
	[sflag:s25] =	ssyncadd.s32 $0xFFFFE000  }
0x8f: {  	[tilespmem:s30], [sflag:$0xE] =	stream.linear.gather [hbm4b:s23+s1], $0x2000, $0x38;
	[tilespmem:$0x18500] =	vst v63  }
0x90: {  	_ =	swait.ge [sflag:s25], $0x2000  }
0x91: {  	[sflag:s25] =	ssyncset.done $0x0  }
0x92: {  	s22 =	simm.s32 $0x6100;
	s20 =	rddreg [dreg:$0xd];
	[sflag:s25] =	ssyncadd.s32 $0xFFFFE000  }
0x93: {  	[tilespmem:s22], [sflag:$0xE] =	stream.linear.gather [hbm4b:s20+s1], $0x2000, $0x38;
	[tilespmem:$0x18500] =	vst v63  }
0x94: {  	_ =	swait.ge [sflag:s25], $0x2000  }
0x95: {  	[sflag:s25] =	ssyncset.done $0x0  }
0x96: {  	s30 =	simm.s32 $0x8100;
	s23 =	rddreg [dreg:$0xe];
	[sflag:s25] =	ssyncadd.s32 $0xFFFFE000  }
0x97: {  	[tilespmem:s30], [sflag:$0xE] =	stream.linear.gather [hbm4b:s23+s1], $0x2000, $0x38;
	[tilespmem:$0x18500] =	vst v63  }
0x98: {  	_ =	swait.ge [sflag:s25], $0x2000  }
0x99: {  	[sflag:s25] =	ssyncset.done $0x0  }
0x9a: {  	s2 =	simm.s32 $0x200;
	s1 =	simm.s32 $0x0;
	[sflag:s25] =	ssyncadd.s32 $0xFFFFE000  }
.LBB2_2:
0x9b: {  	p0 =	sne.s32 s2, $0x4E00;
	[tilespmem:s1+$0x12170] =	vst v2  }
0x9c: {  	[tilespmem:s1+$0x12100] =	vst v2  }
0x9d: {  	[tilespmem:s1+$0x12110] =	vst v2  }
.Ltmp2:
0x9e: {  	[tilespmem:s1+$0x12120] =	vst v2;
	(pc) =	sbr.rel @p0 .LBB2_2-.Ltmp2, $4  }
0x9f: {  	[tilespmem:s1+$0x12130] =	vst v2  }
0xa0: {  	[tilespmem:s1+$0x12140] =	vst v2  }
0xa1: {  	[tilespmem:s1+$0x12150] =	vst v2  }
0xa2: {  	[tilespmem:s1+$0x12160] =	vst v2;
	s1 =	sshra.s32 s2, $0x2;
	s2 =	sadd.s32 $0x200, s2  }
0xa3: {  	[tilespmem:s1+$0x12170] =	vst v2  }
0xa4: {  	[tilespmem:s1+$0x12100] =	vst v2  }
0xa5: {  	[tilespmem:s1+$0x12110] =	vst v2  }
0xa6: {  	[tilespmem:s1+$0x12120] =	vst v2  }
0xa7: {  	[tilespmem:s1+$0x12130] =	vst v2  }
0xa8: {  	[tilespmem:s1+$0x12140] =	vst v2  }
0xa9: {  	[tilespmem:s1+$0x12150] =	vst v2  }
0xaa: {  	[tilespmem:s1+$0x12160] =	vst v2;
	s2 =	simm.s32 $0x0  }
0xab: {  	v15 =	vld [tilespmem:s2+$0x100]  }
0xac: {  	v16 =	vld [tilespmem:s2+$0x110]  }
0xad: {  	v17 =	vld [tilespmem:s2+$0x120]  }
0xae: {  	v21 =	vld [tilespmem:s2+$0x6100]  }
0xaf: {  	v22 =	vld [tilespmem:s2+$0x6110]  }
0xb0: {  	v23 =	vld [tilespmem:s2+$0x6120]  }
0xb1: {  	v25 =	vld [tilespmem:s2+$0x6130]  }
0xb2: {  	v18 =	vld [tilespmem:s2+$0x130]  }
0xb3: {  	v19 =	vld [tilespmem:s2+$0x4100]  }
0xb4: {  	v20 =	vld [tilespmem:s2+$0x4110]  }
0xb5: {  	v15 =	vadd.s32 v1, v15;
	v27 =	vadd.f32 $2.000000000e+00, v21;
	v28 =	vadd.f32 $2.000000000e+00, v22  }
0xb6: {  	v17 =	vadd.s32 v1, v17;
	v29 =	vadd.f32 $2.000000000e+00, v23;
	v30 =	vadd.f32 $2.000000000e+00, v25  }
0xb7: {  	v21 =	vmul.f32 v21, v21;
	v25 =	vmul.f32 v25, v25;
	[tilespmem:s2+$0x100] =	vst v15;
	v15 =	vadd.s32 v1, v16  }
0xb8: {  	v16 =	vld [tilespmem:s2+$0x4120];
	[tilespmem:s2+$0x120] =	vst v17;
	v17 =	vadd.s32 v1, v18;
	v18 =	vadd.f32 $2.000000000e+00, v19;
	v19 =	vmul.f32 v19, v19  }
0xb9: {  	[tilespmem:s2+$0x130] =	vst v17;
	v17 =	vadd.f32 $2.000000000e+00, v20;
	v20 =	vmul.f32 v20, v20;
	v27 =	vmul.f32 v27, v11  }
0xba: {  	[tilespmem:s2+$0x110] =	vst v15;
	v15 =	vld [tilespmem:s2+$0x4130];
	v28 =	vmul.f32 v28, v11;
	v29 =	vmul.f32 v29, v11  }
0xbb: {  	v30 =	vmul.f32 v30, v11;
	v18 =	vmul.f32 v18, v11  }
0xbc: {  	v17 =	vmul.f32 v17, v11;
	vm0 =	vgt.f32 v20, $4.000000000e+00;
	v20 =	vmul.f32 $3.990000010e+00, v28  }
0xbd: {  	v18 =	vmul.f32 $3.990000010e+00, v18;
	v24 =	vadd.f32 $2.000000000e+00, v16;
	v16 =	vmul.f32 v16, v16  }
0xbe: {  	vm2 =	vgt.f32 v21, $4.000000000e+00;
	v17 =	vmul.f32 $3.990000010e+00, v17;
	v20 =	vtrunc.f32 v20  }
0xbf: {  	s4 =	simm.s32 $0x40;
	v26 =	vadd.f32 $2.000000000e+00, v15;
	v15 =	vmul.f32 v15, v15;
	v18 =	vtrunc.f32 v18  }
0xc0: {  	vm7 =	vgt.f32 v25, $4.000000000e+00;
	v31 =	vld [tilespmem:s4+$0x4100];
	v20 =	vcvt.f32.s32 v20;
	v24 =	vmul.f32 v24, v11  }
0xc1: {  	v17 =	vtrunc.f32 v17;
	vm4 =	vgt.f32 v16, $4.000000000e+00;
	v16 =	vmul.f32 $3.990000010e+00, v30  }
0xc2: {  	vm1 =	vgt.f32 v19, $4.000000000e+00;
	v18 =	vcvt.f32.s32 v18;
	v26 =	vmul.f32 v26, v11  }
0xc3: {  	vm3 =	vgt.f32 v15, $4.000000000e+00;
	v15 =	vcvt.f32.s32 v17;
	v24 =	vmul.f32 $3.990000010e+00, v24  }
0xc4: {  	vm8 =	vmor vm1, vm2;
	v16 =	vtrunc.f32 v16;
	v26 =	vmul.f32 $3.990000010e+00, v26  }
0xc5: {  	v25 =	vadd.f32 $2.000000000e+00, v31;
	v16 =	vcvt.f32.s32 v16;
	v24 =	vtrunc.f32 v24  }
0xc6: {  	v28 =	vld [tilespmem:s4+$0x110];
	v18 =	vmul.u32 $0x5, v18;
	v19 =	vtrunc.f32 v26;
	v26 =	vmul.f32 $3.990000010e+00, v27  }
0xc7: {  	v15 =	vmul.u32 $0x5, v15;
	v27 =	vmul.f32 $3.990000010e+00, v29;
	v17 =	vcvt.f32.s32 v24;
	v24 =	vld [tilespmem:s4+$0x100]  }
0xc8: {  	vm1 =	vmor vm3, vm7;
	v19 =	vcvt.f32.s32 v19;
	v26 =	vtrunc.f32 v26  }
0xc9: {  	v30 =	vld [tilespmem:s4+$0x130];
	v15 =	vadd.s32 v15, v20;
	v27 =	vtrunc.f32 v27;
	v26 =	vcvt.f32.s32 v26  }
0xca: {  	v29 =	vld [tilespmem:s4+$0x120];
	v20 =	vmul.f32 v22, v22;
	v17 =	vmul.u32 $0x5, v17;
	v27 =	vcvt.f32.s32 v27  }
0xcb: {  	v22 =	vmul.f32 v23, v23;
	v19 =	vmul.u32 $0x5, v19;
	v18 =	vadd.s32 v18, v26;
	v26 =	vld [tilespmem:s4+$0x4110]  }
0xcc: {  	v23 =	vadd.s32 v1, v28;
	v24 =	vadd.s32 v1, v24;
	v17 =	vadd.s32 v17, v27;
	v27 =	vld [tilespmem:s4+$0x4130]  }
0xcd: {  	v21 =	vadd.s32 $0x1, v15;
	vm5 =	vgt.f32 v20, $4.000000000e+00;
	v16 =	vadd.s32 v19, v16;
	[tilespmem:s4+$0x100] =	vst v24;
	v24 =	vld [tilespmem:s4+$0x4120]  }
0xce: {  	vm6 =	vgt.f32 v22, $4.000000000e+00;
	vm2 =	vmor vm0, vm5;
	v20 =	vadd.s32 $0x15, v16;
	v16 =	vld [tilespmem:s4+$0x6110]  }
0xcf: {  	[tilespmem:s4+$0x110] =	vst v23;
	v15 =	vld [tilespmem:s4+$0x6100];
	v22 =	vadd.s32 v1, v29;
	v18 =	vadd.s32 $0x1, v18;
	v19 =	vadd.s32 $0x15, v17  }
0xd0: {  	[tilespmem:s4+$0x120] =	vst v22;
	v17 =	vadd.s32 v1, v30;
	v22 =	vmul.f32 v31, v31;
	v30 =	vsel vm8, $0x0, v18  }
0xd1: {  	[tilespmem:s4+$0x130] =	vst v17;
	v17 =	vld [tilespmem:s4+$0x6120];
	v28 =	vadd.f32 $2.000000000e+00, v26;
	v23 =	vmul.f32 v26, v26;
	v26 =	vmul.f32 v25, v11  }
0xd2: {  	v18 =	vld [tilespmem:s4+$0x6130];
	v31 =	vadd.f32 $2.000000000e+00, v27;
	v25 =	vmul.f32 v27, v27;
	v29 =	vadd.f32 $2.000000000e+00, v24  }
0xd3: {  	v24 =	vmul.f32 v24, v24;
	v33 =	vadd.f32 $2.000000000e+00, v16;
	v28 =	vmul.f32 v28, v11  }
0xd4: {  	v27 =	vmul.f32 $3.990000010e+00, v26;
	v26 =	vadd.f32 $2.000000000e+00, v15;
	v31 =	vmul.f32 v31, v11  }
0xd5: {  	vm0 =	vmor vm4, vm6;
	[tilespmem:s2+$0x2100] =	vst v30;
	v29 =	vmul.f32 v29, v11;
	v30 =	vmul.f32 v33, v11  }
0xd6: {  	v32 =	vadd.f32 $2.000000000e+00, v17;
	v28 =	vmul.f32 $3.990000010e+00, v28;
	v26 =	vmul.f32 v26, v11  }
0xd7: {  	s20 =	simm.s32 $0x200;
	s1 =	simm.s32 $0x300;
	v33 =	vadd.f32 $2.000000000e+00, v18;
	v31 =	vmul.f32 $3.990000010e+00, v31;
	v29 =	vmul.f32 $3.990000010e+00, v29  }
.LBB2_4:
0xd8: {  	p0 =	sne.s32 s1, $0x7F00;
	v27 =	vtrunc.f32 v27;
	vm4 =	vgt.f32 v22, $4.000000000e+00;
	v22 =	vmul.f32 v32, v11  }
0xd9: {  	v28 =	vtrunc.f32 v28;
	vm3 =	vgt.f32 v23, $4.000000000e+00;
	v23 =	vmul.f32 v33, v11  }
0xda: {  	v29 =	vtrunc.f32 v29;
	vm6 =	vgt.f32 v24, $4.000000000e+00;
	v24 =	vtrunc.f32 v31  }
0xdb: {  	v26 =	vmul.f32 $3.990000010e+00, v26;
	vm5 =	vgt.f32 v25, $4.000000000e+00;
	v30 =	vmul.f32 $3.990000010e+00, v30  }
0xdc: {  	v21 =	vsel vm2, $0x0, v21;
	v22 =	vmul.f32 $3.990000010e+00, v22;
	v23 =	vmul.f32 $3.990000010e+00, v23  }
0xdd: {  	v19 =	vsel vm0, $0x14, v19;
	v25 =	vcvt.f32.s32 v27;
	v27 =	vcvt.f32.s32 v28;
	[tilespmem:s2+$0x2110] =	vst v21  }
0xde: {  	v24 =	vcvt.f32.s32 v24;
	v21 =	vcvt.f32.s32 v29;
	[tilespmem:s2+$0x2120] =	vst v19;
	v19 =	vsel vm1, $0x14, v20  }
0xdf: {  	v20 =	vmul.u32 $0x5, v25;
	v25 =	vtrunc.f32 v26;
	v26 =	vtrunc.f32 v30;
	[tilespmem:s2+$0x2130] =	vst v19;
	s2 =	smov.u32 s4  }
0xe0: {  	v22 =	vtrunc.f32 v22;
	v23 =	vtrunc.f32 v23;
	v19 =	vmul.u32 $0x5, v27  }
0xe1: {  	v24 =	vmul.u32 $0x5, v24;
	s4 =	sshra.s32 s20, $0x2;
	v25 =	vcvt.f32.s32 v25;
	v21 =	vmul.u32 $0x5, v21;
	s20 =	smov.u32 s1  }
0xe2: {  	v22 =	vcvt.f32.s32 v22;
	v26 =	vcvt.f32.s32 v26;
	v27 =	vld [tilespmem:s4+$0x100]  }
0xe3: {  	v15 =	vmul.f32 v15, v15;
	v23 =	vcvt.f32.s32 v23;
	v20 =	vadd.s32 v20, v25;
	v28 =	vld [tilespmem:s4+$0x110]  }
0xe4: {  	v16 =	vmul.f32 v16, v16;
	v17 =	vmul.f32 v17, v17;
	v19 =	vadd.s32 v19, v26;
	v25 =	vld [tilespmem:s4+$0x120]  }
0xe5: {  	v18 =	vmul.f32 v18, v18;
	v23 =	vadd.s32 v24, v23;
	v22 =	vadd.s32 v21, v22;
	v26 =	vld [tilespmem:s4+$0x130]  }
0xe6: {  	vm0 =	vgt.f32 v15, $4.000000000e+00;
	vm7 =	vgt.f32 v17, $4.000000000e+00;
	vm1 =	vgt.f32 v16, $4.000000000e+00;
	v24 =	vld [tilespmem:s4+$0x4100]  }
0xe7: {  	vm8 =	vgt.f32 v18, $4.000000000e+00;
	v15 =	vadd.s32 v1, v27;
	v17 =	vld [tilespmem:s4+$0x4110];
	v27 =	vadd.s32 $0x1, v20  }
0xe8: {  	v21 =	vadd.s32 $0x1, v19;
	v19 =	vadd.s32 $0x15, v22;
	[tilespmem:s4+$0x100] =	vst v15;
	v15 =	vadd.s32 v1, v28;
	v18 =	vld [tilespmem:s4+$0x4120]  }
0xe9: {  	vm4 =	vmor vm4, vm0;
	v20 =	vadd.s32 $0x15, v23;
	[tilespmem:s4+$0x110] =	vst v15;
	v16 =	vadd.s32 v1, v25;
	v25 =	vld [tilespmem:s4+$0x4130]  }
0xea: {  	vm0 =	vmor vm6, vm7;
	vm2 =	vmor vm3, vm1;
	v15 =	vld [tilespmem:s4+$0x6100];
	[tilespmem:s4+$0x120] =	vst v16;
	v23 =	vadd.s32 v1, v26  }
0xeb: {  	vm1 =	vmor vm5, vm8;
	v26 =	vadd.f32 $2.000000000e+00, v24;
	v22 =	vmul.f32 v24, v24;
	v16 =	vld [tilespmem:s4+$0x6110];
	[tilespmem:s4+$0x130] =	vst v23  }
0xec: {  	v27 =	vsel vm4, $0x0, v27;
	v28 =	vadd.f32 $2.000000000e+00, v17;
	v23 =	vmul.f32 v17, v17;
	v17 =	vld [tilespmem:s4+$0x6120]  }
0xed: {  	v26 =	vmul.f32 v26, v11;
	v29 =	vadd.f32 $2.000000000e+00, v18;
	v24 =	vmul.f32 v18, v18;
	v18 =	vld [tilespmem:s4+$0x6130];
	[tilespmem:s2+$0x2100] =	vst v27  }
.Ltmp3:
0xee: {  	v28 =	vmul.f32 v28, v11;
	v30 =	vadd.f32 $2.000000000e+00, v25;
	v25 =	vmul.f32 v25, v25;
	(pc) =	sbr.rel @p0 .LBB2_4-.Ltmp3, $4  }
0xef: {  	v27 =	vmul.f32 $3.990000010e+00, v26;
	v26 =	vadd.f32 $2.000000000e+00, v15;
	v29 =	vmul.f32 v29, v11  }
0xf0: {  	v28 =	vmul.f32 $3.990000010e+00, v28;
	v31 =	vadd.f32 $2.000000000e+00, v16;
	v33 =	vmul.f32 v30, v11  }
0xf1: {  	v26 =	vmul.f32 v26, v11;
	v29 =	vmul.f32 $3.990000010e+00, v29;
	v32 =	vadd.f32 $2.000000000e+00, v17  }
0xf2: {  	s1 =	sadd.s32 $0x100, s1;
	v30 =	vmul.f32 v31, v11;
	v31 =	vmul.f32 $3.990000010e+00, v33;
	v33 =	vadd.f32 $2.000000000e+00, v18  }
0xf3: {  	v27 =	vtrunc.f32 v27;
	v49 =	vmul.f32 v32, v11  }
0xf4: {  	v28 =	vtrunc.f32 v28;
	v29 =	vtrunc.f32 v29  }
0xf5: {  	vm3 =	vgt.f32 v22, $4.000000000e+00;
	v26 =	vmul.f32 $3.990000010e+00, v26;
	v15 =	vmul.f32 v15, v15  }
0xf6: {  	vm4 =	vgt.f32 v23, $4.000000000e+00;
	v16 =	vmul.f32 v16, v16;
	v17 =	vmul.f32 v17, v17  }
0xf7: {  	vm5 =	vgt.f32 v24, $4.000000000e+00;
	v18 =	vmul.f32 v18, v18;
	v50 =	vmul.f32 v33, v11  }
0xf8: {  	v21 =	vsel vm2, $0x0, v21;
	v51 =	vtrunc.f32 v31;
	v30 =	vmul.f32 $3.990000010e+00, v30  }
0xf9: {  	v19 =	vsel vm0, $0x14, v19;
	v52 =	vcvt.f32.s32 v27;
	v53 =	vcvt.f32.s32 v28;
	[tilespmem:s2+$0x2110] =	vst v21  }
0xfa: {  	v20 =	vsel vm1, $0x14, v20;
	v54 =	vcvt.f32.s32 v29;
	[tilespmem:s2+$0x2120] =	vst v19;
	v22 =	vmul.f32 $3.990000010e+00, v49  }
0xfb: {  	vm6 =	vgt.f32 v25, $4.000000000e+00;
	s1 =	sshra.s32 s20, $0x2;
	[tilespmem:s2+$0x2130] =	vst v20;
	v24 =	vcvt.f32.s32 v51;
	v26 =	vtrunc.f32 v26  }
0xfc: {  	v61 =	vld [tilespmem:s1+$0x4100];
	vm15 =	vgt.f32 v15, $4.000000000e+00;
	vm12 =	vgt.f32 v16, $4.000000000e+00;
	vm7 =	vgt.f32 v17, $4.000000000e+00  }
0xfd: {  	v62 =	vld [tilespmem:s1+$0x4110];
	vm8 =	vgt.f32 v18, $4.000000000e+00;
	v23 =	vmul.f32 $3.990000010e+00, v50;
	v25 =	vmul.u32 $0x5, v52  }
0xfe: {  	v15 =	vld [tilespmem:s1+$0x4120];
	v55 =	vtrunc.f32 v30;
	v56 =	vmul.u32 $0x5, v53;
	v26 =	vcvt.f32.s32 v26  }
0xff: {  	v35 =	vld [tilespmem:s1+$0x4130];
	v57 =	vmul.u32 $0x5, v54;
	vm0 =	vmor vm3, vm15;
	vm13 =	vmor vm4, vm12  }
0x100: {  	v37 =	vld [tilespmem:s1+$0x6100];
	vm5 =	vmor vm5, vm7;
	v22 =	vtrunc.f32 v22;
	v58 =	vcvt.f32.s32 v55  }
0x101: {  	v39 =	vld [tilespmem:s1+$0x6110];
	vm14 =	vmor vm6, vm8;
	v23 =	vtrunc.f32 v23;
	v59 =	vcvt.f32.s32 v22  }
0x102: {  	v41 =	vld [tilespmem:s1+$0x6120];
	v24 =	vmul.u32 $0x5, v24;
	v60 =	vadd.s32 v25, v26;
	v23 =	vcvt.f32.s32 v23  }
0x103: {  	v44 =	vld [tilespmem:s1+$0x6130];
	v21 =	vadd.s32 v56, v58;
	v63 =	vadd.s32 $0x1, v60;
	v19 =	vadd.s32 v57, v59  }
0x104: {  	v34 =	vld [tilespmem:s1+$0x100];
	v36 =	vadd.s32 $0x1, v21;
	v38 =	vadd.f32 $2.000000000e+00, v61;
	v25 =	vmul.f32 v61, v61  }
0x105: {  	v40 =	vadd.f32 $2.000000000e+00, v62;
	v20 =	vmul.f32 v62, v62;
	v42 =	vadd.f32 $2.000000000e+00, v15  }
0x106: {  	v15 =	vmul.f32 v15, v15;
	v43 =	vadd.f32 $2.000000000e+00, v35;
	v17 =	vmul.f32 v35, v35  }
0x107: {  	v50 =	vld [tilespmem:s1+$0x120];
	v45 =	vadd.f32 $2.000000000e+00, v37;
	v46 =	vadd.f32 $2.000000000e+00, v39;
	v16 =	vsel vm0, $0x0, v63  }
0x108: {  	v47 =	vadd.f32 $2.000000000e+00, v41;
	v49 =	vadd.f32 $2.000000000e+00, v44;
	v21 =	vmul.f32 v37, v37  }
0x109: {  	v34 =	vadd.s32 v1, v34;
	v59 =	vmul.f32 v41, v41;
	v61 =	vmul.f32 v44, v44  }
0x10a: {  	v23 =	vadd.s32 v24, v23;
	v24 =	vmul.f32 v39, v39;
	v22 =	vmul.f32 v38, v11  }
0x10b: {  	v48 =	vld [tilespmem:s1+$0x110];
	v19 =	vadd.s32 $0x15, v19;
	v26 =	vmul.f32 v40, v11;
	v28 =	vmul.f32 v42, v11  }
0x10c: {  	v52 =	vld [tilespmem:s1+$0x130];
	v18 =	vadd.s32 v1, v50;
	v29 =	vmul.f32 v43, v11;
	v31 =	vmul.f32 v45, v11  }
0x10d: {  	v32 =	vmul.f32 v46, v11;
	vm3 =	vgt.f32 v25, $4.000000000e+00;
	vm15 =	vgt.f32 v20, $4.000000000e+00  }
0x10e: {  	vm9 =	vgt.f32 v15, $4.000000000e+00;
	v15 =	vsel vm13, $0x0, v36;
	vm10 =	vgt.f32 v17, $4.000000000e+00  }
0x10f: {  	v51 =	vsel vm5, $0x14, v19;
	v23 =	vadd.s32 $0x15, v23;
	v33 =	vmul.f32 v47, v11  }
0x110: {  	v25 =	vmul.f32 v49, v11;
	v20 =	vadd.s32 v1, v48;
	v22 =	vmul.f32 $3.990000010e+00, v22  }
0x111: {  	v19 =	vadd.s32 v1, v52;
	v26 =	vmul.f32 $3.990000010e+00, v26;
	v28 =	vmul.f32 $3.990000010e+00, v28  }
0x112: {  	vm11 =	vgt.f32 v21, $4.000000000e+00;
	v29 =	vmul.f32 $3.990000010e+00, v29;
	v31 =	vmul.f32 $3.990000010e+00, v31  }
0x113: {  	vm13 =	vgt.f32 v59, $4.000000000e+00;
	v32 =	vmul.f32 $3.990000010e+00, v32;
	v33 =	vmul.f32 $3.990000010e+00, v33  }
0x114: {  	v23 =	vsel vm14, $0x14, v23;
	v25 =	vmul.f32 $3.990000010e+00, v25;
	v22 =	vtrunc.f32 v22  }
0x115: {  	vm12 =	vgt.f32 v24, $4.000000000e+00;
	v26 =	vtrunc.f32 v26;
	v28 =	vtrunc.f32 v28  }
0x116: {  	vm14 =	vgt.f32 v61, $4.000000000e+00;
	v29 =	vtrunc.f32 v29;
	v31 =	vtrunc.f32 v31  }
0x117: {  	[tilespmem:s1+$0x100] =	vst v34;
	vm3 =	vmor vm3, vm11;
	v32 =	vtrunc.f32 v32;
	v33 =	vtrunc.f32 v33  }
0x118: {  	[tilespmem:s1+$0x120] =	vst v18;
	vm1 =	vmor vm9, vm13;
	v25 =	vtrunc.f32 v25;
	v22 =	vcvt.f32.s32 v22  }
0x119: {  	[tilespmem:s1+$0x110] =	vst v20;
	vm0 =	vmor vm15, vm12;
	v26 =	vcvt.f32.s32 v26;
	v28 =	vcvt.f32.s32 v28  }
0x11a: {  	[tilespmem:s1+$0x130] =	vst v19;
	v29 =	vcvt.f32.s32 v29;
	v31 =	vcvt.f32.s32 v31;
	v22 =	vmul.u32 $0x5, v22  }
0x11b: {  	[tilespmem:s4+$0x2100] =	vst v16;
	v54 =	vcvt.f32.s32 v32;
	v55 =	vcvt.f32.s32 v33;
	v26 =	vmul.u32 $0x5, v26  }
0x11c: {  	[tilespmem:s4+$0x2110] =	vst v15;
	v57 =	vcvt.f32.s32 v25;
	v28 =	vmul.u32 $0x5, v28;
	v56 =	vadd.s32 v22, v31  }
0x11d: {  	[tilespmem:s4+$0x2120] =	vst v51;
	v53 =	vmul.u32 $0x5, v29;
	v58 =	vadd.s32 v26, v54;
	v15 =	vadd.s32 $0x1, v56  }
0x11e: {  	[tilespmem:s4+$0x2130] =	vst v23;
	v60 =	vadd.s32 v28, v55;
	v62 =	vadd.s32 $0x1, v58;
	v15 =	vsel vm3, $0x0, v15  }
0x11f: {  	v20 =	vadd.s32 v53, v57;
	v16 =	vadd.s32 $0x15, v60;
	[tilespmem:s1+$0x2100] =	vst v15;
	v15 =	vsel vm0, $0x0, v62  }
0x120: {  	vm15 =	vmor vm10, vm14;
	v63 =	vadd.s32 $0x15, v20;
	[tilespmem:s1+$0x2110] =	vst v15;
	v15 =	vsel vm1, $0x14, v16  }
0x121: {  	[tilespmem:s1+$0x2120] =	vst v15;
	v15 =	vsel vm15, $0x14, v63  }
0x122: {  	s30 =	simm.s32 $0x12100;
	[tilespmem:s1+$0x2130] =	vst v15  }
0x123: {  	[spmem:s13] =	stream.linear.scatter [tilespmem:s30], [sflag:$0x6], $0x1400, $0x38;
	[tilespmem:$0x18500] =	vst v63  }
0x124: {  	_ = 	snop  }
0x125: {  	[spmem:s16] =	stream.linear.scatter [tilespmem:s30], [sflag:$0x7], $0x1400, $0x38;
	[tilespmem:$0x18500] =	vst v63  }
0x126: {  	_ = 	snop  }
0x127: {  	[spmem:s17] =	stream.linear.scatter [tilespmem:s30], [sflag:$0x8], $0x1400, $0x38;
	[tilespmem:$0x18500] =	vst v63  }
0x128: {  	_ = 	snop  }
0x129: {  	[spmem:s18] =	stream.linear.scatter [tilespmem:s30], [sflag:$0x9], $0x1400, $0x38;
	[tilespmem:$0x18500] =	vst v63  }
0x12a: {  	s2 =	simm.s32 $0x0;
	s4 =	rddreg [dreg:$0x10]  }
0x12b: {  	[tilespmem:s28], [sflag:$0x2] =	stream.indirect.gather [hbm4b:s3+s26], $0x80, s21, s26, $0xb8;
	[tilespmem:$0x18500] =	vst v63  }
.LBB2_6:
0x12c: {  	_ =	swait.ge [sflag:s0], $0x2000  }
0x12d: {  	s20 =	sshra.s32 s2, $0x2;
	[sflag:s0] =	ssyncset.done $0x0  }
0x12e: {  	s1 =	sadd.s32 $0x140, s20;
	[sflag:s0] =	ssyncadd.s32 $0xFFFFE000  }
0x12f: {  	[tilespmem:s7], [sflag:$0x3] =	stream.indirect.gather [hbm4b:s3+s26], $0x80, s1, s26, $0xb8;
	[tilespmem:$0x18500] =	vst v63  }
0x130: {  	v15 =	vld [tilespmem:s20+$0x4100];
	_ =	sdelay $0x4  }
0x131: {  	[tilespmem:v0+s28+$0x0] =	vst.idx.add.f32.msk $0xffff, v15  }
0x132: {  	v15 =	vld [tilespmem:s20+$0x6100];
	_ =	sdelay $0x4  }
0x133: {  	[tilespmem:v3+s28+$0x0] =	vst.idx.add.f32.msk $0xffff, v15  }
0x134: {  	v15 =	vld [tilespmem:s20+$0x8100];
	_ =	sdelay $0x4  }
0x135: {  	[tilespmem:v4+s28+$0x0] =	vst.idx.add.f32.msk $0xffff, v15  }
0x136: {  	v15 =	vld [tilespmem:s20+$0x4110];
	_ =	sdelay $0x4  }
0x137: {  	[tilespmem:v5+s28+$0x0] =	vst.idx.add.f32.msk $0xffff, v15  }
0x138: {  	v15 =	vld [tilespmem:s20+$0x6110];
	_ =	sdelay $0x4  }
0x139: {  	[tilespmem:v6+s28+$0x0] =	vst.idx.add.f32.msk $0xffff, v15  }
0x13a: {  	v15 =	vld [tilespmem:s20+$0x8110];
	_ =	sdelay $0x4  }
0x13b: {  	[tilespmem:v7+s28+$0x0] =	vst.idx.add.f32.msk $0xffff, v15  }
0x13c: {  	v15 =	vld [tilespmem:s20+$0x4120];
	_ =	sdelay $0x4  }
0x13d: {  	[tilespmem:v8+s28+$0x0] =	vst.idx.add.f32.msk $0xffff, v15  }
0x13e: {  	v15 =	vld [tilespmem:s20+$0x6120];
	_ =	sdelay $0x4  }
0x13f: {  	[tilespmem:v9+s28+$0x0] =	vst.idx.add.f32.msk $0xffff, v15  }
0x140: {  	v15 =	vld [tilespmem:s20+$0x8120];
	_ =	sdelay $0x4  }
0x141: {  	[tilespmem:v10+s28+$0x0] =	vst.idx.add.f32.msk $0xffff, v15  }
0x142: {  	v15 =	vld [tilespmem:s20+$0x4130];
	_ =	sdelay $0x4  }
0x143: {  	[tilespmem:v12+s28+$0x0] =	vst.idx.add.f32.msk $0xffff, v15  }
0x144: {  	v15 =	vld [tilespmem:s20+$0x6130];
	_ =	sdelay $0x4  }
0x145: {  	[tilespmem:v13+s28+$0x0] =	vst.idx.add.f32.msk $0xffff, v15  }
0x146: {  	v15 =	vld [tilespmem:s20+$0x8130];
	_ =	sdelay $0x4  }
0x147: {  	[tilespmem:v14+s28+$0x0] =	vst.idx.add.f32.msk $0xffff, v15  }
0x148: {  	_ =	swait.ge [sflag:s8], $0x1400  }
0x149: {  	[sflag:s8] =	ssyncset.done $0x0  }
0x14a: {  	s22 =	sadd.s32 $0x2100, s20;
	[sflag:s8] =	ssyncadd.s32 $0xFFFFEC00  }
0x14b: {  	[spmem:s13] =	stream.indirect.scatter.add.f32 [tilespmem:s28], [sflag:$0xE], $0x80, s22, s26, $0xb8;
	[tilespmem:$0x18500] =	vst v63  }
0x14c: {  	s23 =	stileid.u32;
	_ =	swait.ge [sflag:s25], $0x2000  }
0x14d: {  	s30 =	sadd.s32 $0xFFFFFF90, s4;
	s1 =	sshll.u32 s23, $0x6;
	[sflag:s25] =	ssyncset.done $0x0  }
0x14e: {  	s21 =	sor.u32 $0x1C0A, s1;
	s22 =	sshrl.u32 s13, $0x3;
	[sflag:s25] =	ssyncadd.s32 $0xFFFFE000  }
0x14f: {  	[hbm:s30@s29], [sflag:s21] =	dma.strided [spmem:s22@s9], $0x140, s5, $0x10   }
0x150: {  	p0 =	seq.s32 s2, $0x0;
	s30 =	sadd.s32 $0xFFFFFFA0, s4;
	s23 =	rddreg [dreg:$0x11]  }
0x151: {  	[hbm:s30@s29], [sflag:s21] =	dma.strided [spmem:s23@s9], $0x140, s5, $0x10   }
0x152: {  	s21 =	simm.s32 @!p0 $0xC  }
0x153: {  	_ =	swait.ge @!p0 [sflag:s21], $0x140  }
0x154: {  	[sflag:s21] =	ssyncset.done @!p0 $0x0  }
0x155: {  	[sflag:s21] =	ssyncadd.s32 @!p0 $0xFFFFFEC0  }
0x156: {  	_ =	swait.ge @!p0 [sflag:s21], $0x140  }
0x157: {  	[sflag:s21] =	ssyncset.done @!p0 $0x0  }
0x158: {  	[sflag:s21] =	ssyncadd.s32 @!p0 $0xFFFFFEC0;
	s21 =	simm.s32 @!p0 $0x12100  }
0x159: {  	[spmem:s17] =	stream.linear.scatter @!p0 [tilespmem:s21], [sflag:$0x8], $0x1400, $0x38;
	[tilespmem:$0x18500] =	vst v63  }
0x15a: {  	_ =	swait.ge [sflag:s10], $0x2000  }
0x15b: {  	[sflag:s10] =	ssyncset.done $0x0  }
0x15c: {  	s30 =	sadd.s32 $0x180, s20;
	[sflag:s10] =	ssyncadd.s32 $0xFFFFE000  }
0x15d: {  	[tilespmem:s11], [sflag:$0x4] =	stream.indirect.gather [hbm4b:s3+s26], $0x80, s30, s26, $0xb8;
	[tilespmem:$0x18500] =	vst v63  }
0x15e: {  	v15 =	vld [tilespmem:s20+$0x4140];
	_ =	sdelay $0x4  }
0x15f: {  	[tilespmem:v0+s7+$0x0] =	vst.idx.add.f32.msk $0xffff, v15  }
0x160: {  	v15 =	vld [tilespmem:s20+$0x6140];
	_ =	sdelay $0x4  }
0x161: {  	[tilespmem:v3+s7+$0x0] =	vst.idx.add.f32.msk $0xffff, v15  }
0x162: {  	v15 =	vld [tilespmem:s20+$0x8140];
	_ =	sdelay $0x4  }
0x163: {  	[tilespmem:v4+s7+$0x0] =	vst.idx.add.f32.msk $0xffff, v15  }
0x164: {  	v15 =	vld [tilespmem:s20+$0x4150];
	_ =	sdelay $0x4  }
0x165: {  	[tilespmem:v5+s7+$0x0] =	vst.idx.add.f32.msk $0xffff, v15  }
0x166: {  	v15 =	vld [tilespmem:s20+$0x6150];
	_ =	sdelay $0x4  }
0x167: {  	[tilespmem:v6+s7+$0x0] =	vst.idx.add.f32.msk $0xffff, v15  }
0x168: {  	v15 =	vld [tilespmem:s20+$0x8150];
	_ =	sdelay $0x4  }
0x169: {  	[tilespmem:v7+s7+$0x0] =	vst.idx.add.f32.msk $0xffff, v15  }
0x16a: {  	v15 =	vld [tilespmem:s20+$0x4160];
	_ =	sdelay $0x4  }
0x16b: {  	[tilespmem:v8+s7+$0x0] =	vst.idx.add.f32.msk $0xffff, v15  }
0x16c: {  	v15 =	vld [tilespmem:s20+$0x6160];
	_ =	sdelay $0x4  }
0x16d: {  	[tilespmem:v9+s7+$0x0] =	vst.idx.add.f32.msk $0xffff, v15  }
0x16e: {  	v15 =	vld [tilespmem:s20+$0x8160];
	_ =	sdelay $0x4  }
0x16f: {  	[tilespmem:v10+s7+$0x0] =	vst.idx.add.f32.msk $0xffff, v15  }
0x170: {  	v15 =	vld [tilespmem:s20+$0x4170];
	_ =	sdelay $0x4  }
0x171: {  	[tilespmem:v12+s7+$0x0] =	vst.idx.add.f32.msk $0xffff, v15  }
0x172: {  	v15 =	vld [tilespmem:s20+$0x6170];
	_ =	sdelay $0x4  }
0x173: {  	[tilespmem:v13+s7+$0x0] =	vst.idx.add.f32.msk $0xffff, v15  }
0x174: {  	v15 =	vld [tilespmem:s20+$0x8170];
	_ =	sdelay $0x4  }
0x175: {  	[tilespmem:v14+s7+$0x0] =	vst.idx.add.f32.msk $0xffff, v15  }
0x176: {  	_ =	swait.ge [sflag:s12], $0x1400  }
0x177: {  	[sflag:s12] =	ssyncset.done $0x0  }
0x178: {  	s23 =	sadd.s32 $0x2140, s20;
	[sflag:s12] =	ssyncadd.s32 $0xFFFFEC00  }
0x179: {  	[spmem:s16] =	stream.indirect.scatter.add.f32 [tilespmem:s7], [sflag:$0xE], $0x80, s23, s26, $0xb8;
	[tilespmem:$0x18500] =	vst v63  }
0x17a: {  	_ =	swait.ge [sflag:s25], $0x2000  }
0x17b: {  	s22 =	sadd.s32 $0xFFFFFFB0, s4;
	[sflag:s25] =	ssyncset.done $0x0  }
0x17c: {  	s30 =	sor.u32 $0x1C0B, s1;
	s23 =	sshrl.u32 s16, $0x3;
	[sflag:s25] =	ssyncadd.s32 $0xFFFFE000  }
0x17d: {  	[hbm:s22@s29], [sflag:s30] =	dma.strided [spmem:s23@s9], $0x140, s5, $0x10   }
0x17e: {  	s22 =	sadd.s32 $0xFFFFFFC0, s4;
	s23 =	rddreg [dreg:$0x12]  }
0x17f: {  	[hbm:s22@s29], [sflag:s30] =	dma.strided [spmem:s23@s9], $0x140, s5, $0x10   }
0x180: {  	s22 =	simm.s32 @!p0 $0xD  }
0x181: {  	_ =	swait.ge @!p0 [sflag:s22], $0x140  }
0x182: {  	[sflag:s22] =	ssyncset.done @!p0 $0x0  }
0x183: {  	[sflag:s22] =	ssyncadd.s32 @!p0 $0xFFFFFEC0  }
0x184: {  	_ =	swait.ge @!p0 [sflag:s22], $0x140  }
0x185: {  	[sflag:s22] =	ssyncset.done @!p0 $0x0  }
0x186: {  	[sflag:s22] =	ssyncadd.s32 @!p0 $0xFFFFFEC0  }
0x187: {  	[spmem:s18] =	stream.linear.scatter @!p0 [tilespmem:s21], [sflag:$0x9], $0x1400, $0x38;
	[tilespmem:$0x18500] =	vst v63  }
0x188: {  	_ =	swait.ge [sflag:s14], $0x2000  }
0x189: {  	[sflag:s14] =	ssyncset.done $0x0  }
0x18a: {  	s30 =	sadd.s32 $0x1C0, s20;
	[sflag:s14] =	ssyncadd.s32 $0xFFFFE000  }
0x18b: {  	[tilespmem:s15], [sflag:$0x5] =	stream.indirect.gather [hbm4b:s3+s26], $0x80, s30, s26, $0xb8;
	[tilespmem:$0x18500] =	vst v63  }
0x18c: {  	v15 =	vld [tilespmem:s20+$0x4180];
	_ =	sdelay $0x4  }
0x18d: {  	[tilespmem:v0+s11+$0x0] =	vst.idx.add.f32.msk $0xffff, v15  }
0x18e: {  	v15 =	vld [tilespmem:s20+$0x6180];
	_ =	sdelay $0x4  }
0x18f: {  	[tilespmem:v3+s11+$0x0] =	vst.idx.add.f32.msk $0xffff, v15  }
0x190: {  	v15 =	vld [tilespmem:s20+$0x8180];
	_ =	sdelay $0x4  }
0x191: {  	[tilespmem:v4+s11+$0x0] =	vst.idx.add.f32.msk $0xffff, v15  }
0x192: {  	v15 =	vld [tilespmem:s20+$0x4190];
	_ =	sdelay $0x4  }
0x193: {  	[tilespmem:v5+s11+$0x0] =	vst.idx.add.f32.msk $0xffff, v15  }
0x194: {  	v15 =	vld [tilespmem:s20+$0x6190];
	_ =	sdelay $0x4  }
0x195: {  	[tilespmem:v6+s11+$0x0] =	vst.idx.add.f32.msk $0xffff, v15  }
0x196: {  	v15 =	vld [tilespmem:s20+$0x8190];
	_ =	sdelay $0x4  }
0x197: {  	[tilespmem:v7+s11+$0x0] =	vst.idx.add.f32.msk $0xffff, v15  }
0x198: {  	v15 =	vld [tilespmem:s20+$0x41A0];
	_ =	sdelay $0x4  }
0x199: {  	[tilespmem:v8+s11+$0x0] =	vst.idx.add.f32.msk $0xffff, v15  }
0x19a: {  	v15 =	vld [tilespmem:s20+$0x61A0];
	_ =	sdelay $0x4  }
0x19b: {  	[tilespmem:v9+s11+$0x0] =	vst.idx.add.f32.msk $0xffff, v15  }
0x19c: {  	v15 =	vld [tilespmem:s20+$0x81A0];
	_ =	sdelay $0x4  }
0x19d: {  	[tilespmem:v10+s11+$0x0] =	vst.idx.add.f32.msk $0xffff, v15  }
0x19e: {  	v15 =	vld [tilespmem:s20+$0x41B0];
	_ =	sdelay $0x4  }
0x19f: {  	[tilespmem:v12+s11+$0x0] =	vst.idx.add.f32.msk $0xffff, v15  }
0x1a0: {  	v15 =	vld [tilespmem:s20+$0x61B0];
	_ =	sdelay $0x4  }
0x1a1: {  	[tilespmem:v13+s11+$0x0] =	vst.idx.add.f32.msk $0xffff, v15  }
0x1a2: {  	v15 =	vld [tilespmem:s20+$0x81B0];
	_ =	sdelay $0x4  }
0x1a3: {  	[tilespmem:v14+s11+$0x0] =	vst.idx.add.f32.msk $0xffff, v15  }
0x1a4: {  	_ =	swait.ge [sflag:s31], $0x1400  }
0x1a5: {  	[sflag:s31] =	ssyncset.done $0x0  }
0x1a6: {  	s22 =	sadd.s32 $0x2180, s20;
	[sflag:s31] =	ssyncadd.s32 $0xFFFFEC00  }
0x1a7: {  	[spmem:s17] =	stream.indirect.scatter.add.f32 [tilespmem:s11], [sflag:$0xE], $0x80, s22, s26, $0xb8;
	[tilespmem:$0x18500] =	vst v63  }
0x1a8: {  	_ =	swait.ge [sflag:s25], $0x2000  }
0x1a9: {  	s23 =	sadd.s32 $0xFFFFFFD0, s4;
	p0 =	seq.s32 s2, $0x7C00;
	[sflag:s25] =	ssyncset.done $0x0  }
0x1aa: {  	s30 =	sshrl.u32 s17, $0x3;
	s22 =	sor.u32 $0x1C0C, s1;
	[sflag:s25] =	ssyncadd.s32 $0xFFFFE000  }
0x1ab: {  	[hbm:s23@s29], [sflag:s22] =	dma.strided [spmem:s30@s9], $0x140, s5, $0x10   }
0x1ac: {  	s21 =	simm.s32 @p0 $0x5;
	s30 =	sadd.s32 $0xFFFFFFE0, s4;
	s23 =	rddreg [dreg:$0x13]  }
0x1ad: {  	[hbm:s30@s29], [sflag:s22] =	dma.strided [spmem:s23@s9], $0x140, s5, $0x10   }
0x1ae: {  	_ =	swait.ge @p0 [sflag:s21], $0x2000  }
0x1af: {  	[sflag:s21] =	ssyncset.done @p0 $0x0  }
0x1b0: {  	[sflag:s21] =	ssyncadd.s32 @p0 $0xFFFFE000;
	s21 =	simm.s32 @!p0 $0xA  }
0x1b1: {  	_ =	swait.ge @!p0 [sflag:s21], $0x140  }
0x1b2: {  	[sflag:s21] =	ssyncset.done @!p0 $0x0  }
0x1b3: {  	[sflag:s21] =	ssyncadd.s32 @!p0 $0xFFFFFEC0  }
0x1b4: {  	_ =	swait.ge @!p0 [sflag:s21], $0x140  }
0x1b5: {  	[sflag:s21] =	ssyncset.done @!p0 $0x0  }
0x1b6: {  	[sflag:s21] =	ssyncadd.s32 @!p0 $0xFFFFFEC0;
	s21 =	simm.s32 @!p0 $0x12100  }
0x1b7: {  	[spmem:s13] =	stream.linear.scatter @!p0 [tilespmem:s21], [sflag:$0x6], $0x1400, $0x38;
	[tilespmem:$0x18500] =	vst v63  }
0x1b8: {  	s21 =	simm.s32 @!p0 $0x5  }
0x1b9: {  	_ =	swait.ge @!p0 [sflag:s21], $0x2000  }
0x1ba: {  	[sflag:s21] =	ssyncset.done @!p0 $0x0  }
0x1bb: {  	[sflag:s21] =	ssyncadd.s32 @!p0 $0xFFFFE000;
	s21 =	sshra.s32 @!p0 s2, $0x2  }
0x1bc: {  	s22 =	simm.s32 @!p0 $0x40;
	s23 =	simm.s32 @!p0 $0xA100;
	s21 =	sadd.s32 @!p0 $0x200, s21  }
0x1bd: {  	[tilespmem:s23], [sflag:$0x2] =	stream.indirect.gather @!p0 [hbm4b:s3+s22], $0x80, s21, s22, $0xb8;
	[tilespmem:$0x18500] =	vst v63  }
0x1be: {  	v15 =	vld [tilespmem:s20+$0x41C0];
	_ =	sdelay $0x4  }
0x1bf: {  	[tilespmem:v0+s15+$0x0] =	vst.idx.add.f32.msk $0xffff, v15  }
0x1c0: {  	v15 =	vld [tilespmem:s20+$0x61C0];
	_ =	sdelay $0x4  }
0x1c1: {  	[tilespmem:v3+s15+$0x0] =	vst.idx.add.f32.msk $0xffff, v15  }
0x1c2: {  	v15 =	vld [tilespmem:s20+$0x81C0];
	_ =	sdelay $0x4  }
0x1c3: {  	[tilespmem:v4+s15+$0x0] =	vst.idx.add.f32.msk $0xffff, v15  }
0x1c4: {  	v15 =	vld [tilespmem:s20+$0x41D0];
	_ =	sdelay $0x4  }
0x1c5: {  	[tilespmem:v5+s15+$0x0] =	vst.idx.add.f32.msk $0xffff, v15  }
0x1c6: {  	v15 =	vld [tilespmem:s20+$0x61D0];
	_ =	sdelay $0x4  }
0x1c7: {  	[tilespmem:v6+s15+$0x0] =	vst.idx.add.f32.msk $0xffff, v15  }
0x1c8: {  	v15 =	vld [tilespmem:s20+$0x81D0];
	_ =	sdelay $0x4  }
0x1c9: {  	[tilespmem:v7+s15+$0x0] =	vst.idx.add.f32.msk $0xffff, v15  }
0x1ca: {  	v15 =	vld [tilespmem:s20+$0x41E0];
	_ =	sdelay $0x4  }
0x1cb: {  	[tilespmem:v8+s15+$0x0] =	vst.idx.add.f32.msk $0xffff, v15  }
0x1cc: {  	v15 =	vld [tilespmem:s20+$0x61E0];
	_ =	sdelay $0x4  }
0x1cd: {  	[tilespmem:v9+s15+$0x0] =	vst.idx.add.f32.msk $0xffff, v15  }
0x1ce: {  	v15 =	vld [tilespmem:s20+$0x81E0];
	_ =	sdelay $0x4  }
0x1cf: {  	[tilespmem:v10+s15+$0x0] =	vst.idx.add.f32.msk $0xffff, v15  }
0x1d0: {  	v15 =	vld [tilespmem:s20+$0x41F0];
	_ =	sdelay $0x4  }
0x1d1: {  	[tilespmem:v12+s15+$0x0] =	vst.idx.add.f32.msk $0xffff, v15  }
0x1d2: {  	v15 =	vld [tilespmem:s20+$0x61F0];
	_ =	sdelay $0x4  }
0x1d3: {  	[tilespmem:v13+s15+$0x0] =	vst.idx.add.f32.msk $0xffff, v15  }
0x1d4: {  	v15 =	vld [tilespmem:s20+$0x81F0];
	_ =	sdelay $0x4  }
0x1d5: {  	[tilespmem:v14+s15+$0x0] =	vst.idx.add.f32.msk $0xffff, v15  }
0x1d6: {  	_ =	swait.ge [sflag:s19], $0x1400  }
0x1d7: {  	[sflag:s19] =	ssyncset.done $0x0  }
0x1d8: {  	s20 =	sadd.s32 $0x21C0, s20;
	[sflag:s19] =	ssyncadd.s32 $0xFFFFEC00  }
0x1d9: {  	[spmem:s18] =	stream.indirect.scatter.add.f32 [tilespmem:s15], [sflag:$0xE], $0x80, s20, s26, $0xb8;
	[tilespmem:$0x18500] =	vst v63  }
0x1da: {  	_ =	swait.ge [sflag:s25], $0x2000  }
.Ltmp4:
0x1db: {  	s1 =	sor.u32 $0x1C0D, s1;
	[sflag:s25] =	ssyncset.done $0x0;
	(pc) =	sbr.rel @p0 .LBB2_8-.Ltmp4, $4  }
0x1dc: {  	s30 =	sshrl.u32 s18, $0x3;
	s23 =	sadd.s32 $0xFFFFFFF0, s4;
	[sflag:s25] =	ssyncadd.s32 $0xFFFFE000  }
0x1dd: {  	[hbm:s23@s29], [sflag:s1] =	dma.strided [spmem:s30@s9], $0x140, s5, $0x10   }
0x1de: {  	s20 =	rddreg [dreg:$0x14]  }
0x1df: {  	[hbm:s4@s29], [sflag:s1] =	dma.strided [spmem:s20@s9], $0x140, s5, $0x10   }
0x1e0: {  	_ =	swait.ge [sflag:s6], $0x140  }
0x1e1: {  	[sflag:s6] =	ssyncset.done $0x0  }
.Ltmp5:
0x1e2: {  	[sflag:s6] =	ssyncadd.s32 $0xFFFFFEC0;
	(pc) =	sbr.rel .LBB2_6-.Ltmp5, $4  }
0x1e3: {  	_ =	swait.ge [sflag:s6], $0x140  }
0x1e4: {  	[sflag:s6] =	ssyncset.done $0x0  }
0x1e5: {  	s2 =	sadd.s32 $0x400, s2;
	s4 =	sadd.s32 $0xA00, s4;
	[sflag:s6] =	ssyncadd.s32 $0xFFFFFEC0  }
0x1e6: {  	[spmem:s16] =	stream.linear.scatter [tilespmem:s24], [sflag:$0x7], $0x1400, $0x38;
	[tilespmem:$0x18500] =	vst v63  }
.LBB2_9:
0x1e7: {  	_ =	sfence.sel $0x180000  }
0x1e8: {  	[bflag:$0x0] =	sbarrier.arrive $0xFFFF  }
0x1e9: {  	_ =	strace $0x90000047  }
0x1ea: {  	s0 =	stileid.u32;
	[bflag:$0x2] =	sbarrier.arrive $0xFFFF  }
0x1eb: {  	p0 =	sne.s32 s0, $0x0;
	s0 =	rddreg [dreg:$0x4]  }
0x1ec: {  	s0 =	sadd.s32 @!p0 $0x100000, s0  }
0x1ed: {  	[sflag:s0] =	ssyncadd.tile.s32 @!p0 $0x1;
	_ =	shalt  }
.Lfunc_end2:
_tile_overlayer_lowered:
.L_overlay_start_2:
0x1ee: {  	(tag) =	ssettag $0x2  }
0x1ef: {  	s0 =	rddreg [dreg:$0x0];
	s2 =	stileid.u32  }
0x1f0: {  	s1 =	rddreg [dreg:$0x1];
	p0 =	sne.s32 s2, $0x0  }
0x1f1: {  	s3 =	rddreg [dreg:$0x2];
	[bflag:$0x3] =	sbarrier.arrive $0xFFFF;
	s2 =	simm.s32 @!p0 $0x1C0E  }
0x1f2: {  	[timem:s3], [sflag:s2] =	dma.local @!p0 [hbm:s0], s1  }
0x1f3: {  	s0 =	simm.s32 @!p0 $0xE  }
0x1f4: {  	_ =	swait.ge @!p0 [sflag:s0], s1  }
0x1f5: {  	s1 =	ssub.s32 @!p0 $0x0, s1;
	[sflag:s0] =	ssyncset.done @!p0 $0x0  }
0x1f6: {  	[sflag:s0] =	ssyncadd.s32 @!p0 s1  }
0x1f7: {  	[bflag:$0x3] =	sbarrier.arrive $0xFFFF  }
0x1f8: {  	_ =	shalt  }

</sc_bundles>
